<compile_context>
chip_gen: v7x
topology: tpu7x:2x2x1
jax: 0.10.2.dev20260603
libtpu: 0.0.44.dev20260713+nightly
codegen_flags: <defaults>
</compile_context>

<pallas_src>
import functools

import jax
import jax.numpy as jnp
from jax import lax
from jax.experimental import pallas as pl
from jax.experimental.pallas import tpu as pltpu
from jax.experimental.pallas import tpu_sc as plsc

NC, NS, LANES = 2, 16, 16
NW = NC * NS
N_NODES = 10000
N_EDGES = 320000
EPT = N_EDGES // NW
BLK = 80
NBLK = EPT // BLK
NPAD = 10240
ROWS_PER_TILE = NPAD // NS

_MESH = plsc.VectorSubcoreMesh(core_axis_name="c", subcore_axis_name="s")

_GATHER_DNUMS = lax.GatherDimensionNumbers(
    offset_dims=(), collapsed_slice_dims=(0,), start_index_map=(0,))


def _gather_vec(v, idx):
    return lax.gather(v, idx[:, None], _GATHER_DNUMS, (1,),
                      mode=lax.GatherScatterMode.PROMISE_IN_BOUNDS)


def _bcast_lane(v, lane):
    return _gather_vec(v, jnp.full((LANES,), lane, dtype=jnp.int32))


def _leaky(a):
    return jnp.where(a >= 0, a, 0.2 * a)




def _tc_a_body(x_ref, w_ref, asrc_ref, adst_ref, h1p_ref, a1_ref):
    h = jnp.dot(x_ref[...], w_ref[...], preferred_element_type=jnp.float32)
    r = h.shape[0]
    h3 = h.reshape(r, 8, 64)
    h1p_ref[...] = jnp.transpose(h.reshape(r, 4, 128), (1, 0, 2))
    a_s = (h3 * asrc_ref[...]).sum(-1)
    a_d = (h3 * adst_ref[...]).sum(-1)
    a1_ref[...] = jnp.concatenate(
        [a_s, a_d, jnp.zeros((r, 112), jnp.float32)], axis=1)


def _tc_a(x, W1, att_src1, att_dst1, block_rows=1000):
    grid = (N_NODES // block_rows,)
    return pl.pallas_call(
        _tc_a_body,
        grid=grid,
        in_specs=[
            pl.BlockSpec((block_rows, 128), lambda i: (i, 0)),
            pl.BlockSpec((128, 512), lambda i: (0, 0)),
            pl.BlockSpec((1, 8, 64), lambda i: (0, 0, 0)),
            pl.BlockSpec((1, 8, 64), lambda i: (0, 0, 0)),
        ],
        out_specs=[
            pl.BlockSpec((4, block_rows, 128), lambda i: (0, i, 0)),
            pl.BlockSpec((block_rows, 128), lambda i: (i, 0)),
        ],
        out_shape=[
            jax.ShapeDtypeStruct((4, N_NODES, 128), jnp.float32),
            jax.ShapeDtypeStruct((N_NODES, 128), jnp.float32),
        ],
    )(x, W1, att_src1, att_dst1)


def _tc_c_body(p1_ref, d1_ref, a1_ref, h1p_ref, w2_ref, b1_ref,
               asrc2_ref, adst2_ref, h2e_ref, a2_ref):
    a1 = a1_ref[...]
    e1 = jnp.exp(_leaky(a1[:, :8] + a1[:, 8:16]))
    den = d1_ref[0, :, :8] + d1_ref[1, :, :8] + e1
    r = a1.shape[0]
    outs = []
    for h in range(8):
        p, q = h // 2, (h % 2) * 64
        num_h = (p1_ref[0, p, :, q:q + 64] + p1_ref[1, p, :, q:q + 64]
                 + e1[:, h:h + 1] * h1p_ref[p, :, q:q + 64])
        outs.append(num_h / den[:, h:h + 1])
    g = jnp.concatenate(outs, axis=1) + b1_ref[...]
    g = jnp.where(g > 0, g, jnp.exp(jnp.minimum(g, 0.0)) - 1.0)
    h2 = jnp.dot(g, w2_ref[...], preferred_element_type=jnp.float32)
    h2e = jnp.concatenate(
        [h2, jnp.ones((r, 1), jnp.float32), jnp.zeros((r, 87), jnp.float32)],
        axis=1)
    h2e_ref[...] = h2e
    as2 = (h2 * asrc2_ref[...]).sum(-1)
    ad2 = (h2 * adst2_ref[...]).sum(-1)
    a2_ref[...] = jnp.concatenate(
        [as2[:, None], ad2[:, None], jnp.zeros((r, 6), jnp.float32)], axis=1)


def _tc_c(P1, D1, A1, h1T, W2, b1, att_src2, att_dst2, block_rows=1000):
    grid = (N_NODES // block_rows,)
    return pl.pallas_call(
        _tc_c_body,
        grid=grid,
        in_specs=[
            pl.BlockSpec((2, 4, block_rows, 128), lambda i: (0, 0, i, 0)),
            pl.BlockSpec((2, block_rows, 128), lambda i: (0, i, 0)),
            pl.BlockSpec((block_rows, 128), lambda i: (i, 0)),
            pl.BlockSpec((4, block_rows, 128), lambda i: (0, i, 0)),
            pl.BlockSpec((512, 40), lambda i: (0, 0)),
            pl.BlockSpec((1, 512), lambda i: (0, 0)),
            pl.BlockSpec((1, 40), lambda i: (0, 0)),
            pl.BlockSpec((1, 40), lambda i: (0, 0)),
        ],
        out_specs=[
            pl.BlockSpec((block_rows, 128), lambda i: (i, 0)),
            pl.BlockSpec((block_rows, 8), lambda i: (i, 0)),
        ],
        out_shape=[
            jax.ShapeDtypeStruct((N_NODES, 128), jnp.float32),
            jax.ShapeDtypeStruct((N_NODES, 8), jnp.float32),
        ],
    )(P1, D1, A1, h1T, W2, b1, att_src2, att_dst2)


def _tc_e_body(p2_ref, h2e_ref, a2_ref, b2_ref, out_ref):
    a2 = a2_ref[...]
    e2 = jnp.exp(_leaky(a2[:, 0] + a2[:, 1]))
    num = p2_ref[0] + p2_ref[1] + e2[:, None] * h2e_ref[...]
    out = num[:, :40] / num[:, 40:41] + b2_ref[...]
    out = out - jax.scipy.special.logsumexp(out, axis=-1, keepdims=True)
    out_ref[...] = out


def _tc_e(P2, h2e, A2, b2, block_rows=1000):
    grid = (N_NODES // block_rows,)
    return pl.pallas_call(
        _tc_e_body,
        grid=grid,
        in_specs=[
            pl.BlockSpec((2, block_rows, 128), lambda i: (0, i, 0)),
            pl.BlockSpec((block_rows, 128), lambda i: (i, 0)),
            pl.BlockSpec((block_rows, 8), lambda i: (i, 0)),
            pl.BlockSpec((1, 40), lambda i: (0, 0)),
        ],
        out_specs=pl.BlockSpec((block_rows, 40), lambda i: (i, 0)),
        out_shape=jax.ShapeDtypeStruct((N_NODES, 40), jnp.float32),
    )(P2, h2e, A2, b2)



def _sc_l1_body(h1f_hbm, a1_hbm, src_hbm, dst_hbm, z_hbm,
                p1_hbm, d1_hbm, w_hbm,
                sa, da, wpad, rows, wblk, idx_s, idx_d, idx_g,
                num_sh, gsem, gsem2, wsem):
    cid = lax.axis_index("c")
    sid = lax.axis_index("s")
    wid = sid * NC + cid
    ebase = pl.multiple_of(wid * EPT, 8)
    rbase = pl.multiple_of(sid * ROWS_PER_TILE, 8)
    rows_slice = pl.ds(rbase, ROWS_PER_TILE)

    pltpu.sync_copy(z_hbm.at[rows_slice], num_sh.at[rows_slice])
    pltpu.sync_copy(z_hbm.at[pl.ds(0, BLK)], wpad)
    plsc.subcore_barrier()

    lanes = lax.iota(jnp.int32, LANES)
    perm_hi = (lanes % 8) + 8
    lane8 = lanes < 8

    def blk_w(b, c):
        base = pl.multiple_of(ebase + b * BLK, 8)
        c1 = pltpu.async_copy(src_hbm.at[pl.ds(base, BLK)], idx_s, gsem)
        c2 = pltpu.async_copy(dst_hbm.at[pl.ds(base, BLK)], idx_d, gsem2)
        c1.wait()
        c2.wait()
        c1 = pltpu.async_copy(a1_hbm.at[idx_s], sa, gsem)
        c2 = pltpu.async_copy(a1_hbm.at[idx_d], da, gsem2)
        c1.wait()
        c2.wait()

        def edge(e, c2):
            srow = sa[e, pl.ds(0, LANES)]
            drow = da[e, pl.ds(0, LANES)]
            dperm = _gather_vec(drow, perm_hi)
            w = jnp.exp(_leaky(srow + dperm))
            wm = jnp.where(lane8, w, 0.0)
            wpad[e, pl.ds(0, LANES)] = wm
            plsc.store_compressed(wblk.at[pl.ds(e * 8, LANES)], w,
                                  mask=lane8)
            return c2

        lax.fori_loop(0, BLK, edge, 0, unroll=False)
        pltpu.sync_copy(wpad, num_sh.at[idx_d], add=True)
        pltpu.sync_copy(wblk.at[pl.ds(0, BLK * 8)],
                        w_hbm.at[pl.ds(pl.multiple_of(base * 8, 8), BLK * 8)])
        return c

    lax.fori_loop(0, NBLK, blk_w, 0, unroll=False)
    plsc.subcore_barrier()
    pltpu.sync_copy(num_sh.at[rows_slice], d1_hbm.at[cid].at[rows_slice])
    pltpu.sync_copy(z_hbm.at[rows_slice], num_sh.at[rows_slice])
    plsc.subcore_barrier()

    for p in range(4):
        def blk_p(b, c, p=p):
            base = pl.multiple_of(ebase + b * BLK, 8)
            c1 = pltpu.async_copy(src_hbm.at[pl.ds(base, BLK)], idx_s, gsem)
            c2 = pltpu.async_copy(dst_hbm.at[pl.ds(base, BLK)], idx_d, gsem2)
            c3 = pltpu.async_copy(
                w_hbm.at[pl.ds(pl.multiple_of(base * 8, 8), BLK * 8)],
                wblk.at[pl.ds(0, BLK * 8)], wsem)
            c1.wait()

            def grp(g, c2_):
                v = idx_s[pl.ds(g * LANES, LANES)]
                idx_g[pl.ds(g * LANES, LANES)] = v + p * N_NODES
                return c2_

            lax.fori_loop(0, BLK // LANES, grp, 0, unroll=False)
            pltpu.async_copy(h1f_hbm.at[idx_g], rows, gsem).wait()
            c2.wait()
            c3.wait()

            def edge(e, c2):
                wv = wblk[pl.ds(e * 8, LANES)]
                w_a = _bcast_lane(wv, 2 * p)
                w_b = _bcast_lane(wv, 2 * p + 1)
                for k in range(4):
                    rows[e, pl.ds(k * LANES, LANES)] = (
                        rows[e, pl.ds(k * LANES, LANES)] * w_a)
                for k in range(4, 8):
                    rows[e, pl.ds(k * LANES, LANES)] = (
                        rows[e, pl.ds(k * LANES, LANES)] * w_b)
                return c2

            lax.fori_loop(0, BLK, edge, 0, unroll=False)
            pltpu.sync_copy(rows, num_sh.at[idx_d], add=True)
            return c

        lax.fori_loop(0, NBLK, blk_p, 0, unroll=False)
        plsc.subcore_barrier()
        pltpu.sync_copy(num_sh.at[rows_slice],
                        p1_hbm.at[cid * 4 + p].at[rows_slice])
        if p < 3:
            pltpu.sync_copy(z_hbm.at[rows_slice], num_sh.at[rows_slice])
        plsc.subcore_barrier()


def _sc_l1(h1p, A1p, src, dst, z128):
    f = pl.kernel(
        _sc_l1_body,
        out_type=[
            jax.ShapeDtypeStruct((NC * 4, NPAD, 128), jnp.float32),
            jax.ShapeDtypeStruct((NC, NPAD, 128), jnp.float32),
            jax.ShapeDtypeStruct((N_EDGES * 8,), jnp.float32),
        ],
        mesh=_MESH,
        compiler_params=pltpu.CompilerParams(needs_layout_passes=False),
        scratch_types=[
            pltpu.VMEM((BLK, 128), jnp.float32),
            pltpu.VMEM((BLK, 128), jnp.float32),
            pltpu.VMEM((BLK, 128), jnp.float32),
            pltpu.VMEM((BLK, 128), jnp.float32),
            pltpu.VMEM((BLK * 8 + 8, ), jnp.float32),
            pltpu.VMEM((BLK,), jnp.int32),
            pltpu.VMEM((BLK,), jnp.int32),
            pltpu.VMEM((BLK,), jnp.int32),
            pltpu.VMEM_SHARED((NPAD, 128), jnp.float32),
            pltpu.SemaphoreType.DMA,
            pltpu.SemaphoreType.DMA,
            pltpu.SemaphoreType.DMA,
        ],
    )
    return f(h1p.reshape(4 * N_NODES, 128), A1p, src, dst, z128)




def _sc_l2_body(h2e_hbm, src_hbm, dst_hbm, a2_hbm, z_hbm, out_hbm,
                a2_v, idx_s, idx_d, rows, num_sh, gsem):
    cid = lax.axis_index("c")
    sid = lax.axis_index("s")
    wid = sid * NC + cid
    ebase = pl.multiple_of(wid * EPT, 8)
    rbase = pl.multiple_of(sid * ROWS_PER_TILE, 8)

    pltpu.sync_copy(z_hbm.at[pl.ds(rbase, ROWS_PER_TILE)],
                    num_sh.at[pl.ds(rbase, ROWS_PER_TILE)])
    pltpu.sync_copy(a2_hbm, a2_v)
    plsc.subcore_barrier()

    def block(b, carry):
        base = pl.multiple_of(ebase + b * BLK, 8)
        pltpu.sync_copy(src_hbm.at[pl.ds(base, BLK)], idx_s)
        pltpu.sync_copy(dst_hbm.at[pl.ds(base, BLK)], idx_d)
        pltpu.async_copy(h2e_hbm.at[idx_s], rows, gsem).wait()

        def group(g, carry2):
            sv = idx_s[pl.ds(g * LANES, LANES)]
            dv = idx_d[pl.ds(g * LANES, LANES)]
            s = plsc.load_gather(a2_v, [sv * 2])
            d = plsc.load_gather(a2_v, [dv * 2 + 1])
            w = jnp.exp(_leaky(s + d))
            for j in range(LANES):
                wj = _bcast_lane(w, j)
                e = g * LANES + j
                for k in range(3):
                    rows[e, pl.ds(k * LANES, LANES)] = (
                        rows[e, pl.ds(k * LANES, LANES)] * wj)
            return carry2

        lax.fori_loop(0, BLK // LANES, group, 0, unroll=False)
        pltpu.sync_copy(rows, num_sh.at[idx_d], add=True)
        return carry

    lax.fori_loop(0, NBLK, block, 0, unroll=False)
    plsc.subcore_barrier()
    pltpu.sync_copy(num_sh.at[pl.ds(rbase, ROWS_PER_TILE)],
                    out_hbm.at[cid].at[pl.ds(rbase, ROWS_PER_TILE)])


def _sc_l2(h2e, src, dst, A2, z128):
    f = pl.kernel(
        _sc_l2_body,
        out_type=jax.ShapeDtypeStruct((NC, NPAD, 128), jnp.float32),
        mesh=_MESH,
        compiler_params=pltpu.CompilerParams(needs_layout_passes=False),
        scratch_types=[
            pltpu.VMEM((N_NODES * 2,), jnp.float32),
            pltpu.VMEM((BLK,), jnp.int32),
            pltpu.VMEM((BLK,), jnp.int32),
            pltpu.VMEM((BLK, 128), jnp.float32),
            pltpu.VMEM_SHARED((NPAD, 128), jnp.float32),
            pltpu.SemaphoreType.DMA,
        ],
    )
    return f(h2e, src, dst, A2[:, :2].reshape(-1), z128)




def kernel(x, edge_index, W1, att_src1, att_dst1, b1, W2, att_src2,
           att_dst2, b2):
    src = edge_index[0]
    dst = edge_index[1]

    h1p, A1p = _tc_a(x, W1, att_src1, att_dst1)

    z128 = jnp.zeros((NPAD, 128), jnp.float32)
    P1, D1, _ = _sc_l1(h1p, A1p, src, dst, z128)
    P1 = P1.reshape(2, 4, NPAD, 128)[:, :, :N_NODES]
    D1 = D1[:, :N_NODES]

    h2e, A2 = _tc_c(P1, D1, A1p, h1p, W2, b1.reshape(1, 512),
                    att_src2.reshape(1, 40), att_dst2.reshape(1, 40))

    P2 = _sc_l2(h2e, src, dst, A2, z128)[:, :N_NODES]

    return _tc_e(P2, h2e, A2, b2.reshape(1, 40))

# --- scband reference (transcript-rebuilt; emitter-appended) ---
"""Pipeline reference for scband-gat-16080357556339 (READ-ONLY COPY).

The authoritative reference and input builder live on the scoring server;
editing this copy changes nothing except your own understanding.
"""

import jax, jax.numpy as jnp
import numpy as np


def gat_conv(x, edge_index, W, att_src, att_dst, bias, heads, out_ch, concat):
    # Faithful PyG GATConv (eval mode: attention dropout is identity).
    N = x.shape[0]
    h = (x @ W).reshape(N, heads, out_ch)
    alpha_src = (h * att_src).sum(-1)  # [N, H]
    alpha_dst = (h * att_dst).sum(-1)  # [N, H]
    # add self loops (PyG default add_self_loops=True)
    loop = jnp.arange(N, dtype=edge_index.dtype)
    src = jnp.concatenate([edge_index[0], loop])
    dst = jnp.concatenate([edge_index[1], loop])
    a = jax.nn.leaky_relu(alpha_src[src] + alpha_dst[dst], 0.2)  # [E+N, H]
    # softmax over incoming edges per destination node
    a_max = jax.ops.segment_max(a, dst, num_segments=N)
    a_max = jnp.where(jnp.isfinite(a_max), a_max, 0.0)
    e = jnp.exp(a - a_max[dst])
    denom = jax.ops.segment_sum(e, dst, num_segments=N)
    alpha = e / (denom[dst] + 1e-16)
    msg = h[src] * alpha[:, :, None]
    out = jax.ops.segment_sum(msg, dst, num_segments=N)  # [N, H, C]
    if concat:
        out = out.reshape(N, heads * out_ch)
    else:
        out = out.mean(axis=1)
    return out + bias


def setup_inputs(seed: int = 0):
    key = jax.random.key(seed)
    ks = jax.random.split(key, 10)
    N, E = 10000, 320000
    nfeat, nhid, heads, nclass = 128, 64, 8, 40
    x = jax.random.normal(ks[0], (N, nfeat), dtype=jnp.float32)
    edge_index = jax.random.randint(ks[1], (2, E), 0, N, dtype=jnp.int32)
    W1 = jax.random.normal(ks[2], (nfeat, heads * nhid), dtype=jnp.float32) * 0.1
    att_src1 = jax.random.normal(ks[3], (1, heads, nhid), dtype=jnp.float32) * 0.1
    att_dst1 = jax.random.normal(ks[4], (1, heads, nhid), dtype=jnp.float32) * 0.1
    b1 = jnp.zeros((heads * nhid,), dtype=jnp.float32)
    W2 = jax.random.normal(ks[5], (heads * nhid, nclass), dtype=jnp.float32) * 0.1
    att_src2 = jax.random.normal(ks[6], (1, 1, nclass), dtype=jnp.float32) * 0.1
    att_dst2 = jax.random.normal(ks[7], (1, 1, nclass), dtype=jnp.float32) * 0.1
    b2 = jnp.zeros((nclass,), dtype=jnp.float32)
    return {"x": x, "edge_index": edge_index, "W1": W1, "att_src1": att_src1,
            "att_dst1": att_dst1, "b1": b1, "W2": W2, "att_src2": att_src2,
            "att_dst2": att_dst2, "b2": b2}


def reference(x, edge_index, W1, att_src1, att_dst1, b1, W2, att_src2, att_dst2, b2):
    # eval mode: F.dropout is identity
    h = jax.nn.elu(gat_conv(x, edge_index, W1, att_src1, att_dst1, b1, 8, 64, True))
    out = gat_conv(h, edge_index, W2, att_src2, att_dst2, b2, 1, 40, False)
    return jax.nn.log_softmax(out, axis=-1)

if __name__ == "__main__":
    import jax
    _d = setup_inputs()
    print(jax.jit(kernel)(*tuple(_d.values())))

</pallas_src>

<mosaic_0001>
#map = affine_map<(d0, d1) -> (0, 0)>
#map1 = affine_map<(d0, d1) -> (0)>
#map2 = affine_map<(d0, d1) -> (0, 0, 0)>
module attributes {stable_mosaic.version = 14 : i64} {
  func.func @_sc_l2_body(%arg0: i32, %arg1: i32, %arg2: memref<10000x128xf32, #tpu.memory_space<hbm>>, %arg3: memref<320000xi32, #tpu.memory_space<hbm>>, %arg4: memref<320000xi32, #tpu.memory_space<hbm>>, %arg5: memref<20000xf32, #tpu.memory_space<hbm>>, %arg6: memref<10240x128xf32, #tpu.memory_space<hbm>>, %arg7: memref<2x10240x128xf32, #tpu.memory_space<hbm>>, %arg8: memref<20000xf32, #tpu.memory_space<vmem>>, %arg9: memref<80xi32, #tpu.memory_space<vmem>>, %arg10: memref<80xi32, #tpu.memory_space<vmem>>, %arg11: memref<80x128xf32, #tpu.memory_space<vmem>>, %arg12: memref<10240x128xf32, #tpu.memory_space<vmem_shared>>, %arg13: memref<!tpu.dma_semaphore, #tpu.memory_space<semaphore_mem>>) attributes {dimension_semantics = [#tpu.dimension_semantics<core_parallel>, #tpu.dimension_semantics<subcore_parallel>], iteration_bounds = array<i64: 2, 16>, scalar_prefetch = 0 : i64, scratch_operands = 6 : i64, tpu.core_type = #tpu.core_type<sc_vector_subcore>, window_params = [{transform_indices = #map}, {transform_indices = #map1}, {transform_indices = #map1}, {transform_indices = #map1}, {transform_indices = #map}, {transform_indices = #map2}]} {
    %mul3A = arith.constant 2 : i32
    %mul3A_0 = arith.muli %arg1, %mul3A : i32
    %add3A = arith.addi %mul3A_0, %arg0 : i32
    %mul3A_1 = arith.constant 10000 : i32
    %mul3A_2 = arith.muli %add3A, %mul3A_1 : i32
    %multiple_of3A = tpu.assume_multiple %mul3A_2, 8 : i32
    %mul3A_3 = arith.constant 640 : i32
    %mul3A_4 = arith.muli %arg1, %mul3A_3 : i32
    %multiple_of3A_5 = tpu.assume_multiple %mul3A_4, 8 : i32
    "tpu.region"() ({
      %run_scoped3A = tpu.sem_alloc : memref<!tpu.dma_semaphore, #tpu.memory_space<semaphore_mem>>
      %dma_start3A = arith.constant 0 : i32
      %dma_start3A_12 = tpu.memref_slice %arg12[%multiple_of3A_5, %dma_start3A] : memref<10240x128xf32, #tpu.memory_space<vmem_shared>> -> memref<640x128xf32, #tpu.memory_space<vmem_shared>>
      %dma_start3A_13 = arith.constant 0 : i32
      %dma_start3A_14 = tpu.memref_slice %arg6[%multiple_of3A_5, %dma_start3A_13] : memref<10240x128xf32, #tpu.memory_space<hbm>> -> memref<640x128xf32, #tpu.memory_space<hbm>>
      tpu.enqueue_dma source(%dma_start3A_14 : memref<640x128xf32, #tpu.memory_space<hbm>>) target(%dma_start3A_12 : memref<640x128xf32, #tpu.memory_space<vmem_shared>>) target_semaphore(%run_scoped3A : memref<!tpu.dma_semaphore, #tpu.memory_space<semaphore_mem>>)
      %dma_wait3A = arith.constant 0 : i32
      %dma_wait3A_15 = tpu.memref_slice %arg12[%multiple_of3A_5, %dma_wait3A] : memref<10240x128xf32, #tpu.memory_space<vmem_shared>> -> memref<640x128xf32, #tpu.memory_space<vmem_shared>>
      %dma_wait3A_16 = arith.constant 0 : i32
      %dma_wait3A_17 = tpu.memref_slice %arg6[%multiple_of3A_5, %dma_wait3A_16] : memref<10240x128xf32, #tpu.memory_space<hbm>> -> memref<640x128xf32, #tpu.memory_space<hbm>>
      tpu.wait_dma2 semaphore(%run_scoped3A : memref<!tpu.dma_semaphore, #tpu.memory_space<semaphore_mem>>) src(%dma_wait3A_17 : memref<640x128xf32, #tpu.memory_space<hbm>>) dst(%dma_wait3A_15 : memref<640x128xf32, #tpu.memory_space<vmem_shared>>)
      tpu.yield
    }) : () -> ()
    "tpu.region"() ({
      %run_scoped3A = tpu.sem_alloc : memref<!tpu.dma_semaphore, #tpu.memory_space<semaphore_mem>>
      tpu.enqueue_dma source(%arg5 : memref<20000xf32, #tpu.memory_space<hbm>>) target(%arg8 : memref<20000xf32, #tpu.memory_space<vmem>>) target_semaphore(%run_scoped3A : memref<!tpu.dma_semaphore, #tpu.memory_space<semaphore_mem>>)
      tpu.wait_dma2 semaphore(%run_scoped3A : memref<!tpu.dma_semaphore, #tpu.memory_space<semaphore_mem>>) src(%arg5 : memref<20000xf32, #tpu.memory_space<hbm>>) dst(%arg8 : memref<20000xf32, #tpu.memory_space<vmem>>)
      tpu.yield
    }) : () -> ()
    %barrier3A = arith.constant 0 : index
    tpu.barrier barrier_id(%barrier3A)
    %scan3A = arith.constant 0 : i32
    %scan3A_6 = arith.constant 0 : i32
    %scan3A_7 = arith.constant 125 : i32
    %scan3A_8 = arith.addi %scan3A_6, %scan3A_7 : i32
    %scan3A_9 = arith.constant 1 : i32
    scf.for %scan3A_12 = %scan3A_6 to %scan3A_8 step %scan3A_9  : i32 {
      %mul3A_13 = arith.constant 80 : i32
      %mul3A_14 = arith.muli %scan3A_12, %mul3A_13 : i32
      %add3A_15 = arith.addi %multiple_of3A, %mul3A_14 : i32
      %multiple_of3A_16 = tpu.assume_multiple %add3A_15, 8 : i32
      "tpu.region"() ({
        %run_scoped3A = tpu.sem_alloc : memref<!tpu.dma_semaphore, #tpu.memory_space<semaphore_mem>>
        %dma_start3A_27 = tpu.memref_slice %arg3[%multiple_of3A_16] : memref<320000xi32, #tpu.memory_space<hbm>> -> memref<80xi32, #tpu.memory_space<hbm>>
        %dma_start3A_28 = tpu.memref_slice %arg3[%multiple_of3A_16] : memref<320000xi32, #tpu.memory_space<hbm>> -> memref<80xi32, #tpu.memory_space<hbm>>
        tpu.enqueue_dma source(%dma_start3A_28 : memref<80xi32, #tpu.memory_space<hbm>>) target(%arg9 : memref<80xi32, #tpu.memory_space<vmem>>) target_semaphore(%run_scoped3A : memref<!tpu.dma_semaphore, #tpu.memory_space<semaphore_mem>>)
        %dma_wait3A_29 = tpu.memref_slice %arg3[%multiple_of3A_16] : memref<320000xi32, #tpu.memory_space<hbm>> -> memref<80xi32, #tpu.memory_space<hbm>>
        %dma_wait3A_30 = tpu.memref_slice %arg3[%multiple_of3A_16] : memref<320000xi32, #tpu.memory_space<hbm>> -> memref<80xi32, #tpu.memory_space<hbm>>
        tpu.wait_dma2 semaphore(%run_scoped3A : memref<!tpu.dma_semaphore, #tpu.memory_space<semaphore_mem>>) src(%dma_wait3A_30 : memref<80xi32, #tpu.memory_space<hbm>>) dst(%arg9 : memref<80xi32, #tpu.memory_space<vmem>>)
        tpu.yield
      }) : () -> ()
      "tpu.region"() ({
        %run_scoped3A = tpu.sem_alloc : memref<!tpu.dma_semaphore, #tpu.memory_space<semaphore_mem>>
        %dma_start3A_27 = tpu.memref_slice %arg4[%multiple_of3A_16] : memref<320000xi32, #tpu.memory_space<hbm>> -> memref<80xi32, #tpu.memory_space<hbm>>
        %dma_start3A_28 = tpu.memref_slice %arg4[%multiple_of3A_16] : memref<320000xi32, #tpu.memory_space<hbm>> -> memref<80xi32, #tpu.memory_space<hbm>>
        tpu.enqueue_dma source(%dma_start3A_28 : memref<80xi32, #tpu.memory_space<hbm>>) target(%arg10 : memref<80xi32, #tpu.memory_space<vmem>>) target_semaphore(%run_scoped3A : memref<!tpu.dma_semaphore, #tpu.memory_space<semaphore_mem>>)
        %dma_wait3A_29 = tpu.memref_slice %arg4[%multiple_of3A_16] : memref<320000xi32, #tpu.memory_space<hbm>> -> memref<80xi32, #tpu.memory_space<hbm>>
        %dma_wait3A_30 = tpu.memref_slice %arg4[%multiple_of3A_16] : memref<320000xi32, #tpu.memory_space<hbm>> -> memref<80xi32, #tpu.memory_space<hbm>>
        tpu.wait_dma2 semaphore(%run_scoped3A : memref<!tpu.dma_semaphore, #tpu.memory_space<semaphore_mem>>) src(%dma_wait3A_30 : memref<80xi32, #tpu.memory_space<hbm>>) dst(%arg10 : memref<80xi32, #tpu.memory_space<vmem>>)
        tpu.yield
      }) : () -> ()
      %dma_start3A = arith.constant 0 : i32
      %dma_start3A_17 = arith.constant 0 : i32
      %dma_start3A_18 = tpu.memref_slice %arg2[%dma_start3A, %dma_start3A_17] : memref<10000x128xf32, #tpu.memory_space<hbm>> -> memref<10000x128xf32, #tpu.memory_space<hbm>>
      tpu.enqueue_indirect_dma source(%dma_start3A_18 : memref<10000x128xf32, #tpu.memory_space<hbm>>) target(%arg11 : memref<80x128xf32, #tpu.memory_space<vmem>>) offsets(%arg9 : memref<80xi32, #tpu.memory_space<vmem>>) semaphore(%arg13 : memref<!tpu.dma_semaphore, #tpu.memory_space<semaphore_mem>>)
      %dma_wait3A = arith.constant 0 : i32
      %dma_wait3A_19 = arith.constant 0 : i32
      %dma_wait3A_20 = tpu.memref_slice %arg2[%dma_wait3A, %dma_wait3A_19] : memref<10000x128xf32, #tpu.memory_space<hbm>> -> memref<10000x128xf32, #tpu.memory_space<hbm>>
      tpu.wait_indirect_dma semaphore(%arg13 : memref<!tpu.dma_semaphore, #tpu.memory_space<semaphore_mem>>) src(%dma_wait3A_20 : memref<10000x128xf32, #tpu.memory_space<hbm>>) dst(%arg11 : memref<80x128xf32, #tpu.memory_space<vmem>>)
      %scan3A_21 = arith.constant 0 : i32
      %scan3A_22 = arith.constant 0 : i32
      %scan3A_23 = arith.constant 5 : i32
      %scan3A_24 = arith.addi %scan3A_22, %scan3A_23 : i32
      %scan3A_25 = arith.constant 1 : i32
      scf.for %scan3A_27 = %scan3A_22 to %scan3A_24 step %scan3A_25  : i32 {
        %mul3A_28 = arith.constant 16 : i32
        %mul3A_29 = arith.muli %scan3A_27, %mul3A_28 : i32
        %get3A = arith.index_cast %mul3A_29 : i32 to index
        %get3A_30 = tpu.vector_load %arg9[%get3A] {strides = array<i32>} : memref<80xi32, #tpu.memory_space<vmem>>, vector<16xi32>,
        %mul3A_31 = arith.constant 16 : i32
        %mul3A_32 = arith.muli %scan3A_27, %mul3A_31 : i32
        %get3A_33 = arith.index_cast %mul3A_32 : i32 to index
        %get3A_34 = tpu.vector_load %arg10[%get3A_33] {strides = array<i32>} : memref<80xi32, #tpu.memory_space<vmem>>, vector<16xi32>,
        %mul3A_35 = arith.constant 2 : i32
        %mul3A_36 = vector.broadcast %mul3A_35 : i32 to vector<16xi32>
        %mul3A_37 = arith.muli %get3A_30, %mul3A_36 : vector<16xi32>
        %gather3A = tpu.vector_load_idx %arg8[%mul3A_37] : memref<20000xf32, #tpu.memory_space<vmem>>[vector<16xi32>], vector<16xf32>,
        %mul3A_38 = arith.constant 2 : i32
        %mul3A_39 = vector.broadcast %mul3A_38 : i32 to vector<16xi32>
        %mul3A_40 = arith.muli %get3A_34, %mul3A_39 : vector<16xi32>
        %add3A_41 = arith.constant 1 : i32
        %add3A_42 = vector.broadcast %add3A_41 : i32 to vector<16xi32>
        %add3A_43 = arith.addi %mul3A_40, %add3A_42 : vector<16xi32>
        %gather3A_44 = tpu.vector_load_idx %arg8[%add3A_43] : memref<20000xf32, #tpu.memory_space<vmem>>[vector<16xi32>], vector<16xf32>,
        %add3A_45 = arith.addf %gather3A, %gather3A_44 : vector<16xf32>
        %ge3A = arith.constant 0.000000e+00 : f32
        %ge3A_46 = vector.broadcast %ge3A : f32 to vector<16xf32>
        %ge3A_47 = arith.cmpf oge, %add3A_45, %ge3A_46 : vector<16xf32>
        %mul3A_48 = arith.constant 2.000000e-01 : f32
        %mul3A_49 = vector.broadcast %mul3A_48 : f32 to vector<16xf32>
        %mul3A_50 = arith.mulf %mul3A_49, %add3A_45 : vector<16xf32>
        %select_n3A = arith.select %ge3A_47, %add3A_45, %mul3A_50 : vector<16xi1>, vector<16xf32>
        %exp3A = math.exp %select_n3A : vector<16xf32>
        %broadcast_in_dim3A = arith.constant 0 : i32
        %broadcast_in_dim3A_51 = vector.broadcast %broadcast_in_dim3A : i32 to vector<16xi32>
        %broadcast_in_dim3A_52 = vector.shape_cast %broadcast_in_dim3A_51 : vector<16xi32> to vector<16x1xi32>
        %gather3A_53 = vector.shape_cast %broadcast_in_dim3A_52 : vector<16x1xi32> to vector<16xi32>
        %gather3A_54 = tpu.dynamic_gather %exp3A[%gather3A_53] in [0] : vector<16xf32>, vector<16xi32> -> vector<16xf32>
        %mul3A_55 = arith.constant 16 : i32
        %mul3A_56 = arith.muli %scan3A_27, %mul3A_55 : i32
        %add3A_57 = arith.constant 0 : i32
        %add3A_58 = arith.addi %mul3A_56, %add3A_57 : i32
        %get3A_59 = arith.index_cast %add3A_58 : i32 to index
        %get3A_60 = arith.constant 0 : index
        %get3A_61 = tpu.vector_load %arg11[%get3A_59, %get3A_60] {strides = array<i32>} : memref<80x128xf32, #tpu.memory_space<vmem>>, vector<16xf32>,
        %mul3A_62 = arith.mulf %get3A_61, %gather3A_54 : vector<16xf32>
        %swap3A = arith.index_cast %add3A_58 : i32 to index
        %swap3A_63 = arith.constant 0 : index
        %swap3A_64 = tpu.vector_load %arg11[%swap3A, %swap3A_63] {strides = array<i32>} : memref<80x128xf32, #tpu.memory_space<vmem>>, vector<16xf32>,
        tpu.vector_store %arg11[%swap3A, %swap3A_63], %mul3A_62 {strides = array<i32>} : memref<80x128xf32, #tpu.memory_space<vmem>>, vector<16xf32>,
        %get3A_65 = arith.index_cast %add3A_58 : i32 to index
        %get3A_66 = arith.constant 16 : index
        %get3A_67 = tpu.vector_load %arg11[%get3A_65, %get3A_66] {strides = array<i32>} : memref<80x128xf32, #tpu.memory_space<vmem>>, vector<16xf32>,
        %mul3A_68 = arith.mulf %get3A_67, %gather3A_54 : vector<16xf32>
        %swap3A_69 = arith.index_cast %add3A_58 : i32 to index
        %swap3A_70 = arith.constant 16 : index
        %swap3A_71 = tpu.vector_load %arg11[%swap3A_69, %swap3A_70] {strides = array<i32>} : memref<80x128xf32, #tpu.memory_space<vmem>>, vector<16xf32>,
        tpu.vector_store %arg11[%swap3A_69, %swap3A_70], %mul3A_68 {strides = array<i32>} : memref<80x128xf32, #tpu.memory_space<vmem>>, vector<16xf32>,
        %get3A_72 = arith.index_cast %add3A_58 : i32 to index
        %get3A_73 = arith.constant 32 : index
        %get3A_74 = tpu.vector_load %arg11[%get3A_72, %get3A_73] {strides = array<i32>} : memref<80x128xf32, #tpu.memory_space<vmem>>, vector<16xf32>,
        %mul3A_75 = arith.mulf %get3A_74, %gather3A_54 : vector<16xf32>
        %swap3A_76 = arith.index_cast %add3A_58 : i32 to index
        %swap3A_77 = arith.constant 32 : index
        %swap3A_78 = tpu.vector_load %arg11[%swap3A_76, %swap3A_77] {strides = array<i32>} : memref<80x128xf32, #tpu.memory_space<vmem>>, vector<16xf32>,
        tpu.vector_store %arg11[%swap3A_76, %swap3A_77], %mul3A_75 {strides = array<i32>} : memref<80x128xf32, #tpu.memory_space<vmem>>, vector<16xf32>,
        %broadcast_in_dim3A_79 = arith.constant 1 : i32
        %broadcast_in_dim3A_80 = vector.broadcast %broadcast_in_dim3A_79 : i32 to vector<16xi32>
        %broadcast_in_dim3A_81 = vector.shape_cast %broadcast_in_dim3A_80 : vector<16xi32> to vector<16x1xi32>
        %gather3A_82 = vector.shape_cast %broadcast_in_dim3A_81 : vector<16x1xi32> to vector<16xi32>
        %gather3A_83 = tpu.dynamic_gather %exp3A[%gather3A_82] in [0] : vector<16xf32>, vector<16xi32> -> vector<16xf32>
        %mul3A_84 = arith.constant 16 : i32
        %mul3A_85 = arith.muli %scan3A_27, %mul3A_84 : i32
        %add3A_86 = arith.constant 1 : i32
        %add3A_87 = arith.addi %mul3A_85, %add3A_86 : i32
        %get3A_88 = arith.index_cast %add3A_87 : i32 to index
        %get3A_89 = arith.constant 0 : index
        %get3A_90 = tpu.vector_load %arg11[%get3A_88, %get3A_89] {strides = array<i32>} : memref<80x128xf32, #tpu.memory_space<vmem>>, vector<16xf32>,
        %mul3A_91 = arith.mulf %get3A_90, %gather3A_83 : vector<16xf32>
        %swap3A_92 = arith.index_cast %add3A_87 : i32 to index
        %swap3A_93 = arith.constant 0 : index
        %swap3A_94 = tpu.vector_load %arg11[%swap3A_92, %swap3A_93] {strides = array<i32>} : memref<80x128xf32, #tpu.memory_space<vmem>>, vector<16xf32>,
        tpu.vector_store %arg11[%swap3A_92, %swap3A_93], %mul3A_91 {strides = array<i32>} : memref<80x128xf32, #tpu.memory_space<vmem>>, vector<16xf32>,
        %get3A_95 = arith.index_cast %add3A_87 : i32 to index
        %get3A_96 = arith.constant 16 : index
        %get3A_97 = tpu.vector_load %arg11[%get3A_95, %get3A_96] {strides = array<i32>} : memref<80x128xf32, #tpu.memory_space<vmem>>, vector<16xf32>,
        %mul3A_98 = arith.mulf %get3A_97, %gather3A_83 : vector<16xf32>
        %swap3A_99 = arith.index_cast %add3A_87 : i32 to index
        %swap3A_100 = arith.constant 16 : index
        %swap3A_101 = tpu.vector_load %arg11[%swap3A_99, %swap3A_100] {strides = array<i32>} : memref<80x128xf32, #tpu.memory_space<vmem>>, vector<16xf32>,
        tpu.vector_store %arg11[%swap3A_99, %swap3A_100], %mul3A_98 {strides = array<i32>} : memref<80x128xf32, #tpu.memory_space<vmem>>, vector<16xf32>,
        %get3A_102 = arith.index_cast %add3A_87 : i32 to index
        %get3A_103 = arith.constant 32 : index
        %get3A_104 = tpu.vector_load %arg11[%get3A_102, %get3A_103] {strides = array<i32>} : memref<80x128xf32, #tpu.memory_space<vmem>>, vector<16xf32>,
        %mul3A_105 = arith.mulf %get3A_104, %gather3A_83 : vector<16xf32>
        %swap3A_106 = arith.index_cast %add3A_87 : i32 to index
        %swap3A_107 = arith.constant 32 : index
        %swap3A_108 = tpu.vector_load %arg11[%swap3A_106, %swap3A_107] {strides = array<i32>} : memref<80x128xf32, #tpu.memory_space<vmem>>, vector<16xf32>,
        tpu.vector_store %arg11[%swap3A_106, %swap3A_107], %mul3A_105 {strides = array<i32>} : memref<80x128xf32, #tpu.memory_space<vmem>>, vector<16xf32>,
        %broadcast_in_dim3A_109 = arith.constant 2 : i32
        %broadcast_in_dim3A_110 = vector.broadcast %broadcast_in_dim3A_109 : i32 to vector<16xi32>
        %broadcast_in_dim3A_111 = vector.shape_cast %broadcast_in_dim3A_110 : vector<16xi32> to vector<16x1xi32>
        %gather3A_112 = vector.shape_cast %broadcast_in_dim3A_111 : vector<16x1xi32> to vector<16xi32>
        %gather3A_113 = tpu.dynamic_gather %exp3A[%gather3A_112] in [0] : vector<16xf32>, vector<16xi32> -> vector<16xf32>
        %mul3A_114 = arith.constant 16 : i32
        %mul3A_115 = arith.muli %scan3A_27, %mul3A_114 : i32
        %add3A_116 = arith.constant 2 : i32
        %add3A_117 = arith.addi %mul3A_115, %add3A_116 : i32
        %get3A_118 = arith.index_cast %add3A_117 : i32 to index
        %get3A_119 = arith.constant 0 : index
        %get3A_120 = tpu.vector_load %arg11[%get3A_118, %get3A_119] {strides = array<i32>} : memref<80x128xf32, #tpu.memory_space<vmem>>, vector<16xf32>,
        %mul3A_121 = arith.mulf %get3A_120, %gather3A_113 : vector<16xf32>
        %swap3A_122 = arith.index_cast %add3A_117 : i32 to index
        %swap3A_123 = arith.constant 0 : index
        %swap3A_124 = tpu.vector_load %arg11[%swap3A_122, %swap3A_123] {strides = array<i32>} : memref<80x128xf32, #tpu.memory_space<vmem>>, vector<16xf32>,
        tpu.vector_store %arg11[%swap3A_122, %swap3A_123], %mul3A_121 {strides = array<i32>} : memref<80x128xf32, #tpu.memory_space<vmem>>, vector<16xf32>,
        %get3A_125 = arith.index_cast %add3A_117 : i32 to index
        %get3A_126 = arith.constant 16 : index
        %get3A_127 = tpu.vector_load %arg11[%get3A_125, %get3A_126] {strides = array<i32>} : memref<80x128xf32, #tpu.memory_space<vmem>>, vector<16xf32>,
        %mul3A_128 = arith.mulf %get3A_127, %gather3A_113 : vector<16xf32>
        %swap3A_129 = arith.index_cast %add3A_117 : i32 to index
        %swap3A_130 = arith.constant 16 : index
        %swap3A_131 = tpu.vector_load %arg11[%swap3A_129, %swap3A_130] {strides = array<i32>} : memref<80x128xf32, #tpu.memory_space<vmem>>, vector<16xf32>,
        tpu.vector_store %arg11[%swap3A_129, %swap3A_130], %mul3A_128 {strides = array<i32>} : memref<80x128xf32, #tpu.memory_space<vmem>>, vector<16xf32>,
        %get3A_132 = arith.index_cast %add3A_117 : i32 to index
        %get3A_133 = arith.constant 32 : index
        %get3A_134 = tpu.vector_load %arg11[%get3A_132, %get3A_133] {strides = array<i32>} : memref<80x128xf32, #tpu.memory_space<vmem>>, vector<16xf32>,
        %mul3A_135 = arith.mulf %get3A_134, %gather3A_113 : vector<16xf32>
        %swap3A_136 = arith.index_cast %add3A_117 : i32 to index
        %swap3A_137 = arith.constant 32 : index
        %swap3A_138 = tpu.vector_load %arg11[%swap3A_136, %swap3A_137] {strides = array<i32>} : memref<80x128xf32, #tpu.memory_space<vmem>>, vector<16xf32>,
        tpu.vector_store %arg11[%swap3A_136, %swap3A_137], %mul3A_135 {strides = array<i32>} : memref<80x128xf32, #tpu.memory_space<vmem>>, vector<16xf32>,
        %broadcast_in_dim3A_139 = arith.constant 3 : i32
        %broadcast_in_dim3A_140 = vector.broadcast %broadcast_in_dim3A_139 : i32 to vector<16xi32>
        %broadcast_in_dim3A_141 = vector.shape_cast %broadcast_in_dim3A_140 : vector<16xi32> to vector<16x1xi32>
        %gather3A_142 = vector.shape_cast %broadcast_in_dim3A_141 : vector<16x1xi32> to vector<16xi32>
        %gather3A_143 = tpu.dynamic_gather %exp3A[%gather3A_142] in [0] : vector<16xf32>, vector<16xi32> -> vector<16xf32>
        %mul3A_144 = arith.constant 16 : i32
        %mul3A_145 = arith.muli %scan3A_27, %mul3A_144 : i32
        %add3A_146 = arith.constant 3 : i32
        %add3A_147 = arith.addi %mul3A_145, %add3A_146 : i32
        %get3A_148 = arith.index_cast %add3A_147 : i32 to index
        %get3A_149 = arith.constant 0 : index
        %get3A_150 = tpu.vector_load %arg11[%get3A_148, %get3A_149] {strides = array<i32>} : memref<80x128xf32, #tpu.memory_space<vmem>>, vector<16xf32>,
        %mul3A_151 = arith.mulf %get3A_150, %gather3A_143 : vector<16xf32>
        %swap3A_152 = arith.index_cast %add3A_147 : i32 to index
        %swap3A_153 = arith.constant 0 : index
        %swap3A_154 = tpu.vector_load %arg11[%swap3A_152, %swap3A_153] {strides = array<i32>} : memref<80x128xf32, #tpu.memory_space<vmem>>, vector<16xf32>,
        tpu.vector_store %arg11[%swap3A_152, %swap3A_153], %mul3A_151 {strides = array<i32>} : memref<80x128xf32, #tpu.memory_space<vmem>>, vector<16xf32>,
        %get3A_155 = arith.index_cast %add3A_147 : i32 to index
        %get3A_156 = arith.constant 16 : index
        %get3A_157 = tpu.vector_load %arg11[%get3A_155, %get3A_156] {strides = array<i32>} : memref<80x128xf32, #tpu.memory_space<vmem>>, vector<16xf32>,
        %mul3A_158 = arith.mulf %get3A_157, %gather3A_143 : vector<16xf32>
        %swap3A_159 = arith.index_cast %add3A_147 : i32 to index
        %swap3A_160 = arith.constant 16 : index
        %swap3A_161 = tpu.vector_load %arg11[%swap3A_159, %swap3A_160] {strides = array<i32>} : memref<80x128xf32, #tpu.memory_space<vmem>>, vector<16xf32>,
        tpu.vector_store %arg11[%swap3A_159, %swap3A_160], %mul3A_158 {strides = array<i32>} : memref<80x128xf32, #tpu.memory_space<vmem>>, vector<16xf32>,
        %get3A_162 = arith.index_cast %add3A_147 : i32 to index
        %get3A_163 = arith.constant 32 : index
        %get3A_164 = tpu.vector_load %arg11[%get3A_162, %get3A_163] {strides = array<i32>} : memref<80x128xf32, #tpu.memory_space<vmem>>, vector<16xf32>,
        %mul3A_165 = arith.mulf %get3A_164, %gather3A_143 : vector<16xf32>
        %swap3A_166 = arith.index_cast %add3A_147 : i32 to index
        %swap3A_167 = arith.constant 32 : index
        %swap3A_168 = tpu.vector_load %arg11[%swap3A_166, %swap3A_167] {strides = array<i32>} : memref<80x128xf32, #tpu.memory_space<vmem>>, vector<16xf32>,
        tpu.vector_store %arg11[%swap3A_166, %swap3A_167], %mul3A_165 {strides = array<i32>} : memref<80x128xf32, #tpu.memory_space<vmem>>, vector<16xf32>,
        %broadcast_in_dim3A_169 = arith.constant 4 : i32
        %broadcast_in_dim3A_170 = vector.broadcast %broadcast_in_dim3A_169 : i32 to vector<16xi32>
        %broadcast_in_dim3A_171 = vector.shape_cast %broadcast_in_dim3A_170 : vector<16xi32> to vector<16x1xi32>
        %gather3A_172 = vector.shape_cast %broadcast_in_dim3A_171 : vector<16x1xi32> to vector<16xi32>
        %gather3A_173 = tpu.dynamic_gather %exp3A[%gather3A_172] in [0] : vector<16xf32>, vector<16xi32> -> vector<16xf32>
        %mul3A_174 = arith.constant 16 : i32
        %mul3A_175 = arith.muli %scan3A_27, %mul3A_174 : i32
        %add3A_176 = arith.constant 4 : i32
        %add3A_177 = arith.addi %mul3A_175, %add3A_176 : i32
        %get3A_178 = arith.index_cast %add3A_177 : i32 to index
        %get3A_179 = arith.constant 0 : index
        %get3A_180 = tpu.vector_load %arg11[%get3A_178, %get3A_179] {strides = array<i32>} : memref<80x128xf32, #tpu.memory_space<vmem>>, vector<16xf32>,
        %mul3A_181 = arith.mulf %get3A_180, %gather3A_173 : vector<16xf32>
        %swap3A_182 = arith.index_cast %add3A_177 : i32 to index
        %swap3A_183 = arith.constant 0 : index
        %swap3A_184 = tpu.vector_load %arg11[%swap3A_182, %swap3A_183] {strides = array<i32>} : memref<80x128xf32, #tpu.memory_space<vmem>>, vector<16xf32>,
        tpu.vector_store %arg11[%swap3A_182, %swap3A_183], %mul3A_181 {strides = array<i32>} : memref<80x128xf32, #tpu.memory_space<vmem>>, vector<16xf32>,
        %get3A_185 = arith.index_cast %add3A_177 : i32 to index
        %get3A_186 = arith.constant 16 : index
        %get3A_187 = tpu.vector_load %arg11[%get3A_185, %get3A_186] {strides = array<i32>} : memref<80x128xf32, #tpu.memory_space<vmem>>, vector<16xf32>,
        %mul3A_188 = arith.mulf %get3A_187, %gather3A_173 : vector<16xf32>
        %swap3A_189 = arith.index_cast %add3A_177 : i32 to index
        %swap3A_190 = arith.constant 16 : index
        %swap3A_191 = tpu.vector_load %arg11[%swap3A_189, %swap3A_190] {strides = array<i32>} : memref<80x128xf32, #tpu.memory_space<vmem>>, vector<16xf32>,
        tpu.vector_store %arg11[%swap3A_189, %swap3A_190], %mul3A_188 {strides = array<i32>} : memref<80x128xf32, #tpu.memory_space<vmem>>, vector<16xf32>,
        %get3A_192 = arith.index_cast %add3A_177 : i32 to index
        %get3A_193 = arith.constant 32 : index
        %get3A_194 = tpu.vector_load %arg11[%get3A_192, %get3A_193] {strides = array<i32>} : memref<80x128xf32, #tpu.memory_space<vmem>>, vector<16xf32>,
        %mul3A_195 = arith.mulf %get3A_194, %gather3A_173 : vector<16xf32>
        %swap3A_196 = arith.index_cast %add3A_177 : i32 to index
        %swap3A_197 = arith.constant 32 : index
        %swap3A_198 = tpu.vector_load %arg11[%swap3A_196, %swap3A_197] {strides = array<i32>} : memref<80x128xf32, #tpu.memory_space<vmem>>, vector<16xf32>,
        tpu.vector_store %arg11[%swap3A_196, %swap3A_197], %mul3A_195 {strides = array<i32>} : memref<80x128xf32, #tpu.memory_space<vmem>>, vector<16xf32>,
        %broadcast_in_dim3A_199 = arith.constant 5 : i32
        %broadcast_in_dim3A_200 = vector.broadcast %broadcast_in_dim3A_199 : i32 to vector<16xi32>
        %broadcast_in_dim3A_201 = vector.shape_cast %broadcast_in_dim3A_200 : vector<16xi32> to vector<16x1xi32>
        %gather3A_202 = vector.shape_cast %broadcast_in_dim3A_201 : vector<16x1xi32> to vector<16xi32>
        %gather3A_203 = tpu.dynamic_gather %exp3A[%gather3A_202] in [0] : vector<16xf32>, vector<16xi32> -> vector<16xf32>
        %mul3A_204 = arith.constant 16 : i32
        %mul3A_205 = arith.muli %scan3A_27, %mul3A_204 : i32
        %add3A_206 = arith.constant 5 : i32
        %add3A_207 = arith.addi %mul3A_205, %add3A_206 : i32
        %get3A_208 = arith.index_cast %add3A_207 : i32 to index
        %get3A_209 = arith.constant 0 : index
        %get3A_210 = tpu.vector_load %arg11[%get3A_208, %get3A_209] {strides = array<i32>} : memref<80x128xf32, #tpu.memory_space<vmem>>, vector<16xf32>,
        %mul3A_211 = arith.mulf %get3A_210, %gather3A_203 : vector<16xf32>
        %swap3A_212 = arith.index_cast %add3A_207 : i32 to index
        %swap3A_213 = arith.constant 0 : index
        %swap3A_214 = tpu.vector_load %arg11[%swap3A_212, %swap3A_213] {strides = array<i32>} : memref<80x128xf32, #tpu.memory_space<vmem>>, vector<16xf32>,
        tpu.vector_store %arg11[%swap3A_212, %swap3A_213], %mul3A_211 {strides = array<i32>} : memref<80x128xf32, #tpu.memory_space<vmem>>, vector<16xf32>,
        %get3A_215 = arith.index_cast %add3A_207 : i32 to index
        %get3A_216 = arith.constant 16 : index
        %get3A_217 = tpu.vector_load %arg11[%get3A_215, %get3A_216] {strides = array<i32>} : memref<80x128xf32, #tpu.memory_space<vmem>>, vector<16xf32>,
        %mul3A_218 = arith.mulf %get3A_217, %gather3A_203 : vector<16xf32>
        %swap3A_219 = arith.index_cast %add3A_207 : i32 to index
        %swap3A_220 = arith.constant 16 : index
        %swap3A_221 = tpu.vector_load %arg11[%swap3A_219, %swap3A_220] {strides = array<i32>} : memref<80x128xf32, #tpu.memory_space<vmem>>, vector<16xf32>,
        tpu.vector_store %arg11[%swap3A_219, %swap3A_220], %mul3A_218 {strides = array<i32>} : memref<80x128xf32, #tpu.memory_space<vmem>>, vector<16xf32>,
        %get3A_222 = arith.index_cast %add3A_207 : i32 to index
        %get3A_223 = arith.constant 32 : index
        %get3A_224 = tpu.vector_load %arg11[%get3A_222, %get3A_223] {strides = array<i32>} : memref<80x128xf32, #tpu.memory_space<vmem>>, vector<16xf32>,
        %mul3A_225 = arith.mulf %get3A_224, %gather3A_203 : vector<16xf32>
        %swap3A_226 = arith.index_cast %add3A_207 : i32 to index
        %swap3A_227 = arith.constant 32 : index
        %swap3A_228 = tpu.vector_load %arg11[%swap3A_226, %swap3A_227] {strides = array<i32>} : memref<80x128xf32, #tpu.memory_space<vmem>>, vector<16xf32>,
        tpu.vector_store %arg11[%swap3A_226, %swap3A_227], %mul3A_225 {strides = array<i32>} : memref<80x128xf32, #tpu.memory_space<vmem>>, vector<16xf32>,
        %broadcast_in_dim3A_229 = arith.constant 6 : i32
        %broadcast_in_dim3A_230 = vector.broadcast %broadcast_in_dim3A_229 : i32 to vector<16xi32>
        %broadcast_in_dim3A_231 = vector.shape_cast %broadcast_in_dim3A_230 : vector<16xi32> to vector<16x1xi32>
        %gather3A_232 = vector.shape_cast %broadcast_in_dim3A_231 : vector<16x1xi32> to vector<16xi32>
        %gather3A_233 = tpu.dynamic_gather %exp3A[%gather3A_232] in [0] : vector<16xf32>, vector<16xi32> -> vector<16xf32>
        %mul3A_234 = arith.constant 16 : i32
        %mul3A_235 = arith.muli %scan3A_27, %mul3A_234 : i32
        %add3A_236 = arith.constant 6 : i32
        %add3A_237 = arith.addi %mul3A_235, %add3A_236 : i32
        %get3A_238 = arith.index_cast %add3A_237 : i32 to index
        %get3A_239 = arith.constant 0 : index
        %get3A_240 = tpu.vector_load %arg11[%get3A_238, %get3A_239] {strides = array<i32>} : memref<80x128xf32, #tpu.memory_space<vmem>>, vector<16xf32>,
        %mul3A_241 = arith.mulf %get3A_240, %gather3A_233 : vector<16xf32>
        %swap3A_242 = arith.index_cast %add3A_237 : i32 to index
        %swap3A_243 = arith.constant 0 : index
        %swap3A_244 = tpu.vector_load %arg11[%swap3A_242, %swap3A_243] {strides = array<i32>} : memref<80x128xf32, #tpu.memory_space<vmem>>, vector<16xf32>,
        tpu.vector_store %arg11[%swap3A_242, %swap3A_243], %mul3A_241 {strides = array<i32>} : memref<80x128xf32, #tpu.memory_space<vmem>>, vector<16xf32>,
        %get3A_245 = arith.index_cast %add3A_237 : i32 to index
        %get3A_246 = arith.constant 16 : index
        %get3A_247 = tpu.vector_load %arg11[%get3A_245, %get3A_246] {strides = array<i32>} : memref<80x128xf32, #tpu.memory_space<vmem>>, vector<16xf32>,
        %mul3A_248 = arith.mulf %get3A_247, %gather3A_233 : vector<16xf32>
        %swap3A_249 = arith.index_cast %add3A_237 : i32 to index
        %swap3A_250 = arith.constant 16 : index
        %swap3A_251 = tpu.vector_load %arg11[%swap3A_249, %swap3A_250] {strides = array<i32>} : memref<80x128xf32, #tpu.memory_space<vmem>>, vector<16xf32>,
        tpu.vector_store %arg11[%swap3A_249, %swap3A_250], %mul3A_248 {strides = array<i32>} : memref<80x128xf32, #tpu.memory_space<vmem>>, vector<16xf32>,
        %get3A_252 = arith.index_cast %add3A_237 : i32 to index
        %get3A_253 = arith.constant 32 : index
        %get3A_254 = tpu.vector_load %arg11[%get3A_252, %get3A_253] {strides = array<i32>} : memref<80x128xf32, #tpu.memory_space<vmem>>, vector<16xf32>,
        %mul3A_255 = arith.mulf %get3A_254, %gather3A_233 : vector<16xf32>
        %swap3A_256 = arith.index_cast %add3A_237 : i32 to index
        %swap3A_257 = arith.constant 32 : index
        %swap3A_258 = tpu.vector_load %arg11[%swap3A_256, %swap3A_257] {strides = array<i32>} : memref<80x128xf32, #tpu.memory_space<vmem>>, vector<16xf32>,
        tpu.vector_store %arg11[%swap3A_256, %swap3A_257], %mul3A_255 {strides = array<i32>} : memref<80x128xf32, #tpu.memory_space<vmem>>, vector<16xf32>,
        %broadcast_in_dim3A_259 = arith.constant 7 : i32
        %broadcast_in_dim3A_260 = vector.broadcast %broadcast_in_dim3A_259 : i32 to vector<16xi32>
        %broadcast_in_dim3A_261 = vector.shape_cast %broadcast_in_dim3A_260 : vector<16xi32> to vector<16x1xi32>
        %gather3A_262 = vector.shape_cast %broadcast_in_dim3A_261 : vector<16x1xi32> to vector<16xi32>
        %gather3A_263 = tpu.dynamic_gather %exp3A[%gather3A_262] in [0] : vector<16xf32>, vector<16xi32> -> vector<16xf32>
        %mul3A_264 = arith.constant 16 : i32
        %mul3A_265 = arith.muli %scan3A_27, %mul3A_264 : i32
        %add3A_266 = arith.constant 7 : i32
        %add3A_267 = arith.addi %mul3A_265, %add3A_266 : i32
        %get3A_268 = arith.index_cast %add3A_267 : i32 to index
        %get3A_269 = arith.constant 0 : index
        %get3A_270 = tpu.vector_load %arg11[%get3A_268, %get3A_269] {strides = array<i32>} : memref<80x128xf32, #tpu.memory_space<vmem>>, vector<16xf32>,
        %mul3A_271 = arith.mulf %get3A_270, %gather3A_263 : vector<16xf32>
        %swap3A_272 = arith.index_cast %add3A_267 : i32 to index
        %swap3A_273 = arith.constant 0 : index
        %swap3A_274 = tpu.vector_load %arg11[%swap3A_272, %swap3A_273] {strides = array<i32>} : memref<80x128xf32, #tpu.memory_space<vmem>>, vector<16xf32>,
        tpu.vector_store %arg11[%swap3A_272, %swap3A_273], %mul3A_271 {strides = array<i32>} : memref<80x128xf32, #tpu.memory_space<vmem>>, vector<16xf32>,
        %get3A_275 = arith.index_cast %add3A_267 : i32 to index
        %get3A_276 = arith.constant 16 : index
        %get3A_277 = tpu.vector_load %arg11[%get3A_275, %get3A_276] {strides = array<i32>} : memref<80x128xf32, #tpu.memory_space<vmem>>, vector<16xf32>,
        %mul3A_278 = arith.mulf %get3A_277, %gather3A_263 : vector<16xf32>
        %swap3A_279 = arith.index_cast %add3A_267 : i32 to index
        %swap3A_280 = arith.constant 16 : index
        %swap3A_281 = tpu.vector_load %arg11[%swap3A_279, %swap3A_280] {strides = array<i32>} : memref<80x128xf32, #tpu.memory_space<vmem>>, vector<16xf32>,
        tpu.vector_store %arg11[%swap3A_279, %swap3A_280], %mul3A_278 {strides = array<i32>} : memref<80x128xf32, #tpu.memory_space<vmem>>, vector<16xf32>,
        %get3A_282 = arith.index_cast %add3A_267 : i32 to index
        %get3A_283 = arith.constant 32 : index
        %get3A_284 = tpu.vector_load %arg11[%get3A_282, %get3A_283] {strides = array<i32>} : memref<80x128xf32, #tpu.memory_space<vmem>>, vector<16xf32>,
        %mul3A_285 = arith.mulf %get3A_284, %gather3A_263 : vector<16xf32>
        %swap3A_286 = arith.index_cast %add3A_267 : i32 to index
        %swap3A_287 = arith.constant 32 : index
        %swap3A_288 = tpu.vector_load %arg11[%swap3A_286, %swap3A_287] {strides = array<i32>} : memref<80x128xf32, #tpu.memory_space<vmem>>, vector<16xf32>,
        tpu.vector_store %arg11[%swap3A_286, %swap3A_287], %mul3A_285 {strides = array<i32>} : memref<80x128xf32, #tpu.memory_space<vmem>>, vector<16xf32>,
        %broadcast_in_dim3A_289 = arith.constant 8 : i32
        %broadcast_in_dim3A_290 = vector.broadcast %broadcast_in_dim3A_289 : i32 to vector<16xi32>
        %broadcast_in_dim3A_291 = vector.shape_cast %broadcast_in_dim3A_290 : vector<16xi32> to vector<16x1xi32>
        %gather3A_292 = vector.shape_cast %broadcast_in_dim3A_291 : vector<16x1xi32> to vector<16xi32>
        %gather3A_293 = tpu.dynamic_gather %exp3A[%gather3A_292] in [0] : vector<16xf32>, vector<16xi32> -> vector<16xf32>
        %mul3A_294 = arith.constant 16 : i32
        %mul3A_295 = arith.muli %scan3A_27, %mul3A_294 : i32
        %add3A_296 = arith.constant 8 : i32
        %add3A_297 = arith.addi %mul3A_295, %add3A_296 : i32
        %get3A_298 = arith.index_cast %add3A_297 : i32 to index
        %get3A_299 = arith.constant 0 : index
        %get3A_300 = tpu.vector_load %arg11[%get3A_298, %get3A_299] {strides = array<i32>} : memref<80x128xf32, #tpu.memory_space<vmem>>, vector<16xf32>,
        %mul3A_301 = arith.mulf %get3A_300, %gather3A_293 : vector<16xf32>
        %swap3A_302 = arith.index_cast %add3A_297 : i32 to index
        %swap3A_303 = arith.constant 0 : index
        %swap3A_304 = tpu.vector_load %arg11[%swap3A_302, %swap3A_303] {strides = array<i32>} : memref<80x128xf32, #tpu.memory_space<vmem>>, vector<16xf32>,
        tpu.vector_store %arg11[%swap3A_302, %swap3A_303], %mul3A_301 {strides = array<i32>} : memref<80x128xf32, #tpu.memory_space<vmem>>, vector<16xf32>,
        %get3A_305 = arith.index_cast %add3A_297 : i32 to index
        %get3A_306 = arith.constant 16 : index
        %get3A_307 = tpu.vector_load %arg11[%get3A_305, %get3A_306] {strides = array<i32>} : memref<80x128xf32, #tpu.memory_space<vmem>>, vector<16xf32>,
        %mul3A_308 = arith.mulf %get3A_307, %gather3A_293 : vector<16xf32>
        %swap3A_309 = arith.index_cast %add3A_297 : i32 to index
        %swap3A_310 = arith.constant 16 : index
        %swap3A_311 = tpu.vector_load %arg11[%swap3A_309, %swap3A_310] {strides = array<i32>} : memref<80x128xf32, #tpu.memory_space<vmem>>, vector<16xf32>,
        tpu.vector_store %arg11[%swap3A_309, %swap3A_310], %mul3A_308 {strides = array<i32>} : memref<80x128xf32, #tpu.memory_space<vmem>>, vector<16xf32>,
        %get3A_312 = arith.index_cast %add3A_297 : i32 to index
        %get3A_313 = arith.constant 32 : index
        %get3A_314 = tpu.vector_load %arg11[%get3A_312, %get3A_313] {strides = array<i32>} : memref<80x128xf32, #tpu.memory_space<vmem>>, vector<16xf32>,
        %mul3A_315 = arith.mulf %get3A_314, %gather3A_293 : vector<16xf32>
        %swap3A_316 = arith.index_cast %add3A_297 : i32 to index
        %swap3A_317 = arith.constant 32 : index
        %swap3A_318 = tpu.vector_load %arg11[%swap3A_316, %swap3A_317] {strides = array<i32>} : memref<80x128xf32, #tpu.memory_space<vmem>>, vector<16xf32>,
        tpu.vector_store %arg11[%swap3A_316, %swap3A_317], %mul3A_315 {strides = array<i32>} : memref<80x128xf32, #tpu.memory_space<vmem>>, vector<16xf32>,
        %broadcast_in_dim3A_319 = arith.constant 9 : i32
        %broadcast_in_dim3A_320 = vector.broadcast %broadcast_in_dim3A_319 : i32 to vector<16xi32>
        %broadcast_in_dim3A_321 = vector.shape_cast %broadcast_in_dim3A_320 : vector<16xi32> to vector<16x1xi32>
        %gather3A_322 = vector.shape_cast %broadcast_in_dim3A_321 : vector<16x1xi32> to vector<16xi32>
        %gather3A_323 = tpu.dynamic_gather %exp3A[%gather3A_322] in [0] : vector<16xf32>, vector<16xi32> -> vector<16xf32>
        %mul3A_324 = arith.constant 16 : i32
        %mul3A_325 = arith.muli %scan3A_27, %mul3A_324 : i32
        %add3A_326 = arith.constant 9 : i32
        %add3A_327 = arith.addi %mul3A_325, %add3A_326 : i32
        %get3A_328 = arith.index_cast %add3A_327 : i32 to index
        %get3A_329 = arith.constant 0 : index
        %get3A_330 = tpu.vector_load %arg11[%get3A_328, %get3A_329] {strides = array<i32>} : memref<80x128xf32, #tpu.memory_space<vmem>>, vector<16xf32>,
        %mul3A_331 = arith.mulf %get3A_330, %gather3A_323 : vector<16xf32>
        %swap3A_332 = arith.index_cast %add3A_327 : i32 to index
        %swap3A_333 = arith.constant 0 : index
        %swap3A_334 = tpu.vector_load %arg11[%swap3A_332, %swap3A_333] {strides = array<i32>} : memref<80x128xf32, #tpu.memory_space<vmem>>, vector<16xf32>,
        tpu.vector_store %arg11[%swap3A_332, %swap3A_333], %mul3A_331 {strides = array<i32>} : memref<80x128xf32, #tpu.memory_space<vmem>>, vector<16xf32>,
        %get3A_335 = arith.index_cast %add3A_327 : i32 to index
        %get3A_336 = arith.constant 16 : index
        %get3A_337 = tpu.vector_load %arg11[%get3A_335, %get3A_336] {strides = array<i32>} : memref<80x128xf32, #tpu.memory_space<vmem>>, vector<16xf32>,
        %mul3A_338 = arith.mulf %get3A_337, %gather3A_323 : vector<16xf32>
        %swap3A_339 = arith.index_cast %add3A_327 : i32 to index
        %swap3A_340 = arith.constant 16 : index
        %swap3A_341 = tpu.vector_load %arg11[%swap3A_339, %swap3A_340] {strides = array<i32>} : memref<80x128xf32, #tpu.memory_space<vmem>>, vector<16xf32>,
        tpu.vector_store %arg11[%swap3A_339, %swap3A_340], %mul3A_338 {strides = array<i32>} : memref<80x128xf32, #tpu.memory_space<vmem>>, vector<16xf32>,
        %get3A_342 = arith.index_cast %add3A_327 : i32 to index
        %get3A_343 = arith.constant 32 : index
        %get3A_344 = tpu.vector_load %arg11[%get3A_342, %get3A_343] {strides = array<i32>} : memref<80x128xf32, #tpu.memory_space<vmem>>, vector<16xf32>,
        %mul3A_345 = arith.mulf %get3A_344, %gather3A_323 : vector<16xf32>
        %swap3A_346 = arith.index_cast %add3A_327 : i32 to index
        %swap3A_347 = arith.constant 32 : index
        %swap3A_348 = tpu.vector_load %arg11[%swap3A_346, %swap3A_347] {strides = array<i32>} : memref<80x128xf32, #tpu.memory_space<vmem>>, vector<16xf32>,
        tpu.vector_store %arg11[%swap3A_346, %swap3A_347], %mul3A_345 {strides = array<i32>} : memref<80x128xf32, #tpu.memory_space<vmem>>, vector<16xf32>,
        %broadcast_in_dim3A_349 = arith.constant 10 : i32
        %broadcast_in_dim3A_350 = vector.broadcast %broadcast_in_dim3A_349 : i32 to vector<16xi32>
        %broadcast_in_dim3A_351 = vector.shape_cast %broadcast_in_dim3A_350 : vector<16xi32> to vector<16x1xi32>
        %gather3A_352 = vector.shape_cast %broadcast_in_dim3A_351 : vector<16x1xi32> to vector<16xi32>
        %gather3A_353 = tpu.dynamic_gather %exp3A[%gather3A_352] in [0] : vector<16xf32>, vector<16xi32> -> vector<16xf32>
        %mul3A_354 = arith.constant 16 : i32
        %mul3A_355 = arith.muli %scan3A_27, %mul3A_354 : i32
        %add3A_356 = arith.constant 10 : i32
        %add3A_357 = arith.addi %mul3A_355, %add3A_356 : i32
        %get3A_358 = arith.index_cast %add3A_357 : i32 to index
        %get3A_359 = arith.constant 0 : index
        %get3A_360 = tpu.vector_load %arg11[%get3A_358, %get3A_359] {strides = array<i32>} : memref<80x128xf32, #tpu.memory_space<vmem>>, vector<16xf32>,
        %mul3A_361 = arith.mulf %get3A_360, %gather3A_353 : vector<16xf32>
        %swap3A_362 = arith.index_cast %add3A_357 : i32 to index
        %swap3A_363 = arith.constant 0 : index
        %swap3A_364 = tpu.vector_load %arg11[%swap3A_362, %swap3A_363] {strides = array<i32>} : memref<80x128xf32, #tpu.memory_space<vmem>>, vector<16xf32>,
        tpu.vector_store %arg11[%swap3A_362, %swap3A_363], %mul3A_361 {strides = array<i32>} : memref<80x128xf32, #tpu.memory_space<vmem>>, vector<16xf32>,
        %get3A_365 = arith.index_cast %add3A_357 : i32 to index
        %get3A_366 = arith.constant 16 : index
        %get3A_367 = tpu.vector_load %arg11[%get3A_365, %get3A_366] {strides = array<i32>} : memref<80x128xf32, #tpu.memory_space<vmem>>, vector<16xf32>,
        %mul3A_368 = arith.mulf %get3A_367, %gather3A_353 : vector<16xf32>
        %swap3A_369 = arith.index_cast %add3A_357 : i32 to index
        %swap3A_370 = arith.constant 16 : index
        %swap3A_371 = tpu.vector_load %arg11[%swap3A_369, %swap3A_370] {strides = array<i32>} : memref<80x128xf32, #tpu.memory_space<vmem>>, vector<16xf32>,
        tpu.vector_store %arg11[%swap3A_369, %swap3A_370], %mul3A_368 {strides = array<i32>} : memref<80x128xf32, #tpu.memory_space<vmem>>, vector<16xf32>,
        %get3A_372 = arith.index_cast %add3A_357 : i32 to index
        %get3A_373 = arith.constant 32 : index
        %get3A_374 = tpu.vector_load %arg11[%get3A_372, %get3A_373] {strides = array<i32>} : memref<80x128xf32, #tpu.memory_space<vmem>>, vector<16xf32>,
        %mul3A_375 = arith.mulf %get3A_374, %gather3A_353 : vector<16xf32>
        %swap3A_376 = arith.index_cast %add3A_357 : i32 to index
        %swap3A_377 = arith.constant 32 : index
        %swap3A_378 = tpu.vector_load %arg11[%swap3A_376, %swap3A_377] {strides = array<i32>} : memref<80x128xf32, #tpu.memory_space<vmem>>, vector<16xf32>,
        tpu.vector_store %arg11[%swap3A_376, %swap3A_377], %mul3A_375 {strides = array<i32>} : memref<80x128xf32, #tpu.memory_space<vmem>>, vector<16xf32>,
        %broadcast_in_dim3A_379 = arith.constant 11 : i32
        %broadcast_in_dim3A_380 = vector.broadcast %broadcast_in_dim3A_379 : i32 to vector<16xi32>
        %broadcast_in_dim3A_381 = vector.shape_cast %broadcast_in_dim3A_380 : vector<16xi32> to vector<16x1xi32>
        %gather3A_382 = vector.shape_cast %broadcast_in_dim3A_381 : vector<16x1xi32> to vector<16xi32>
        %gather3A_383 = tpu.dynamic_gather %exp3A[%gather3A_382] in [0] : vector<16xf32>, vector<16xi32> -> vector<16xf32>
        %mul3A_384 = arith.constant 16 : i32
        %mul3A_385 = arith.muli %scan3A_27, %mul3A_384 : i32
        %add3A_386 = arith.constant 11 : i32
        %add3A_387 = arith.addi %mul3A_385, %add3A_386 : i32
        %get3A_388 = arith.index_cast %add3A_387 : i32 to index
        %get3A_389 = arith.constant 0 : index
        %get3A_390 = tpu.vector_load %arg11[%get3A_388, %get3A_389] {strides = array<i32>} : memref<80x128xf32, #tpu.memory_space<vmem>>, vector<16xf32>,
        %mul3A_391 = arith.mulf %get3A_390, %gather3A_383 : vector<16xf32>
        %swap3A_392 = arith.index_cast %add3A_387 : i32 to index
        %swap3A_393 = arith.constant 0 : index
        %swap3A_394 = tpu.vector_load %arg11[%swap3A_392, %swap3A_393] {strides = array<i32>} : memref<80x128xf32, #tpu.memory_space<vmem>>, vector<16xf32>,
        tpu.vector_store %arg11[%swap3A_392, %swap3A_393], %mul3A_391 {strides = array<i32>} : memref<80x128xf32, #tpu.memory_space<vmem>>, vector<16xf32>,
        %get3A_395 = arith.index_cast %add3A_387 : i32 to index
        %get3A_396 = arith.constant 16 : index
        %get3A_397 = tpu.vector_load %arg11[%get3A_395, %get3A_396] {strides = array<i32>} : memref<80x128xf32, #tpu.memory_space<vmem>>, vector<16xf32>,
        %mul3A_398 = arith.mulf %get3A_397, %gather3A_383 : vector<16xf32>
        %swap3A_399 = arith.index_cast %add3A_387 : i32 to index
        %swap3A_400 = arith.constant 16 : index
        %swap3A_401 = tpu.vector_load %arg11[%swap3A_399, %swap3A_400] {strides = array<i32>} : memref<80x128xf32, #tpu.memory_space<vmem>>, vector<16xf32>,
        tpu.vector_store %arg11[%swap3A_399, %swap3A_400], %mul3A_398 {strides = array<i32>} : memref<80x128xf32, #tpu.memory_space<vmem>>, vector<16xf32>,
        %get3A_402 = arith.index_cast %add3A_387 : i32 to index
        %get3A_403 = arith.constant 32 : index
        %get3A_404 = tpu.vector_load %arg11[%get3A_402, %get3A_403] {strides = array<i32>} : memref<80x128xf32, #tpu.memory_space<vmem>>, vector<16xf32>,
        %mul3A_405 = arith.mulf %get3A_404, %gather3A_383 : vector<16xf32>
        %swap3A_406 = arith.index_cast %add3A_387 : i32 to index
        %swap3A_407 = arith.constant 32 : index
        %swap3A_408 = tpu.vector_load %arg11[%swap3A_406, %swap3A_407] {strides = array<i32>} : memref<80x128xf32, #tpu.memory_space<vmem>>, vector<16xf32>,
        tpu.vector_store %arg11[%swap3A_406, %swap3A_407], %mul3A_405 {strides = array<i32>} : memref<80x128xf32, #tpu.memory_space<vmem>>, vector<16xf32>,
        %broadcast_in_dim3A_409 = arith.constant 12 : i32
        %broadcast_in_dim3A_410 = vector.broadcast %broadcast_in_dim3A_409 : i32 to vector<16xi32>
        %broadcast_in_dim3A_411 = vector.shape_cast %broadcast_in_dim3A_410 : vector<16xi32> to vector<16x1xi32>
        %gather3A_412 = vector.shape_cast %broadcast_in_dim3A_411 : vector<16x1xi32> to vector<16xi32>
        %gather3A_413 = tpu.dynamic_gather %exp3A[%gather3A_412] in [0] : vector<16xf32>, vector<16xi32> -> vector<16xf32>
        %mul3A_414 = arith.constant 16 : i32
        %mul3A_415 = arith.muli %scan3A_27, %mul3A_414 : i32
        %add3A_416 = arith.constant 12 : i32
        %add3A_417 = arith.addi %mul3A_415, %add3A_416 : i32
        %get3A_418 = arith.index_cast %add3A_417 : i32 to index
        %get3A_419 = arith.constant 0 : index
        %get3A_420 = tpu.vector_load %arg11[%get3A_418, %get3A_419] {strides = array<i32>} : memref<80x128xf32, #tpu.memory_space<vmem>>, vector<16xf32>,
        %mul3A_421 = arith.mulf %get3A_420, %gather3A_413 : vector<16xf32>
        %swap3A_422 = arith.index_cast %add3A_417 : i32 to index
        %swap3A_423 = arith.constant 0 : index
        %swap3A_424 = tpu.vector_load %arg11[%swap3A_422, %swap3A_423] {strides = array<i32>} : memref<80x128xf32, #tpu.memory_space<vmem>>, vector<16xf32>,
        tpu.vector_store %arg11[%swap3A_422, %swap3A_423], %mul3A_421 {strides = array<i32>} : memref<80x128xf32, #tpu.memory_space<vmem>>, vector<16xf32>,
        %get3A_425 = arith.index_cast %add3A_417 : i32 to index
        %get3A_426 = arith.constant 16 : index
        %get3A_427 = tpu.vector_load %arg11[%get3A_425, %get3A_426] {strides = array<i32>} : memref<80x128xf32, #tpu.memory_space<vmem>>, vector<16xf32>,
        %mul3A_428 = arith.mulf %get3A_427, %gather3A_413 : vector<16xf32>
        %swap3A_429 = arith.index_cast %add3A_417 : i32 to index
        %swap3A_430 = arith.constant 16 : index
        %swap3A_431 = tpu.vector_load %arg11[%swap3A_429, %swap3A_430] {strides = array<i32>} : memref<80x128xf32, #tpu.memory_space<vmem>>, vector<16xf32>,
        tpu.vector_store %arg11[%swap3A_429, %swap3A_430], %mul3A_428 {strides = array<i32>} : memref<80x128xf32, #tpu.memory_space<vmem>>, vector<16xf32>,
        %get3A_432 = arith.index_cast %add3A_417 : i32 to index
        %get3A_433 = arith.constant 32 : index
        %get3A_434 = tpu.vector_load %arg11[%get3A_432, %get3A_433] {strides = array<i32>} : memref<80x128xf32, #tpu.memory_space<vmem>>, vector<16xf32>,
        %mul3A_435 = arith.mulf %get3A_434, %gather3A_413 : vector<16xf32>
        %swap3A_436 = arith.index_cast %add3A_417 : i32 to index
        %swap3A_437 = arith.constant 32 : index
        %swap3A_438 = tpu.vector_load %arg11[%swap3A_436, %swap3A_437] {strides = array<i32>} : memref<80x128xf32, #tpu.memory_space<vmem>>, vector<16xf32>,
        tpu.vector_store %arg11[%swap3A_436, %swap3A_437], %mul3A_435 {strides = array<i32>} : memref<80x128xf32, #tpu.memory_space<vmem>>, vector<16xf32>,
        %broadcast_in_dim3A_439 = arith.constant 13 : i32
        %broadcast_in_dim3A_440 = vector.broadcast %broadcast_in_dim3A_439 : i32 to vector<16xi32>
        %broadcast_in_dim3A_441 = vector.shape_cast %broadcast_in_dim3A_440 : vector<16xi32> to vector<16x1xi32>
        %gather3A_442 = vector.shape_cast %broadcast_in_dim3A_441 : vector<16x1xi32> to vector<16xi32>
        %gather3A_443 = tpu.dynamic_gather %exp3A[%gather3A_442] in [0] : vector<16xf32>, vector<16xi32> -> vector<16xf32>
        %mul3A_444 = arith.constant 16 : i32
        %mul3A_445 = arith.muli %scan3A_27, %mul3A_444 : i32
        %add3A_446 = arith.constant 13 : i32
        %add3A_447 = arith.addi %mul3A_445, %add3A_446 : i32
        %get3A_448 = arith.index_cast %add3A_447 : i32 to index
        %get3A_449 = arith.constant 0 : index
        %get3A_450 = tpu.vector_load %arg11[%get3A_448, %get3A_449] {strides = array<i32>} : memref<80x128xf32, #tpu.memory_space<vmem>>, vector<16xf32>,
        %mul3A_451 = arith.mulf %get3A_450, %gather3A_443 : vector<16xf32>
        %swap3A_452 = arith.index_cast %add3A_447 : i32 to index
        %swap3A_453 = arith.constant 0 : index
        %swap3A_454 = tpu.vector_load %arg11[%swap3A_452, %swap3A_453] {strides = array<i32>} : memref<80x128xf32, #tpu.memory_space<vmem>>, vector<16xf32>,
        tpu.vector_store %arg11[%swap3A_452, %swap3A_453], %mul3A_451 {strides = array<i32>} : memref<80x128xf32, #tpu.memory_space<vmem>>, vector<16xf32>,
        %get3A_455 = arith.index_cast %add3A_447 : i32 to index
        %get3A_456 = arith.constant 16 : index
        %get3A_457 = tpu.vector_load %arg11[%get3A_455, %get3A_456] {strides = array<i32>} : memref<80x128xf32, #tpu.memory_space<vmem>>, vector<16xf32>,
        %mul3A_458 = arith.mulf %get3A_457, %gather3A_443 : vector<16xf32>
        %swap3A_459 = arith.index_cast %add3A_447 : i32 to index
        %swap3A_460 = arith.constant 16 : index
        %swap3A_461 = tpu.vector_load %arg11[%swap3A_459, %swap3A_460] {strides = array<i32>} : memref<80x128xf32, #tpu.memory_space<vmem>>, vector<16xf32>,
        tpu.vector_store %arg11[%swap3A_459, %swap3A_460], %mul3A_458 {strides = array<i32>} : memref<80x128xf32, #tpu.memory_space<vmem>>, vector<16xf32>,
        %get3A_462 = arith.index_cast %add3A_447 : i32 to index
        %get3A_463 = arith.constant 32 : index
        %get3A_464 = tpu.vector_load %arg11[%get3A_462, %get3A_463] {strides = array<i32>} : memref<80x128xf32, #tpu.memory_space<vmem>>, vector<16xf32>,
        %mul3A_465 = arith.mulf %get3A_464, %gather3A_443 : vector<16xf32>
        %swap3A_466 = arith.index_cast %add3A_447 : i32 to index
        %swap3A_467 = arith.constant 32 : index
        %swap3A_468 = tpu.vector_load %arg11[%swap3A_466, %swap3A_467] {strides = array<i32>} : memref<80x128xf32, #tpu.memory_space<vmem>>, vector<16xf32>,
        tpu.vector_store %arg11[%swap3A_466, %swap3A_467], %mul3A_465 {strides = array<i32>} : memref<80x128xf32, #tpu.memory_space<vmem>>, vector<16xf32>,
        %broadcast_in_dim3A_469 = arith.constant 14 : i32
        %broadcast_in_dim3A_470 = vector.broadcast %broadcast_in_dim3A_469 : i32 to vector<16xi32>
        %broadcast_in_dim3A_471 = vector.shape_cast %broadcast_in_dim3A_470 : vector<16xi32> to vector<16x1xi32>
        %gather3A_472 = vector.shape_cast %broadcast_in_dim3A_471 : vector<16x1xi32> to vector<16xi32>
        %gather3A_473 = tpu.dynamic_gather %exp3A[%gather3A_472] in [0] : vector<16xf32>, vector<16xi32> -> vector<16xf32>
        %mul3A_474 = arith.constant 16 : i32
        %mul3A_475 = arith.muli %scan3A_27, %mul3A_474 : i32
        %add3A_476 = arith.constant 14 : i32
        %add3A_477 = arith.addi %mul3A_475, %add3A_476 : i32
        %get3A_478 = arith.index_cast %add3A_477 : i32 to index
        %get3A_479 = arith.constant 0 : index
        %get3A_480 = tpu.vector_load %arg11[%get3A_478, %get3A_479] {strides = array<i32>} : memref<80x128xf32, #tpu.memory_space<vmem>>, vector<16xf32>,
        %mul3A_481 = arith.mulf %get3A_480, %gather3A_473 : vector<16xf32>
        %swap3A_482 = arith.index_cast %add3A_477 : i32 to index
        %swap3A_483 = arith.constant 0 : index
        %swap3A_484 = tpu.vector_load %arg11[%swap3A_482, %swap3A_483] {strides = array<i32>} : memref<80x128xf32, #tpu.memory_space<vmem>>, vector<16xf32>,
        tpu.vector_store %arg11[%swap3A_482, %swap3A_483], %mul3A_481 {strides = array<i32>} : memref<80x128xf32, #tpu.memory_space<vmem>>, vector<16xf32>,
        %get3A_485 = arith.index_cast %add3A_477 : i32 to index
        %get3A_486 = arith.constant 16 : index
        %get3A_487 = tpu.vector_load %arg11[%get3A_485, %get3A_486] {strides = array<i32>} : memref<80x128xf32, #tpu.memory_space<vmem>>, vector<16xf32>,
        %mul3A_488 = arith.mulf %get3A_487, %gather3A_473 : vector<16xf32>
        %swap3A_489 = arith.index_cast %add3A_477 : i32 to index
        %swap3A_490 = arith.constant 16 : index
        %swap3A_491 = tpu.vector_load %arg11[%swap3A_489, %swap3A_490] {strides = array<i32>} : memref<80x128xf32, #tpu.memory_space<vmem>>, vector<16xf32>,
        tpu.vector_store %arg11[%swap3A_489, %swap3A_490], %mul3A_488 {strides = array<i32>} : memref<80x128xf32, #tpu.memory_space<vmem>>, vector<16xf32>,
        %get3A_492 = arith.index_cast %add3A_477 : i32 to index
        %get3A_493 = arith.constant 32 : index
        %get3A_494 = tpu.vector_load %arg11[%get3A_492, %get3A_493] {strides = array<i32>} : memref<80x128xf32, #tpu.memory_space<vmem>>, vector<16xf32>,
        %mul3A_495 = arith.mulf %get3A_494, %gather3A_473 : vector<16xf32>
        %swap3A_496 = arith.index_cast %add3A_477 : i32 to index
        %swap3A_497 = arith.constant 32 : index
        %swap3A_498 = tpu.vector_load %arg11[%swap3A_496, %swap3A_497] {strides = array<i32>} : memref<80x128xf32, #tpu.memory_space<vmem>>, vector<16xf32>,
        tpu.vector_store %arg11[%swap3A_496, %swap3A_497], %mul3A_495 {strides = array<i32>} : memref<80x128xf32, #tpu.memory_space<vmem>>, vector<16xf32>,
        %broadcast_in_dim3A_499 = arith.constant 15 : i32
        %broadcast_in_dim3A_500 = vector.broadcast %broadcast_in_dim3A_499 : i32 to vector<16xi32>
        %broadcast_in_dim3A_501 = vector.shape_cast %broadcast_in_dim3A_500 : vector<16xi32> to vector<16x1xi32>
        %gather3A_502 = vector.shape_cast %broadcast_in_dim3A_501 : vector<16x1xi32> to vector<16xi32>
        %gather3A_503 = tpu.dynamic_gather %exp3A[%gather3A_502] in [0] : vector<16xf32>, vector<16xi32> -> vector<16xf32>
        %mul3A_504 = arith.constant 16 : i32
        %mul3A_505 = arith.muli %scan3A_27, %mul3A_504 : i32
        %add3A_506 = arith.constant 15 : i32
        %add3A_507 = arith.addi %mul3A_505, %add3A_506 : i32
        %get3A_508 = arith.index_cast %add3A_507 : i32 to index
        %get3A_509 = arith.constant 0 : index
        %get3A_510 = tpu.vector_load %arg11[%get3A_508, %get3A_509] {strides = array<i32>} : memref<80x128xf32, #tpu.memory_space<vmem>>, vector<16xf32>,
        %mul3A_511 = arith.mulf %get3A_510, %gather3A_503 : vector<16xf32>
        %swap3A_512 = arith.index_cast %add3A_507 : i32 to index
        %swap3A_513 = arith.constant 0 : index
        %swap3A_514 = tpu.vector_load %arg11[%swap3A_512, %swap3A_513] {strides = array<i32>} : memref<80x128xf32, #tpu.memory_space<vmem>>, vector<16xf32>,
        tpu.vector_store %arg11[%swap3A_512, %swap3A_513], %mul3A_511 {strides = array<i32>} : memref<80x128xf32, #tpu.memory_space<vmem>>, vector<16xf32>,
        %get3A_515 = arith.index_cast %add3A_507 : i32 to index
        %get3A_516 = arith.constant 16 : index
        %get3A_517 = tpu.vector_load %arg11[%get3A_515, %get3A_516] {strides = array<i32>} : memref<80x128xf32, #tpu.memory_space<vmem>>, vector<16xf32>,
        %mul3A_518 = arith.mulf %get3A_517, %gather3A_503 : vector<16xf32>
        %swap3A_519 = arith.index_cast %add3A_507 : i32 to index
        %swap3A_520 = arith.constant 16 : index
        %swap3A_521 = tpu.vector_load %arg11[%swap3A_519, %swap3A_520] {strides = array<i32>} : memref<80x128xf32, #tpu.memory_space<vmem>>, vector<16xf32>,
        tpu.vector_store %arg11[%swap3A_519, %swap3A_520], %mul3A_518 {strides = array<i32>} : memref<80x128xf32, #tpu.memory_space<vmem>>, vector<16xf32>,
        %get3A_522 = arith.index_cast %add3A_507 : i32 to index
        %get3A_523 = arith.constant 32 : index
        %get3A_524 = tpu.vector_load %arg11[%get3A_522, %get3A_523] {strides = array<i32>} : memref<80x128xf32, #tpu.memory_space<vmem>>, vector<16xf32>,
        %mul3A_525 = arith.mulf %get3A_524, %gather3A_503 : vector<16xf32>
        %swap3A_526 = arith.index_cast %add3A_507 : i32 to index
        %swap3A_527 = arith.constant 32 : index
        %swap3A_528 = tpu.vector_load %arg11[%swap3A_526, %swap3A_527] {strides = array<i32>} : memref<80x128xf32, #tpu.memory_space<vmem>>, vector<16xf32>,
        tpu.vector_store %arg11[%swap3A_526, %swap3A_527], %mul3A_525 {strides = array<i32>} : memref<80x128xf32, #tpu.memory_space<vmem>>, vector<16xf32>,
      }
      %scan3A_26 = arith.constant 5 : i32
      "tpu.region"() ({
        %run_scoped3A = tpu.sem_alloc : memref<!tpu.dma_semaphore, #tpu.memory_space<semaphore_mem>>
        %dma_start3A_27 = arith.constant 0 : i32
        %dma_start3A_28 = arith.constant 0 : i32
        %dma_start3A_29 = tpu.memref_slice %arg12[%dma_start3A_27, %dma_start3A_28] : memref<10240x128xf32, #tpu.memory_space<vmem_shared>> -> memref<10240x128xf32, #tpu.memory_space<vmem_shared>>
        tpu.enqueue_indirect_dma source(%arg11 : memref<80x128xf32, #tpu.memory_space<vmem>>) target(%dma_start3A_29 : memref<10240x128xf32, #tpu.memory_space<vmem_shared>>) offsets(%arg10 : memref<80xi32, #tpu.memory_space<vmem>>) semaphore(%run_scoped3A : memref<!tpu.dma_semaphore, #tpu.memory_space<semaphore_mem>>) {add = true}
        %dma_wait3A_30 = arith.constant 0 : i32
        %dma_wait3A_31 = arith.constant 0 : i32
        %dma_wait3A_32 = tpu.memref_slice %arg12[%dma_wait3A_30, %dma_wait3A_31] : memref<10240x128xf32, #tpu.memory_space<vmem_shared>> -> memref<10240x128xf32, #tpu.memory_space<vmem_shared>>
        tpu.wait_indirect_dma semaphore(%run_scoped3A : memref<!tpu.dma_semaphore, #tpu.memory_space<semaphore_mem>>) src(%arg11 : memref<80x128xf32, #tpu.memory_space<vmem>>) dst(%dma_wait3A_32 : memref<10240x128xf32, #tpu.memory_space<vmem_shared>>)
        tpu.yield
      }) : () -> ()
    }
    %scan3A_10 = arith.constant 125 : i32
    %barrier3A_11 = arith.constant 0 : index
    tpu.barrier barrier_id(%barrier3A_11)
    "tpu.region"() ({
      %run_scoped3A = tpu.sem_alloc : memref<!tpu.dma_semaphore, #tpu.memory_space<semaphore_mem>>
      %dma_start3A = arith.constant 0 : i32
      %dma_start3A_12 = arith.constant 0 : i32
      %dma_start3A_13 = tpu.memref_slice %arg7[%arg0, %dma_start3A, %dma_start3A_12] : memref<2x10240x128xf32, #tpu.memory_space<hbm>> -> memref<1x10240x128xf32, #tpu.memory_space<hbm>>
      %dma_start3A_14 = tpu.memref_squeeze %dma_start3A_13 : memref<1x10240x128xf32, #tpu.memory_space<hbm>> -> memref<10240x128xf32, #tpu.memory_space<hbm>>
      %dma_start3A_15 = arith.constant 0 : i32
      %dma_start3A_16 = tpu.memref_slice %dma_start3A_14[%multiple_of3A_5, %dma_start3A_15] : memref<10240x128xf32, #tpu.memory_space<hbm>> -> memref<640x128xf32, #tpu.memory_space<hbm>>
      %dma_start3A_17 = arith.constant 0 : i32
      %dma_start3A_18 = tpu.memref_slice %arg12[%multiple_of3A_5, %dma_start3A_17] : memref<10240x128xf32, #tpu.memory_space<vmem_shared>> -> memref<640x128xf32, #tpu.memory_space<vmem_shared>>
      tpu.enqueue_dma source(%dma_start3A_18 : memref<640x128xf32, #tpu.memory_space<vmem_shared>>) target(%dma_start3A_16 : memref<640x128xf32, #tpu.memory_space<hbm>>) target_semaphore(%run_scoped3A : memref<!tpu.dma_semaphore, #tpu.memory_space<semaphore_mem>>)
      %dma_wait3A = arith.constant 0 : i32
      %dma_wait3A_19 = arith.constant 0 : i32
      %dma_wait3A_20 = tpu.memref_slice %arg7[%arg0, %dma_wait3A, %dma_wait3A_19] : memref<2x10240x128xf32, #tpu.memory_space<hbm>> -> memref<1x10240x128xf32, #tpu.memory_space<hbm>>
      %dma_wait3A_21 = tpu.memref_squeeze %dma_wait3A_20 : memref<1x10240x128xf32, #tpu.memory_space<hbm>> -> memref<10240x128xf32, #tpu.memory_space<hbm>>
      %dma_wait3A_22 = arith.constant 0 : i32
      %dma_wait3A_23 = tpu.memref_slice %dma_wait3A_21[%multiple_of3A_5, %dma_wait3A_22] : memref<10240x128xf32, #tpu.memory_space<hbm>> -> memref<640x128xf32, #tpu.memory_space<hbm>>
      %dma_wait3A_24 = arith.constant 0 : i32
      %dma_wait3A_25 = tpu.memref_slice %arg12[%multiple_of3A_5, %dma_wait3A_24] : memref<10240x128xf32, #tpu.memory_space<vmem_shared>> -> memref<640x128xf32, #tpu.memory_space<vmem_shared>>
      tpu.wait_dma2 semaphore(%run_scoped3A : memref<!tpu.dma_semaphore, #tpu.memory_space<semaphore_mem>>) src(%dma_wait3A_25 : memref<640x128xf32, #tpu.memory_space<vmem_shared>>) dst(%dma_wait3A_23 : memref<640x128xf32, #tpu.memory_space<hbm>>)
      tpu.yield
    }) : () -> ()
    return
  }
}

#map = affine_map<(d0, d1) -> (0, 0)>
#map1 = affine_map<(d0, d1) -> (0)>
#map2 = affine_map<(d0, d1) -> (0, 0, 0)>
module attributes {stable_mosaic.version = 14 : i64} {
  func.func @_sc_l1_body(%arg0: i32, %arg1: i32, %arg2: memref<40000x128xf32, #tpu.memory_space<hbm>>, %arg3: memref<10000x128xf32, #tpu.memory_space<hbm>>, %arg4: memref<320000xi32, #tpu.memory_space<hbm>>, %arg5: memref<320000xi32, #tpu.memory_space<hbm>>, %arg6: memref<10240x128xf32, #tpu.memory_space<hbm>>, %arg7: memref<8x10240x128xf32, #tpu.memory_space<hbm>>, %arg8: memref<2x10240x128xf32, #tpu.memory_space<hbm>>, %arg9: memref<2560000xf32, #tpu.memory_space<hbm>>, %arg10: memref<80x128xf32, #tpu.memory_space<vmem>>, %arg11: memref<80x128xf32, #tpu.memory_space<vmem>>, %arg12: memref<80x128xf32, #tpu.memory_space<vmem>>, %arg13: memref<80x128xf32, #tpu.memory_space<vmem>>, %arg14: memref<648xf32, #tpu.memory_space<vmem>>, %arg15: memref<80xi32, #tpu.memory_space<vmem>>, %arg16: memref<80xi32, #tpu.memory_space<vmem>>, %arg17: memref<80xi32, #tpu.memory_space<vmem>>, %arg18: memref<10240x128xf32, #tpu.memory_space<vmem_shared>>, %arg19: memref<!tpu.dma_semaphore, #tpu.memory_space<semaphore_mem>>, %arg20: memref<!tpu.dma_semaphore, #tpu.memory_space<semaphore_mem>>, %arg21: memref<!tpu.dma_semaphore, #tpu.memory_space<semaphore_mem>>) attributes {dimension_semantics = [#tpu.dimension_semantics<core_parallel>, #tpu.dimension_semantics<subcore_parallel>], iteration_bounds = array<i64: 2, 16>, scalar_prefetch = 0 : i64, scratch_operands = 12 : i64, tpu.core_type = #tpu.core_type<sc_vector_subcore>, window_params = [{transform_indices = #map}, {transform_indices = #map}, {transform_indices = #map1}, {transform_indices = #map1}, {transform_indices = #map}, {transform_indices = #map2}, {transform_indices = #map2}, {transform_indices = #map1}]} {
    %mul3A = arith.constant 2 : i32
    %mul3A_0 = arith.muli %arg1, %mul3A : i32
    %add3A = arith.addi %mul3A_0, %arg0 : i32
    %mul3A_1 = arith.constant 10000 : i32
    %mul3A_2 = arith.muli %add3A, %mul3A_1 : i32
    %multiple_of3A = tpu.assume_multiple %mul3A_2, 8 : i32
    %mul3A_3 = arith.constant 640 : i32
    %mul3A_4 = arith.muli %arg1, %mul3A_3 : i32
    %multiple_of3A_5 = tpu.assume_multiple %mul3A_4, 8 : i32
    "tpu.region"() ({
      %run_scoped3A = tpu.sem_alloc : memref<!tpu.dma_semaphore, #tpu.memory_space<semaphore_mem>>
      %dma_start3A = arith.constant 0 : i32
      %dma_start3A_82 = tpu.memref_slice %arg18[%multiple_of3A_5, %dma_start3A] : memref<10240x128xf32, #tpu.memory_space<vmem_shared>> -> memref<640x128xf32, #tpu.memory_space<vmem_shared>>
      %dma_start3A_83 = arith.constant 0 : i32
      %dma_start3A_84 = tpu.memref_slice %arg6[%multiple_of3A_5, %dma_start3A_83] : memref<10240x128xf32, #tpu.memory_space<hbm>> -> memref<640x128xf32, #tpu.memory_space<hbm>>
      tpu.enqueue_dma source(%dma_start3A_84 : memref<640x128xf32, #tpu.memory_space<hbm>>) target(%dma_start3A_82 : memref<640x128xf32, #tpu.memory_space<vmem_shared>>) target_semaphore(%run_scoped3A : memref<!tpu.dma_semaphore, #tpu.memory_space<semaphore_mem>>)
      %dma_wait3A = arith.constant 0 : i32
      %dma_wait3A_85 = tpu.memref_slice %arg18[%multiple_of3A_5, %dma_wait3A] : memref<10240x128xf32, #tpu.memory_space<vmem_shared>> -> memref<640x128xf32, #tpu.memory_space<vmem_shared>>
      %dma_wait3A_86 = arith.constant 0 : i32
      %dma_wait3A_87 = tpu.memref_slice %arg6[%multiple_of3A_5, %dma_wait3A_86] : memref<10240x128xf32, #tpu.memory_space<hbm>> -> memref<640x128xf32, #tpu.memory_space<hbm>>
      tpu.wait_dma2 semaphore(%run_scoped3A : memref<!tpu.dma_semaphore, #tpu.memory_space<semaphore_mem>>) src(%dma_wait3A_87 : memref<640x128xf32, #tpu.memory_space<hbm>>) dst(%dma_wait3A_85 : memref<640x128xf32, #tpu.memory_space<vmem_shared>>)
      tpu.yield
    }) : () -> ()
    "tpu.region"() ({
      %run_scoped3A = tpu.sem_alloc : memref<!tpu.dma_semaphore, #tpu.memory_space<semaphore_mem>>
      %dma_start3A = arith.constant 0 : i32
      %dma_start3A_82 = arith.constant 0 : i32
      %dma_start3A_83 = tpu.memref_slice %arg6[%dma_start3A, %dma_start3A_82] : memref<10240x128xf32, #tpu.memory_space<hbm>> -> memref<80x128xf32, #tpu.memory_space<hbm>>
      %dma_start3A_84 = arith.constant 0 : i32
      %dma_start3A_85 = arith.constant 0 : i32
      %dma_start3A_86 = tpu.memref_slice %arg6[%dma_start3A_84, %dma_start3A_85] : memref<10240x128xf32, #tpu.memory_space<hbm>> -> memref<80x128xf32, #tpu.memory_space<hbm>>
      tpu.enqueue_dma source(%dma_start3A_86 : memref<80x128xf32, #tpu.memory_space<hbm>>) target(%arg12 : memref<80x128xf32, #tpu.memory_space<vmem>>) target_semaphore(%run_scoped3A : memref<!tpu.dma_semaphore, #tpu.memory_space<semaphore_mem>>)
      %dma_wait3A = arith.constant 0 : i32
      %dma_wait3A_87 = arith.constant 0 : i32
      %dma_wait3A_88 = tpu.memref_slice %arg6[%dma_wait3A, %dma_wait3A_87] : memref<10240x128xf32, #tpu.memory_space<hbm>> -> memref<80x128xf32, #tpu.memory_space<hbm>>
      %dma_wait3A_89 = arith.constant 0 : i32
      %dma_wait3A_90 = arith.constant 0 : i32
      %dma_wait3A_91 = tpu.memref_slice %arg6[%dma_wait3A_89, %dma_wait3A_90] : memref<10240x128xf32, #tpu.memory_space<hbm>> -> memref<80x128xf32, #tpu.memory_space<hbm>>
      tpu.wait_dma2 semaphore(%run_scoped3A : memref<!tpu.dma_semaphore, #tpu.memory_space<semaphore_mem>>) src(%dma_wait3A_91 : memref<80x128xf32, #tpu.memory_space<hbm>>) dst(%arg12 : memref<80x128xf32, #tpu.memory_space<vmem>>)
      tpu.yield
    }) : () -> ()
    %barrier3A = arith.constant 0 : index
    tpu.barrier barrier_id(%barrier3A)
    %iota3A = tpu.iota {dimensions = array<i32: 0>} : vector<16xi32>
    %jit3A = arith.constant 8 : i32
    %eq3A = arith.constant 0 : i32
    %eq3A_6 = arith.cmpi eq, %jit3A, %eq3A : i32
    %jit3A_7 = arith.constant 1 : i32
    %select_n3A = arith.select %eq3A_6, %jit3A_7, %jit3A : i32
    %rem3A = vector.broadcast %select_n3A : i32 to vector<16xi32>
    %rem3A_8 = arith.remsi %iota3A, %rem3A : vector<16xi32>
    %ne3A = arith.constant 0 : i32
    %ne3A_9 = vector.broadcast %ne3A : i32 to vector<16xi32>
    %ne3A_10 = arith.cmpi ne, %rem3A_8, %ne3A_9 : vector<16xi32>
    %lt3A = arith.constant 0 : i32
    %lt3A_11 = vector.broadcast %lt3A : i32 to vector<16xi32>
    %lt3A_12 = arith.cmpi slt, %rem3A_8, %lt3A_11 : vector<16xi32>
    %lt3A_13 = arith.constant 0 : i32
    %lt3A_14 = arith.cmpi slt, %select_n3A, %lt3A_13 : i32
    %ne3A_15 = vector.broadcast %lt3A_14 : i1 to vector<16xi1>
    %ne3A_16 = vector.broadcast %ne3A_15 : vector<16xi1> to vector<16xi1>
    %ne3A_17 = arith.xori %lt3A_12, %ne3A_16 : vector<16xi1>
    %and3A = arith.andi %ne3A_17, %ne3A_10 : vector<16xi1>
    %add3A_18 = vector.broadcast %select_n3A : i32 to vector<16xi32>
    %add3A_19 = arith.addi %rem3A_8, %add3A_18 : vector<16xi32>
    %select_n3A_20 = arith.select %and3A, %add3A_19, %rem3A_8 : vector<16xi1>, vector<16xi32>
    %add3A_21 = arith.constant 8 : i32
    %add3A_22 = vector.broadcast %add3A_21 : i32 to vector<16xi32>
    %add3A_23 = arith.addi %select_n3A_20, %add3A_22 : vector<16xi32>
    %lt3A_24 = arith.constant 8 : i32
    %lt3A_25 = vector.broadcast %lt3A_24 : i32 to vector<16xi32>
    %lt3A_26 = arith.cmpi slt, %iota3A, %lt3A_25 : vector<16xi32>
    %scan3A = arith.constant 0 : i32
    %scan3A_27 = arith.constant 0 : i32
    %scan3A_28 = arith.constant 125 : i32
    %scan3A_29 = arith.addi %scan3A_27, %scan3A_28 : i32
    %scan3A_30 = arith.constant 1 : i32
    scf.for %scan3A_82 = %scan3A_27 to %scan3A_29 step %scan3A_30  : i32 {
      %mul3A_83 = arith.constant 80 : i32
      %mul3A_84 = arith.muli %scan3A_82, %mul3A_83 : i32
      %add3A_85 = arith.addi %multiple_of3A, %mul3A_84 : i32
      %multiple_of3A_86 = tpu.assume_multiple %add3A_85, 8 : i32
      %dma_start3A = tpu.memref_slice %arg4[%multiple_of3A_86] : memref<320000xi32, #tpu.memory_space<hbm>> -> memref<80xi32, #tpu.memory_space<hbm>>
      %dma_start3A_87 = tpu.memref_slice %arg4[%multiple_of3A_86] : memref<320000xi32, #tpu.memory_space<hbm>> -> memref<80xi32, #tpu.memory_space<hbm>>
      tpu.enqueue_dma source(%dma_start3A_87 : memref<80xi32, #tpu.memory_space<hbm>>) target(%arg15 : memref<80xi32, #tpu.memory_space<vmem>>) target_semaphore(%arg19 : memref<!tpu.dma_semaphore, #tpu.memory_space<semaphore_mem>>)
      %dma_start3A_88 = tpu.memref_slice %arg5[%multiple_of3A_86] : memref<320000xi32, #tpu.memory_space<hbm>> -> memref<80xi32, #tpu.memory_space<hbm>>
      %dma_start3A_89 = tpu.memref_slice %arg5[%multiple_of3A_86] : memref<320000xi32, #tpu.memory_space<hbm>> -> memref<80xi32, #tpu.memory_space<hbm>>
      tpu.enqueue_dma source(%dma_start3A_89 : memref<80xi32, #tpu.memory_space<hbm>>) target(%arg16 : memref<80xi32, #tpu.memory_space<vmem>>) target_semaphore(%arg20 : memref<!tpu.dma_semaphore, #tpu.memory_space<semaphore_mem>>)
      %dma_wait3A = tpu.memref_slice %arg4[%multiple_of3A_86] : memref<320000xi32, #tpu.memory_space<hbm>> -> memref<80xi32, #tpu.memory_space<hbm>>
      %dma_wait3A_90 = tpu.memref_slice %arg4[%multiple_of3A_86] : memref<320000xi32, #tpu.memory_space<hbm>> -> memref<80xi32, #tpu.memory_space<hbm>>
      tpu.wait_dma2 semaphore(%arg19 : memref<!tpu.dma_semaphore, #tpu.memory_space<semaphore_mem>>) src(%dma_wait3A_90 : memref<80xi32, #tpu.memory_space<hbm>>) dst(%arg15 : memref<80xi32, #tpu.memory_space<vmem>>)
      %dma_wait3A_91 = tpu.memref_slice %arg5[%multiple_of3A_86] : memref<320000xi32, #tpu.memory_space<hbm>> -> memref<80xi32, #tpu.memory_space<hbm>>
      %dma_wait3A_92 = tpu.memref_slice %arg5[%multiple_of3A_86] : memref<320000xi32, #tpu.memory_space<hbm>> -> memref<80xi32, #tpu.memory_space<hbm>>
      tpu.wait_dma2 semaphore(%arg20 : memref<!tpu.dma_semaphore, #tpu.memory_space<semaphore_mem>>) src(%dma_wait3A_92 : memref<80xi32, #tpu.memory_space<hbm>>) dst(%arg16 : memref<80xi32, #tpu.memory_space<vmem>>)
      %dma_start3A_93 = arith.constant 0 : i32
      %dma_start3A_94 = arith.constant 0 : i32
      %dma_start3A_95 = tpu.memref_slice %arg3[%dma_start3A_93, %dma_start3A_94] : memref<10000x128xf32, #tpu.memory_space<hbm>> -> memref<10000x128xf32, #tpu.memory_space<hbm>>
      tpu.enqueue_indirect_dma source(%dma_start3A_95 : memref<10000x128xf32, #tpu.memory_space<hbm>>) target(%arg10 : memref<80x128xf32, #tpu.memory_space<vmem>>) offsets(%arg15 : memref<80xi32, #tpu.memory_space<vmem>>) semaphore(%arg19 : memref<!tpu.dma_semaphore, #tpu.memory_space<semaphore_mem>>)
      %dma_start3A_96 = arith.constant 0 : i32
      %dma_start3A_97 = arith.constant 0 : i32
      %dma_start3A_98 = tpu.memref_slice %arg3[%dma_start3A_96, %dma_start3A_97] : memref<10000x128xf32, #tpu.memory_space<hbm>> -> memref<10000x128xf32, #tpu.memory_space<hbm>>
      tpu.enqueue_indirect_dma source(%dma_start3A_98 : memref<10000x128xf32, #tpu.memory_space<hbm>>) target(%arg11 : memref<80x128xf32, #tpu.memory_space<vmem>>) offsets(%arg16 : memref<80xi32, #tpu.memory_space<vmem>>) semaphore(%arg20 : memref<!tpu.dma_semaphore, #tpu.memory_space<semaphore_mem>>)
      %dma_wait3A_99 = arith.constant 0 : i32
      %dma_wait3A_100 = arith.constant 0 : i32
      %dma_wait3A_101 = tpu.memref_slice %arg3[%dma_wait3A_99, %dma_wait3A_100] : memref<10000x128xf32, #tpu.memory_space<hbm>> -> memref<10000x128xf32, #tpu.memory_space<hbm>>
      tpu.wait_indirect_dma semaphore(%arg19 : memref<!tpu.dma_semaphore, #tpu.memory_space<semaphore_mem>>) src(%dma_wait3A_101 : memref<10000x128xf32, #tpu.memory_space<hbm>>) dst(%arg10 : memref<80x128xf32, #tpu.memory_space<vmem>>)
      %dma_wait3A_102 = arith.constant 0 : i32
      %dma_wait3A_103 = arith.constant 0 : i32
      %dma_wait3A_104 = tpu.memref_slice %arg3[%dma_wait3A_102, %dma_wait3A_103] : memref<10000x128xf32, #tpu.memory_space<hbm>> -> memref<10000x128xf32, #tpu.memory_space<hbm>>
      tpu.wait_indirect_dma semaphore(%arg20 : memref<!tpu.dma_semaphore, #tpu.memory_space<semaphore_mem>>) src(%dma_wait3A_104 : memref<10000x128xf32, #tpu.memory_space<hbm>>) dst(%arg11 : memref<80x128xf32, #tpu.memory_space<vmem>>)
      %scan3A_105 = arith.constant 0 : i32
      %scan3A_106 = arith.constant 0 : i32
      %scan3A_107 = arith.constant 80 : i32
      %scan3A_108 = arith.addi %scan3A_106, %scan3A_107 : i32
      %scan3A_109 = arith.constant 1 : i32
      scf.for %scan3A_114 = %scan3A_106 to %scan3A_108 step %scan3A_109  : i32 {
        %get3A = arith.index_cast %scan3A_114 : i32 to index
        %get3A_115 = arith.constant 0 : index
        %get3A_116 = tpu.vector_load %arg10[%get3A, %get3A_115] {strides = array<i32>} : memref<80x128xf32, #tpu.memory_space<vmem>>, vector<16xf32>,
        %get3A_117 = arith.index_cast %scan3A_114 : i32 to index
        %get3A_118 = arith.constant 0 : index
        %get3A_119 = tpu.vector_load %arg11[%get3A_117, %get3A_118] {strides = array<i32>} : memref<80x128xf32, #tpu.memory_space<vmem>>, vector<16xf32>,
        %broadcast_in_dim3A = vector.shape_cast %add3A_23 : vector<16xi32> to vector<16x1xi32>
        %gather3A = vector.shape_cast %broadcast_in_dim3A : vector<16x1xi32> to vector<16xi32>
        %gather3A_120 = tpu.dynamic_gather %get3A_119[%gather3A] in [0] : vector<16xf32>, vector<16xi32> -> vector<16xf32>
        %add3A_121 = arith.addf %get3A_116, %gather3A_120 : vector<16xf32>
        %ge3A = arith.constant 0.000000e+00 : f32
        %ge3A_122 = vector.broadcast %ge3A : f32 to vector<16xf32>
        %ge3A_123 = arith.cmpf oge, %add3A_121, %ge3A_122 : vector<16xf32>
        %mul3A_124 = arith.constant 2.000000e-01 : f32
        %mul3A_125 = vector.broadcast %mul3A_124 : f32 to vector<16xf32>
        %mul3A_126 = arith.mulf %mul3A_125, %add3A_121 : vector<16xf32>
        %select_n3A_127 = arith.select %ge3A_123, %add3A_121, %mul3A_126 : vector<16xi1>, vector<16xf32>
        %exp3A = math.exp %select_n3A_127 : vector<16xf32>
        %jit3A_128 = arith.constant 0.000000e+00 : f32
        %broadcast_in_dim3A_129 = vector.broadcast %jit3A_128 : f32 to vector<16xf32>
        %select_n3A_130 = arith.select %lt3A_26, %exp3A, %broadcast_in_dim3A_129 : vector<16xi1>, vector<16xf32>
        %swap3A = arith.index_cast %scan3A_114 : i32 to index
        %swap3A_131 = arith.constant 0 : index
        %swap3A_132 = tpu.vector_load %arg12[%swap3A, %swap3A_131] {strides = array<i32>} : memref<80x128xf32, #tpu.memory_space<vmem>>, vector<16xf32>,
        tpu.vector_store %arg12[%swap3A, %swap3A_131], %select_n3A_130 {strides = array<i32>} : memref<80x128xf32, #tpu.memory_space<vmem>>, vector<16xf32>,
        %mul3A_133 = arith.constant 8 : i32
        %mul3A_134 = arith.muli %scan3A_114, %mul3A_133 : i32
        %swap3A_135 = arith.index_cast %mul3A_134 : i32 to index
        %swap3A_136 = tpu.vector_load %arg14[%swap3A_135] masked %lt3A_26 {strides = array<i32>} : memref<648xf32, #tpu.memory_space<vmem>>, vector<16xf32>, vector<16xi1>
        tpu.vector_store %arg14[%swap3A_135], %exp3A masked %lt3A_26 {strides = array<i32>} : memref<648xf32, #tpu.memory_space<vmem>>, vector<16xf32>, vector<16xi1>
      }
      %scan3A_110 = arith.constant 80 : i32
      "tpu.region"() ({
        %run_scoped3A = tpu.sem_alloc : memref<!tpu.dma_semaphore, #tpu.memory_space<semaphore_mem>>
        %dma_start3A_114 = arith.constant 0 : i32
        %dma_start3A_115 = arith.constant 0 : i32
        %dma_start3A_116 = tpu.memref_slice %arg18[%dma_start3A_114, %dma_start3A_115] : memref<10240x128xf32, #tpu.memory_space<vmem_shared>> -> memref<10240x128xf32, #tpu.memory_space<vmem_shared>>
        tpu.enqueue_indirect_dma source(%arg12 : memref<80x128xf32, #tpu.memory_space<vmem>>) target(%dma_start3A_116 : memref<10240x128xf32, #tpu.memory_space<vmem_shared>>) offsets(%arg16 : memref<80xi32, #tpu.memory_space<vmem>>) semaphore(%run_scoped3A : memref<!tpu.dma_semaphore, #tpu.memory_space<semaphore_mem>>) {add = true}
        %dma_wait3A_117 = arith.constant 0 : i32
        %dma_wait3A_118 = arith.constant 0 : i32
        %dma_wait3A_119 = tpu.memref_slice %arg18[%dma_wait3A_117, %dma_wait3A_118] : memref<10240x128xf32, #tpu.memory_space<vmem_shared>> -> memref<10240x128xf32, #tpu.memory_space<vmem_shared>>
        tpu.wait_indirect_dma semaphore(%run_scoped3A : memref<!tpu.dma_semaphore, #tpu.memory_space<semaphore_mem>>) src(%arg12 : memref<80x128xf32, #tpu.memory_space<vmem>>) dst(%dma_wait3A_119 : memref<10240x128xf32, #tpu.memory_space<vmem_shared>>)
        tpu.yield
      }) : () -> ()
      %mul3A_111 = arith.constant 8 : i32
      %mul3A_112 = arith.muli %multiple_of3A_86, %mul3A_111 : i32
      %multiple_of3A_113 = tpu.assume_multiple %mul3A_112, 8 : i32
      "tpu.region"() ({
        %run_scoped3A = tpu.sem_alloc : memref<!tpu.dma_semaphore, #tpu.memory_space<semaphore_mem>>
        %dma_start3A_114 = arith.constant 0 : i32
        %dma_start3A_115 = tpu.memref_slice %arg14[%dma_start3A_114] : memref<648xf32, #tpu.memory_space<vmem>> -> memref<640xf32, #tpu.memory_space<vmem>>
        %dma_start3A_116 = tpu.memref_slice %arg9[%multiple_of3A_113] : memref<2560000xf32, #tpu.memory_space<hbm>> -> memref<640xf32, #tpu.memory_space<hbm>>
        %dma_start3A_117 = tpu.memref_slice %arg9[%multiple_of3A_113] : memref<2560000xf32, #tpu.memory_space<hbm>> -> memref<640xf32, #tpu.memory_space<hbm>>
        %dma_start3A_118 = arith.constant 0 : i32
        %dma_start3A_119 = tpu.memref_slice %arg14[%dma_start3A_118] : memref<648xf32, #tpu.memory_space<vmem>> -> memref<640xf32, #tpu.memory_space<vmem>>
        tpu.enqueue_dma source(%dma_start3A_119 : memref<640xf32, #tpu.memory_space<vmem>>) target(%dma_start3A_117 : memref<640xf32, #tpu.memory_space<hbm>>) target_semaphore(%run_scoped3A : memref<!tpu.dma_semaphore, #tpu.memory_space<semaphore_mem>>)
        %dma_wait3A_120 = arith.constant 0 : i32
        %dma_wait3A_121 = tpu.memref_slice %arg14[%dma_wait3A_120] : memref<648xf32, #tpu.memory_space<vmem>> -> memref<640xf32, #tpu.memory_space<vmem>>
        %dma_wait3A_122 = tpu.memref_slice %arg9[%multiple_of3A_113] : memref<2560000xf32, #tpu.memory_space<hbm>> -> memref<640xf32, #tpu.memory_space<hbm>>
        %dma_wait3A_123 = tpu.memref_slice %arg9[%multiple_of3A_113] : memref<2560000xf32, #tpu.memory_space<hbm>> -> memref<640xf32, #tpu.memory_space<hbm>>
        %dma_wait3A_124 = arith.constant 0 : i32
        %dma_wait3A_125 = tpu.memref_slice %arg14[%dma_wait3A_124] : memref<648xf32, #tpu.memory_space<vmem>> -> memref<640xf32, #tpu.memory_space<vmem>>
        tpu.wait_dma2 semaphore(%run_scoped3A : memref<!tpu.dma_semaphore, #tpu.memory_space<semaphore_mem>>) src(%dma_wait3A_125 : memref<640xf32, #tpu.memory_space<vmem>>) dst(%dma_wait3A_123 : memref<640xf32, #tpu.memory_space<hbm>>)
        tpu.yield
      }) : () -> ()
    }
    %scan3A_31 = arith.constant 125 : i32
    %barrier3A_32 = arith.constant 0 : index
    tpu.barrier barrier_id(%barrier3A_32)
    "tpu.region"() ({
      %run_scoped3A = tpu.sem_alloc : memref<!tpu.dma_semaphore, #tpu.memory_space<semaphore_mem>>
      %dma_start3A = arith.constant 0 : i32
      %dma_start3A_82 = arith.constant 0 : i32
      %dma_start3A_83 = tpu.memref_slice %arg8[%arg0, %dma_start3A, %dma_start3A_82] : memref<2x10240x128xf32, #tpu.memory_space<hbm>> -> memref<1x10240x128xf32, #tpu.memory_space<hbm>>
      %dma_start3A_84 = tpu.memref_squeeze %dma_start3A_83 : memref<1x10240x128xf32, #tpu.memory_space<hbm>> -> memref<10240x128xf32, #tpu.memory_space<hbm>>
      %dma_start3A_85 = arith.constant 0 : i32
      %dma_start3A_86 = tpu.memref_slice %dma_start3A_84[%multiple_of3A_5, %dma_start3A_85] : memref<10240x128xf32, #tpu.memory_space<hbm>> -> memref<640x128xf32, #tpu.memory_space<hbm>>
      %dma_start3A_87 = arith.constant 0 : i32
      %dma_start3A_88 = tpu.memref_slice %arg18[%multiple_of3A_5, %dma_start3A_87] : memref<10240x128xf32, #tpu.memory_space<vmem_shared>> -> memref<640x128xf32, #tpu.memory_space<vmem_shared>>
      tpu.enqueue_dma source(%dma_start3A_88 : memref<640x128xf32, #tpu.memory_space<vmem_shared>>) target(%dma_start3A_86 : memref<640x128xf32, #tpu.memory_space<hbm>>) target_semaphore(%run_scoped3A : memref<!tpu.dma_semaphore, #tpu.memory_space<semaphore_mem>>)
      %dma_wait3A = arith.constant 0 : i32
      %dma_wait3A_89 = arith.constant 0 : i32
      %dma_wait3A_90 = tpu.memref_slice %arg8[%arg0, %dma_wait3A, %dma_wait3A_89] : memref<2x10240x128xf32, #tpu.memory_space<hbm>> -> memref<1x10240x128xf32, #tpu.memory_space<hbm>>
      %dma_wait3A_91 = tpu.memref_squeeze %dma_wait3A_90 : memref<1x10240x128xf32, #tpu.memory_space<hbm>> -> memref<10240x128xf32, #tpu.memory_space<hbm>>
      %dma_wait3A_92 = arith.constant 0 : i32
      %dma_wait3A_93 = tpu.memref_slice %dma_wait3A_91[%multiple_of3A_5, %dma_wait3A_92] : memref<10240x128xf32, #tpu.memory_space<hbm>> -> memref<640x128xf32, #tpu.memory_space<hbm>>
      %dma_wait3A_94 = arith.constant 0 : i32
      %dma_wait3A_95 = tpu.memref_slice %arg18[%multiple_of3A_5, %dma_wait3A_94] : memref<10240x128xf32, #tpu.memory_space<vmem_shared>> -> memref<640x128xf32, #tpu.memory_space<vmem_shared>>
      tpu.wait_dma2 semaphore(%run_scoped3A : memref<!tpu.dma_semaphore, #tpu.memory_space<semaphore_mem>>) src(%dma_wait3A_95 : memref<640x128xf32, #tpu.memory_space<vmem_shared>>) dst(%dma_wait3A_93 : memref<640x128xf32, #tpu.memory_space<hbm>>)
      tpu.yield
    }) : () -> ()
    "tpu.region"() ({
      %run_scoped3A = tpu.sem_alloc : memref<!tpu.dma_semaphore, #tpu.memory_space<semaphore_mem>>
      %dma_start3A = arith.constant 0 : i32
      %dma_start3A_82 = tpu.memref_slice %arg18[%multiple_of3A_5, %dma_start3A] : memref<10240x128xf32, #tpu.memory_space<vmem_shared>> -> memref<640x128xf32, #tpu.memory_space<vmem_shared>>
      %dma_start3A_83 = arith.constant 0 : i32
      %dma_start3A_84 = tpu.memref_slice %arg6[%multiple_of3A_5, %dma_start3A_83] : memref<10240x128xf32, #tpu.memory_space<hbm>> -> memref<640x128xf32, #tpu.memory_space<hbm>>
      tpu.enqueue_dma source(%dma_start3A_84 : memref<640x128xf32, #tpu.memory_space<hbm>>) target(%dma_start3A_82 : memref<640x128xf32, #tpu.memory_space<vmem_shared>>) target_semaphore(%run_scoped3A : memref<!tpu.dma_semaphore, #tpu.memory_space<semaphore_mem>>)
      %dma_wait3A = arith.constant 0 : i32
      %dma_wait3A_85 = tpu.memref_slice %arg18[%multiple_of3A_5, %dma_wait3A] : memref<10240x128xf32, #tpu.memory_space<vmem_shared>> -> memref<640x128xf32, #tpu.memory_space<vmem_shared>>
      %dma_wait3A_86 = arith.constant 0 : i32
      %dma_wait3A_87 = tpu.memref_slice %arg6[%multiple_of3A_5, %dma_wait3A_86] : memref<10240x128xf32, #tpu.memory_space<hbm>> -> memref<640x128xf32, #tpu.memory_space<hbm>>
      tpu.wait_dma2 semaphore(%run_scoped3A : memref<!tpu.dma_semaphore, #tpu.memory_space<semaphore_mem>>) src(%dma_wait3A_87 : memref<640x128xf32, #tpu.memory_space<hbm>>) dst(%dma_wait3A_85 : memref<640x128xf32, #tpu.memory_space<vmem_shared>>)
      tpu.yield
    }) : () -> ()
    %barrier3A_33 = arith.constant 0 : index
    tpu.barrier barrier_id(%barrier3A_33)
    %scan3A_34 = arith.constant 0 : i32
    %scan3A_35 = arith.constant 0 : i32
    %scan3A_36 = arith.constant 125 : i32
    %scan3A_37 = arith.addi %scan3A_35, %scan3A_36 : i32
    %scan3A_38 = arith.constant 1 : i32
    scf.for %scan3A_82 = %scan3A_35 to %scan3A_37 step %scan3A_38  : i32 {
      %mul3A_83 = arith.constant 80 : i32
      %mul3A_84 = arith.muli %scan3A_82, %mul3A_83 : i32
      %add3A_85 = arith.addi %multiple_of3A, %mul3A_84 : i32
      %multiple_of3A_86 = tpu.assume_multiple %add3A_85, 8 : i32
      %dma_start3A = tpu.memref_slice %arg4[%multiple_of3A_86] : memref<320000xi32, #tpu.memory_space<hbm>> -> memref<80xi32, #tpu.memory_space<hbm>>
      %dma_start3A_87 = tpu.memref_slice %arg4[%multiple_of3A_86] : memref<320000xi32, #tpu.memory_space<hbm>> -> memref<80xi32, #tpu.memory_space<hbm>>
      tpu.enqueue_dma source(%dma_start3A_87 : memref<80xi32, #tpu.memory_space<hbm>>) target(%arg15 : memref<80xi32, #tpu.memory_space<vmem>>) target_semaphore(%arg19 : memref<!tpu.dma_semaphore, #tpu.memory_space<semaphore_mem>>)
      %dma_start3A_88 = tpu.memref_slice %arg5[%multiple_of3A_86] : memref<320000xi32, #tpu.memory_space<hbm>> -> memref<80xi32, #tpu.memory_space<hbm>>
      %dma_start3A_89 = tpu.memref_slice %arg5[%multiple_of3A_86] : memref<320000xi32, #tpu.memory_space<hbm>> -> memref<80xi32, #tpu.memory_space<hbm>>
      tpu.enqueue_dma source(%dma_start3A_89 : memref<80xi32, #tpu.memory_space<hbm>>) target(%arg16 : memref<80xi32, #tpu.memory_space<vmem>>) target_semaphore(%arg20 : memref<!tpu.dma_semaphore, #tpu.memory_space<semaphore_mem>>)
      %mul3A_90 = arith.constant 8 : i32
      %mul3A_91 = arith.muli %multiple_of3A_86, %mul3A_90 : i32
      %multiple_of3A_92 = tpu.assume_multiple %mul3A_91, 8 : i32
      %dma_start3A_93 = arith.constant 0 : i32
      %dma_start3A_94 = tpu.memref_slice %arg14[%dma_start3A_93] : memref<648xf32, #tpu.memory_space<vmem>> -> memref<640xf32, #tpu.memory_space<vmem>>
      %dma_start3A_95 = tpu.memref_slice %arg9[%multiple_of3A_92] : memref<2560000xf32, #tpu.memory_space<hbm>> -> memref<640xf32, #tpu.memory_space<hbm>>
      %dma_start3A_96 = arith.constant 0 : i32
      %dma_start3A_97 = tpu.memref_slice %arg14[%dma_start3A_96] : memref<648xf32, #tpu.memory_space<vmem>> -> memref<640xf32, #tpu.memory_space<vmem>>
      %dma_start3A_98 = tpu.memref_slice %arg9[%multiple_of3A_92] : memref<2560000xf32, #tpu.memory_space<hbm>> -> memref<640xf32, #tpu.memory_space<hbm>>
      tpu.enqueue_dma source(%dma_start3A_98 : memref<640xf32, #tpu.memory_space<hbm>>) target(%dma_start3A_97 : memref<640xf32, #tpu.memory_space<vmem>>) target_semaphore(%arg21 : memref<!tpu.dma_semaphore, #tpu.memory_space<semaphore_mem>>)
      %dma_wait3A = tpu.memref_slice %arg4[%multiple_of3A_86] : memref<320000xi32, #tpu.memory_space<hbm>> -> memref<80xi32, #tpu.memory_space<hbm>>
      %dma_wait3A_99 = tpu.memref_slice %arg4[%multiple_of3A_86] : memref<320000xi32, #tpu.memory_space<hbm>> -> memref<80xi32, #tpu.memory_space<hbm>>
      tpu.wait_dma2 semaphore(%arg19 : memref<!tpu.dma_semaphore, #tpu.memory_space<semaphore_mem>>) src(%dma_wait3A_99 : memref<80xi32, #tpu.memory_space<hbm>>) dst(%arg15 : memref<80xi32, #tpu.memory_space<vmem>>)
      %scan3A_100 = arith.constant 0 : i32
      %scan3A_101 = arith.constant 0 : i32
      %scan3A_102 = arith.constant 5 : i32
      %scan3A_103 = arith.addi %scan3A_101, %scan3A_102 : i32
      %scan3A_104 = arith.constant 1 : i32
      scf.for %scan3A_126 = %scan3A_101 to %scan3A_103 step %scan3A_104  : i32 {
        %mul3A_127 = arith.constant 16 : i32
        %mul3A_128 = arith.muli %scan3A_126, %mul3A_127 : i32
        %get3A = arith.index_cast %mul3A_128 : i32 to index
        %get3A_129 = tpu.vector_load %arg15[%get3A] {strides = array<i32>} : memref<80xi32, #tpu.memory_space<vmem>>, vector<16xi32>,
        %add3A_130 = arith.constant 0 : i32
        %add3A_131 = vector.broadcast %add3A_130 : i32 to vector<16xi32>
        %add3A_132 = arith.addi %get3A_129, %add3A_131 : vector<16xi32>
        %mul3A_133 = arith.constant 16 : i32
        %mul3A_134 = arith.muli %scan3A_126, %mul3A_133 : i32
        %swap3A = arith.index_cast %mul3A_134 : i32 to index
        %swap3A_135 = tpu.vector_load %arg17[%swap3A] {strides = array<i32>} : memref<80xi32, #tpu.memory_space<vmem>>, vector<16xi32>,
        tpu.vector_store %arg17[%swap3A], %add3A_132 {strides = array<i32>} : memref<80xi32, #tpu.memory_space<vmem>>, vector<16xi32>,
      }
      %scan3A_105 = arith.constant 5 : i32
      %dma_start3A_106 = arith.constant 0 : i32
      %dma_start3A_107 = arith.constant 0 : i32
      %dma_start3A_108 = tpu.memref_slice %arg2[%dma_start3A_106, %dma_start3A_107] : memref<40000x128xf32, #tpu.memory_space<hbm>> -> memref<40000x128xf32, #tpu.memory_space<hbm>>
      tpu.enqueue_indirect_dma source(%dma_start3A_108 : memref<40000x128xf32, #tpu.memory_space<hbm>>) target(%arg13 : memref<80x128xf32, #tpu.memory_space<vmem>>) offsets(%arg17 : memref<80xi32, #tpu.memory_space<vmem>>) semaphore(%arg19 : memref<!tpu.dma_semaphore, #tpu.memory_space<semaphore_mem>>)
      %dma_wait3A_109 = arith.constant 0 : i32
      %dma_wait3A_110 = arith.constant 0 : i32
      %dma_wait3A_111 = tpu.memref_slice %arg2[%dma_wait3A_109, %dma_wait3A_110] : memref<40000x128xf32, #tpu.memory_space<hbm>> -> memref<40000x128xf32, #tpu.memory_space<hbm>>
      tpu.wait_indirect_dma semaphore(%arg19 : memref<!tpu.dma_semaphore, #tpu.memory_space<semaphore_mem>>) src(%dma_wait3A_111 : memref<40000x128xf32, #tpu.memory_space<hbm>>) dst(%arg13 : memref<80x128xf32, #tpu.memory_space<vmem>>)
      %dma_wait3A_112 = tpu.memref_slice %arg5[%multiple_of3A_86] : memref<320000xi32, #tpu.memory_space<hbm>> -> memref<80xi32, #tpu.memory_space<hbm>>
      %dma_wait3A_113 = tpu.memref_slice %arg5[%multiple_of3A_86] : memref<320000xi32, #tpu.memory_space<hbm>> -> memref<80xi32, #tpu.memory_space<hbm>>
      tpu.wait_dma2 semaphore(%arg20 : memref<!tpu.dma_semaphore, #tpu.memory_space<semaphore_mem>>) src(%dma_wait3A_113 : memref<80xi32, #tpu.memory_space<hbm>>) dst(%arg16 : memref<80xi32, #tpu.memory_space<vmem>>)
      %dma_wait3A_114 = arith.constant 0 : i32
      %dma_wait3A_115 = tpu.memref_slice %arg14[%dma_wait3A_114] : memref<648xf32, #tpu.memory_space<vmem>> -> memref<640xf32, #tpu.memory_space<vmem>>
      %dma_wait3A_116 = tpu.memref_slice %arg9[%multiple_of3A_92] : memref<2560000xf32, #tpu.memory_space<hbm>> -> memref<640xf32, #tpu.memory_space<hbm>>
      %dma_wait3A_117 = arith.constant 0 : i32
      %dma_wait3A_118 = tpu.memref_slice %arg14[%dma_wait3A_117] : memref<648xf32, #tpu.memory_space<vmem>> -> memref<640xf32, #tpu.memory_space<vmem>>
      %dma_wait3A_119 = tpu.memref_slice %arg9[%multiple_of3A_92] : memref<2560000xf32, #tpu.memory_space<hbm>> -> memref<640xf32, #tpu.memory_space<hbm>>
      tpu.wait_dma2 semaphore(%arg21 : memref<!tpu.dma_semaphore, #tpu.memory_space<semaphore_mem>>) src(%dma_wait3A_119 : memref<640xf32, #tpu.memory_space<hbm>>) dst(%dma_wait3A_118 : memref<640xf32, #tpu.memory_space<vmem>>)
      %scan3A_120 = arith.constant 0 : i32
      %scan3A_121 = arith.constant 0 : i32
      %scan3A_122 = arith.constant 80 : i32
      %scan3A_123 = arith.addi %scan3A_121, %scan3A_122 : i32
      %scan3A_124 = arith.constant 1 : i32
      scf.for %scan3A_126 = %scan3A_121 to %scan3A_123 step %scan3A_124  : i32 {
        %mul3A_127 = arith.constant 8 : i32
        %mul3A_128 = arith.muli %scan3A_126, %mul3A_127 : i32
        %get3A = arith.index_cast %mul3A_128 : i32 to index
        %get3A_129 = tpu.vector_load %arg14[%get3A] {strides = array<i32>} : memref<648xf32, #tpu.memory_space<vmem>>, vector<16xf32>,
        %broadcast_in_dim3A = arith.constant 0 : i32
        %broadcast_in_dim3A_130 = vector.broadcast %broadcast_in_dim3A : i32 to vector<16xi32>
        %broadcast_in_dim3A_131 = vector.shape_cast %broadcast_in_dim3A_130 : vector<16xi32> to vector<16x1xi32>
        %gather3A = vector.shape_cast %broadcast_in_dim3A_131 : vector<16x1xi32> to vector<16xi32>
        %gather3A_132 = tpu.dynamic_gather %get3A_129[%gather3A] in [0] : vector<16xf32>, vector<16xi32> -> vector<16xf32>
        %broadcast_in_dim3A_133 = arith.constant 1 : i32
        %broadcast_in_dim3A_134 = vector.broadcast %broadcast_in_dim3A_133 : i32 to vector<16xi32>
        %broadcast_in_dim3A_135 = vector.shape_cast %broadcast_in_dim3A_134 : vector<16xi32> to vector<16x1xi32>
        %gather3A_136 = vector.shape_cast %broadcast_in_dim3A_135 : vector<16x1xi32> to vector<16xi32>
        %gather3A_137 = tpu.dynamic_gather %get3A_129[%gather3A_136] in [0] : vector<16xf32>, vector<16xi32> -> vector<16xf32>
        %get3A_138 = arith.index_cast %scan3A_126 : i32 to index
        %get3A_139 = arith.constant 0 : index
        %get3A_140 = tpu.vector_load %arg13[%get3A_138, %get3A_139] {strides = array<i32>} : memref<80x128xf32, #tpu.memory_space<vmem>>, vector<16xf32>,
        %mul3A_141 = arith.mulf %get3A_140, %gather3A_132 : vector<16xf32>
        %swap3A = arith.index_cast %scan3A_126 : i32 to index
        %swap3A_142 = arith.constant 0 : index
        %swap3A_143 = tpu.vector_load %arg13[%swap3A, %swap3A_142] {strides = array<i32>} : memref<80x128xf32, #tpu.memory_space<vmem>>, vector<16xf32>,
        tpu.vector_store %arg13[%swap3A, %swap3A_142], %mul3A_141 {strides = array<i32>} : memref<80x128xf32, #tpu.memory_space<vmem>>, vector<16xf32>,
        %get3A_144 = arith.index_cast %scan3A_126 : i32 to index
        %get3A_145 = arith.constant 16 : index
        %get3A_146 = tpu.vector_load %arg13[%get3A_144, %get3A_145] {strides = array<i32>} : memref<80x128xf32, #tpu.memory_space<vmem>>, vector<16xf32>,
        %mul3A_147 = arith.mulf %get3A_146, %gather3A_132 : vector<16xf32>
        %swap3A_148 = arith.index_cast %scan3A_126 : i32 to index
        %swap3A_149 = arith.constant 16 : index
        %swap3A_150 = tpu.vector_load %arg13[%swap3A_148, %swap3A_149] {strides = array<i32>} : memref<80x128xf32, #tpu.memory_space<vmem>>, vector<16xf32>,
        tpu.vector_store %arg13[%swap3A_148, %swap3A_149], %mul3A_147 {strides = array<i32>} : memref<80x128xf32, #tpu.memory_space<vmem>>, vector<16xf32>,
        %get3A_151 = arith.index_cast %scan3A_126 : i32 to index
        %get3A_152 = arith.constant 32 : index
        %get3A_153 = tpu.vector_load %arg13[%get3A_151, %get3A_152] {strides = array<i32>} : memref<80x128xf32, #tpu.memory_space<vmem>>, vector<16xf32>,
        %mul3A_154 = arith.mulf %get3A_153, %gather3A_132 : vector<16xf32>
        %swap3A_155 = arith.index_cast %scan3A_126 : i32 to index
        %swap3A_156 = arith.constant 32 : index
        %swap3A_157 = tpu.vector_load %arg13[%swap3A_155, %swap3A_156] {strides = array<i32>} : memref<80x128xf32, #tpu.memory_space<vmem>>, vector<16xf32>,
        tpu.vector_store %arg13[%swap3A_155, %swap3A_156], %mul3A_154 {strides = array<i32>} : memref<80x128xf32, #tpu.memory_space<vmem>>, vector<16xf32>,
        %get3A_158 = arith.index_cast %scan3A_126 : i32 to index
        %get3A_159 = arith.constant 48 : index
        %get3A_160 = tpu.vector_load %arg13[%get3A_158, %get3A_159] {strides = array<i32>} : memref<80x128xf32, #tpu.memory_space<vmem>>, vector<16xf32>,
        %mul3A_161 = arith.mulf %get3A_160, %gather3A_132 : vector<16xf32>
        %swap3A_162 = arith.index_cast %scan3A_126 : i32 to index
        %swap3A_163 = arith.constant 48 : index
        %swap3A_164 = tpu.vector_load %arg13[%swap3A_162, %swap3A_163] {strides = array<i32>} : memref<80x128xf32, #tpu.memory_space<vmem>>, vector<16xf32>,
        tpu.vector_store %arg13[%swap3A_162, %swap3A_163], %mul3A_161 {strides = array<i32>} : memref<80x128xf32, #tpu.memory_space<vmem>>, vector<16xf32>,
        %get3A_165 = arith.index_cast %scan3A_126 : i32 to index
        %get3A_166 = arith.constant 64 : index
        %get3A_167 = tpu.vector_load %arg13[%get3A_165, %get3A_166] {strides = array<i32>} : memref<80x128xf32, #tpu.memory_space<vmem>>, vector<16xf32>,
        %mul3A_168 = arith.mulf %get3A_167, %gather3A_137 : vector<16xf32>
        %swap3A_169 = arith.index_cast %scan3A_126 : i32 to index
        %swap3A_170 = arith.constant 64 : index
        %swap3A_171 = tpu.vector_load %arg13[%swap3A_169, %swap3A_170] {strides = array<i32>} : memref<80x128xf32, #tpu.memory_space<vmem>>, vector<16xf32>,
        tpu.vector_store %arg13[%swap3A_169, %swap3A_170], %mul3A_168 {strides = array<i32>} : memref<80x128xf32, #tpu.memory_space<vmem>>, vector<16xf32>,
        %get3A_172 = arith.index_cast %scan3A_126 : i32 to index
        %get3A_173 = arith.constant 80 : index
        %get3A_174 = tpu.vector_load %arg13[%get3A_172, %get3A_173] {strides = array<i32>} : memref<80x128xf32, #tpu.memory_space<vmem>>, vector<16xf32>,
        %mul3A_175 = arith.mulf %get3A_174, %gather3A_137 : vector<16xf32>
        %swap3A_176 = arith.index_cast %scan3A_126 : i32 to index
        %swap3A_177 = arith.constant 80 : index
        %swap3A_178 = tpu.vector_load %arg13[%swap3A_176, %swap3A_177] {strides = array<i32>} : memref<80x128xf32, #tpu.memory_space<vmem>>, vector<16xf32>,
        tpu.vector_store %arg13[%swap3A_176, %swap3A_177], %mul3A_175 {strides = array<i32>} : memref<80x128xf32, #tpu.memory_space<vmem>>, vector<16xf32>,
        %get3A_179 = arith.index_cast %scan3A_126 : i32 to index
        %get3A_180 = arith.constant 96 : index
        %get3A_181 = tpu.vector_load %arg13[%get3A_179, %get3A_180] {strides = array<i32>} : memref<80x128xf32, #tpu.memory_space<vmem>>, vector<16xf32>,
        %mul3A_182 = arith.mulf %get3A_181, %gather3A_137 : vector<16xf32>
        %swap3A_183 = arith.index_cast %scan3A_126 : i32 to index
        %swap3A_184 = arith.constant 96 : index
        %swap3A_185 = tpu.vector_load %arg13[%swap3A_183, %swap3A_184] {strides = array<i32>} : memref<80x128xf32, #tpu.memory_space<vmem>>, vector<16xf32>,
        tpu.vector_store %arg13[%swap3A_183, %swap3A_184], %mul3A_182 {strides = array<i32>} : memref<80x128xf32, #tpu.memory_space<vmem>>, vector<16xf32>,
        %get3A_186 = arith.index_cast %scan3A_126 : i32 to index
        %get3A_187 = arith.constant 112 : index
        %get3A_188 = tpu.vector_load %arg13[%get3A_186, %get3A_187] {strides = array<i32>} : memref<80x128xf32, #tpu.memory_space<vmem>>, vector<16xf32>,
        %mul3A_189 = arith.mulf %get3A_188, %gather3A_137 : vector<16xf32>
        %swap3A_190 = arith.index_cast %scan3A_126 : i32 to index
        %swap3A_191 = arith.constant 112 : index
        %swap3A_192 = tpu.vector_load %arg13[%swap3A_190, %swap3A_191] {strides = array<i32>} : memref<80x128xf32, #tpu.memory_space<vmem>>, vector<16xf32>,
        tpu.vector_store %arg13[%swap3A_190, %swap3A_191], %mul3A_189 {strides = array<i32>} : memref<80x128xf32, #tpu.memory_space<vmem>>, vector<16xf32>,
      }
      %scan3A_125 = arith.constant 80 : i32
      "tpu.region"() ({
        %run_scoped3A = tpu.sem_alloc : memref<!tpu.dma_semaphore, #tpu.memory_space<semaphore_mem>>
        %dma_start3A_126 = arith.constant 0 : i32
        %dma_start3A_127 = arith.constant 0 : i32
        %dma_start3A_128 = tpu.memref_slice %arg18[%dma_start3A_126, %dma_start3A_127] : memref<10240x128xf32, #tpu.memory_space<vmem_shared>> -> memref<10240x128xf32, #tpu.memory_space<vmem_shared>>
        tpu.enqueue_indirect_dma source(%arg13 : memref<80x128xf32, #tpu.memory_space<vmem>>) target(%dma_start3A_128 : memref<10240x128xf32, #tpu.memory_space<vmem_shared>>) offsets(%arg16 : memref<80xi32, #tpu.memory_space<vmem>>) semaphore(%run_scoped3A : memref<!tpu.dma_semaphore, #tpu.memory_space<semaphore_mem>>) {add = true}
        %dma_wait3A_129 = arith.constant 0 : i32
        %dma_wait3A_130 = arith.constant 0 : i32
        %dma_wait3A_131 = tpu.memref_slice %arg18[%dma_wait3A_129, %dma_wait3A_130] : memref<10240x128xf32, #tpu.memory_space<vmem_shared>> -> memref<10240x128xf32, #tpu.memory_space<vmem_shared>>
        tpu.wait_indirect_dma semaphore(%run_scoped3A : memref<!tpu.dma_semaphore, #tpu.memory_space<semaphore_mem>>) src(%arg13 : memref<80x128xf32, #tpu.memory_space<vmem>>) dst(%dma_wait3A_131 : memref<10240x128xf32, #tpu.memory_space<vmem_shared>>)
        tpu.yield
      }) : () -> ()
    }
    %scan3A_39 = arith.constant 125 : i32
    %barrier3A_40 = arith.constant 0 : index
    tpu.barrier barrier_id(%barrier3A_40)
    %mul3A_41 = arith.constant 4 : i32
    %mul3A_42 = arith.muli %arg0, %mul3A_41 : i32
    %add3A_43 = arith.constant 0 : i32
    %add3A_44 = arith.addi %mul3A_42, %add3A_43 : i32
    "tpu.region"() ({
      %run_scoped3A = tpu.sem_alloc : memref<!tpu.dma_semaphore, #tpu.memory_space<semaphore_mem>>
      %dma_start3A = arith.constant 0 : i32
      %dma_start3A_82 = arith.constant 0 : i32
      %dma_start3A_83 = tpu.memref_slice %arg7[%add3A_44, %dma_start3A, %dma_start3A_82] : memref<8x10240x128xf32, #tpu.memory_space<hbm>> -> memref<1x10240x128xf32, #tpu.memory_space<hbm>>
      %dma_start3A_84 = tpu.memref_squeeze %dma_start3A_83 : memref<1x10240x128xf32, #tpu.memory_space<hbm>> -> memref<10240x128xf32, #tpu.memory_space<hbm>>
      %dma_start3A_85 = arith.constant 0 : i32
      %dma_start3A_86 = tpu.memref_slice %dma_start3A_84[%multiple_of3A_5, %dma_start3A_85] : memref<10240x128xf32, #tpu.memory_space<hbm>> -> memref<640x128xf32, #tpu.memory_space<hbm>>
      %dma_start3A_87 = arith.constant 0 : i32
      %dma_start3A_88 = tpu.memref_slice %arg18[%multiple_of3A_5, %dma_start3A_87] : memref<10240x128xf32, #tpu.memory_space<vmem_shared>> -> memref<640x128xf32, #tpu.memory_space<vmem_shared>>
      tpu.enqueue_dma source(%dma_start3A_88 : memref<640x128xf32, #tpu.memory_space<vmem_shared>>) target(%dma_start3A_86 : memref<640x128xf32, #tpu.memory_space<hbm>>) target_semaphore(%run_scoped3A : memref<!tpu.dma_semaphore, #tpu.memory_space<semaphore_mem>>)
      %dma_wait3A = arith.constant 0 : i32
      %dma_wait3A_89 = arith.constant 0 : i32
      %dma_wait3A_90 = tpu.memref_slice %arg7[%add3A_44, %dma_wait3A, %dma_wait3A_89] : memref<8x10240x128xf32, #tpu.memory_space<hbm>> -> memref<1x10240x128xf32, #tpu.memory_space<hbm>>
      %dma_wait3A_91 = tpu.memref_squeeze %dma_wait3A_90 : memref<1x10240x128xf32, #tpu.memory_space<hbm>> -> memref<10240x128xf32, #tpu.memory_space<hbm>>
      %dma_wait3A_92 = arith.constant 0 : i32
      %dma_wait3A_93 = tpu.memref_slice %dma_wait3A_91[%multiple_of3A_5, %dma_wait3A_92] : memref<10240x128xf32, #tpu.memory_space<hbm>> -> memref<640x128xf32, #tpu.memory_space<hbm>>
      %dma_wait3A_94 = arith.constant 0 : i32
      %dma_wait3A_95 = tpu.memref_slice %arg18[%multiple_of3A_5, %dma_wait3A_94] : memref<10240x128xf32, #tpu.memory_space<vmem_shared>> -> memref<640x128xf32, #tpu.memory_space<vmem_shared>>
      tpu.wait_dma2 semaphore(%run_scoped3A : memref<!tpu.dma_semaphore, #tpu.memory_space<semaphore_mem>>) src(%dma_wait3A_95 : memref<640x128xf32, #tpu.memory_space<vmem_shared>>) dst(%dma_wait3A_93 : memref<640x128xf32, #tpu.memory_space<hbm>>)
      tpu.yield
    }) : () -> ()
    "tpu.region"() ({
      %run_scoped3A = tpu.sem_alloc : memref<!tpu.dma_semaphore, #tpu.memory_space<semaphore_mem>>
      %dma_start3A = arith.constant 0 : i32
      %dma_start3A_82 = tpu.memref_slice %arg18[%multiple_of3A_5, %dma_start3A] : memref<10240x128xf32, #tpu.memory_space<vmem_shared>> -> memref<640x128xf32, #tpu.memory_space<vmem_shared>>
      %dma_start3A_83 = arith.constant 0 : i32
      %dma_start3A_84 = tpu.memref_slice %arg6[%multiple_of3A_5, %dma_start3A_83] : memref<10240x128xf32, #tpu.memory_space<hbm>> -> memref<640x128xf32, #tpu.memory_space<hbm>>
      tpu.enqueue_dma source(%dma_start3A_84 : memref<640x128xf32, #tpu.memory_space<hbm>>) target(%dma_start3A_82 : memref<640x128xf32, #tpu.memory_space<vmem_shared>>) target_semaphore(%run_scoped3A : memref<!tpu.dma_semaphore, #tpu.memory_space<semaphore_mem>>)
      %dma_wait3A = arith.constant 0 : i32
      %dma_wait3A_85 = tpu.memref_slice %arg18[%multiple_of3A_5, %dma_wait3A] : memref<10240x128xf32, #tpu.memory_space<vmem_shared>> -> memref<640x128xf32, #tpu.memory_space<vmem_shared>>
      %dma_wait3A_86 = arith.constant 0 : i32
      %dma_wait3A_87 = tpu.memref_slice %arg6[%multiple_of3A_5, %dma_wait3A_86] : memref<10240x128xf32, #tpu.memory_space<hbm>> -> memref<640x128xf32, #tpu.memory_space<hbm>>
      tpu.wait_dma2 semaphore(%run_scoped3A : memref<!tpu.dma_semaphore, #tpu.memory_space<semaphore_mem>>) src(%dma_wait3A_87 : memref<640x128xf32, #tpu.memory_space<hbm>>) dst(%dma_wait3A_85 : memref<640x128xf32, #tpu.memory_space<vmem_shared>>)
      tpu.yield
    }) : () -> ()
    %barrier3A_45 = arith.constant 0 : index
    tpu.barrier barrier_id(%barrier3A_45)
    %scan3A_46 = arith.constant 0 : i32
    %scan3A_47 = arith.constant 0 : i32
    %scan3A_48 = arith.constant 125 : i32
    %scan3A_49 = arith.addi %scan3A_47, %scan3A_48 : i32
    %scan3A_50 = arith.constant 1 : i32
    scf.for %scan3A_82 = %scan3A_47 to %scan3A_49 step %scan3A_50  : i32 {
      %mul3A_83 = arith.constant 80 : i32
      %mul3A_84 = arith.muli %scan3A_82, %mul3A_83 : i32
      %add3A_85 = arith.addi %multiple_of3A, %mul3A_84 : i32
      %multiple_of3A_86 = tpu.assume_multiple %add3A_85, 8 : i32
      %dma_start3A = tpu.memref_slice %arg4[%multiple_of3A_86] : memref<320000xi32, #tpu.memory_space<hbm>> -> memref<80xi32, #tpu.memory_space<hbm>>
      %dma_start3A_87 = tpu.memref_slice %arg4[%multiple_of3A_86] : memref<320000xi32, #tpu.memory_space<hbm>> -> memref<80xi32, #tpu.memory_space<hbm>>
      tpu.enqueue_dma source(%dma_start3A_87 : memref<80xi32, #tpu.memory_space<hbm>>) target(%arg15 : memref<80xi32, #tpu.memory_space<vmem>>) target_semaphore(%arg19 : memref<!tpu.dma_semaphore, #tpu.memory_space<semaphore_mem>>)
      %dma_start3A_88 = tpu.memref_slice %arg5[%multiple_of3A_86] : memref<320000xi32, #tpu.memory_space<hbm>> -> memref<80xi32, #tpu.memory_space<hbm>>
      %dma_start3A_89 = tpu.memref_slice %arg5[%multiple_of3A_86] : memref<320000xi32, #tpu.memory_space<hbm>> -> memref<80xi32, #tpu.memory_space<hbm>>
      tpu.enqueue_dma source(%dma_start3A_89 : memref<80xi32, #tpu.memory_space<hbm>>) target(%arg16 : memref<80xi32, #tpu.memory_space<vmem>>) target_semaphore(%arg20 : memref<!tpu.dma_semaphore, #tpu.memory_space<semaphore_mem>>)
      %mul3A_90 = arith.constant 8 : i32
      %mul3A_91 = arith.muli %multiple_of3A_86, %mul3A_90 : i32
      %multiple_of3A_92 = tpu.assume_multiple %mul3A_91, 8 : i32
      %dma_start3A_93 = arith.constant 0 : i32
      %dma_start3A_94 = tpu.memref_slice %arg14[%dma_start3A_93] : memref<648xf32, #tpu.memory_space<vmem>> -> memref<640xf32, #tpu.memory_space<vmem>>
      %dma_start3A_95 = tpu.memref_slice %arg9[%multiple_of3A_92] : memref<2560000xf32, #tpu.memory_space<hbm>> -> memref<640xf32, #tpu.memory_space<hbm>>
      %dma_start3A_96 = arith.constant 0 : i32
      %dma_start3A_97 = tpu.memref_slice %arg14[%dma_start3A_96] : memref<648xf32, #tpu.memory_space<vmem>> -> memref<640xf32, #tpu.memory_space<vmem>>
      %dma_start3A_98 = tpu.memref_slice %arg9[%multiple_of3A_92] : memref<2560000xf32, #tpu.memory_space<hbm>> -> memref<640xf32, #tpu.memory_space<hbm>>
      tpu.enqueue_dma source(%dma_start3A_98 : memref<640xf32, #tpu.memory_space<hbm>>) target(%dma_start3A_97 : memref<640xf32, #tpu.memory_space<vmem>>) target_semaphore(%arg21 : memref<!tpu.dma_semaphore, #tpu.memory_space<semaphore_mem>>)
      %dma_wait3A = tpu.memref_slice %arg4[%multiple_of3A_86] : memref<320000xi32, #tpu.memory_space<hbm>> -> memref<80xi32, #tpu.memory_space<hbm>>
      %dma_wait3A_99 = tpu.memref_slice %arg4[%multiple_of3A_86] : memref<320000xi32, #tpu.memory_space<hbm>> -> memref<80xi32, #tpu.memory_space<hbm>>
      tpu.wait_dma2 semaphore(%arg19 : memref<!tpu.dma_semaphore, #tpu.memory_space<semaphore_mem>>) src(%dma_wait3A_99 : memref<80xi32, #tpu.memory_space<hbm>>) dst(%arg15 : memref<80xi32, #tpu.memory_space<vmem>>)
      %scan3A_100 = arith.constant 0 : i32
      %scan3A_101 = arith.constant 0 : i32
      %scan3A_102 = arith.constant 5 : i32
      %scan3A_103 = arith.addi %scan3A_101, %scan3A_102 : i32
      %scan3A_104 = arith.constant 1 : i32
      scf.for %scan3A_126 = %scan3A_101 to %scan3A_103 step %scan3A_104  : i32 {
        %mul3A_127 = arith.constant 16 : i32
        %mul3A_128 = arith.muli %scan3A_126, %mul3A_127 : i32
        %get3A = arith.index_cast %mul3A_128 : i32 to index
        %get3A_129 = tpu.vector_load %arg15[%get3A] {strides = array<i32>} : memref<80xi32, #tpu.memory_space<vmem>>, vector<16xi32>,
        %add3A_130 = arith.constant 10000 : i32
        %add3A_131 = vector.broadcast %add3A_130 : i32 to vector<16xi32>
        %add3A_132 = arith.addi %get3A_129, %add3A_131 : vector<16xi32>
        %mul3A_133 = arith.constant 16 : i32
        %mul3A_134 = arith.muli %scan3A_126, %mul3A_133 : i32
        %swap3A = arith.index_cast %mul3A_134 : i32 to index
        %swap3A_135 = tpu.vector_load %arg17[%swap3A] {strides = array<i32>} : memref<80xi32, #tpu.memory_space<vmem>>, vector<16xi32>,
        tpu.vector_store %arg17[%swap3A], %add3A_132 {strides = array<i32>} : memref<80xi32, #tpu.memory_space<vmem>>, vector<16xi32>,
      }
      %scan3A_105 = arith.constant 5 : i32
      %dma_start3A_106 = arith.constant 0 : i32
      %dma_start3A_107 = arith.constant 0 : i32
      %dma_start3A_108 = tpu.memref_slice %arg2[%dma_start3A_106, %dma_start3A_107] : memref<40000x128xf32, #tpu.memory_space<hbm>> -> memref<40000x128xf32, #tpu.memory_space<hbm>>
      tpu.enqueue_indirect_dma source(%dma_start3A_108 : memref<40000x128xf32, #tpu.memory_space<hbm>>) target(%arg13 : memref<80x128xf32, #tpu.memory_space<vmem>>) offsets(%arg17 : memref<80xi32, #tpu.memory_space<vmem>>) semaphore(%arg19 : memref<!tpu.dma_semaphore, #tpu.memory_space<semaphore_mem>>)
      %dma_wait3A_109 = arith.constant 0 : i32
      %dma_wait3A_110 = arith.constant 0 : i32
      %dma_wait3A_111 = tpu.memref_slice %arg2[%dma_wait3A_109, %dma_wait3A_110] : memref<40000x128xf32, #tpu.memory_space<hbm>> -> memref<40000x128xf32, #tpu.memory_space<hbm>>
      tpu.wait_indirect_dma semaphore(%arg19 : memref<!tpu.dma_semaphore, #tpu.memory_space<semaphore_mem>>) src(%dma_wait3A_111 : memref<40000x128xf32, #tpu.memory_space<hbm>>) dst(%arg13 : memref<80x128xf32, #tpu.memory_space<vmem>>)
      %dma_wait3A_112 = tpu.memref_slice %arg5[%multiple_of3A_86] : memref<320000xi32, #tpu.memory_space<hbm>> -> memref<80xi32, #tpu.memory_space<hbm>>
      %dma_wait3A_113 = tpu.memref_slice %arg5[%multiple_of3A_86] : memref<320000xi32, #tpu.memory_space<hbm>> -> memref<80xi32, #tpu.memory_space<hbm>>
      tpu.wait_dma2 semaphore(%arg20 : memref<!tpu.dma_semaphore, #tpu.memory_space<semaphore_mem>>) src(%dma_wait3A_113 : memref<80xi32, #tpu.memory_space<hbm>>) dst(%arg16 : memref<80xi32, #tpu.memory_space<vmem>>)
      %dma_wait3A_114 = arith.constant 0 : i32
      %dma_wait3A_115 = tpu.memref_slice %arg14[%dma_wait3A_114] : memref<648xf32, #tpu.memory_space<vmem>> -> memref<640xf32, #tpu.memory_space<vmem>>
      %dma_wait3A_116 = tpu.memref_slice %arg9[%multiple_of3A_92] : memref<2560000xf32, #tpu.memory_space<hbm>> -> memref<640xf32, #tpu.memory_space<hbm>>
      %dma_wait3A_117 = arith.constant 0 : i32
      %dma_wait3A_118 = tpu.memref_slice %arg14[%dma_wait3A_117] : memref<648xf32, #tpu.memory_space<vmem>> -> memref<640xf32, #tpu.memory_space<vmem>>
      %dma_wait3A_119 = tpu.memref_slice %arg9[%multiple_of3A_92] : memref<2560000xf32, #tpu.memory_space<hbm>> -> memref<640xf32, #tpu.memory_space<hbm>>
      tpu.wait_dma2 semaphore(%arg21 : memref<!tpu.dma_semaphore, #tpu.memory_space<semaphore_mem>>) src(%dma_wait3A_119 : memref<640xf32, #tpu.memory_space<hbm>>) dst(%dma_wait3A_118 : memref<640xf32, #tpu.memory_space<vmem>>)
      %scan3A_120 = arith.constant 0 : i32
      %scan3A_121 = arith.constant 0 : i32
      %scan3A_122 = arith.constant 80 : i32
      %scan3A_123 = arith.addi %scan3A_121, %scan3A_122 : i32
      %scan3A_124 = arith.constant 1 : i32
      scf.for %scan3A_126 = %scan3A_121 to %scan3A_123 step %scan3A_124  : i32 {
        %mul3A_127 = arith.constant 8 : i32
        %mul3A_128 = arith.muli %scan3A_126, %mul3A_127 : i32
        %get3A = arith.index_cast %mul3A_128 : i32 to index
        %get3A_129 = tpu.vector_load %arg14[%get3A] {strides = array<i32>} : memref<648xf32, #tpu.memory_space<vmem>>, vector<16xf32>,
        %broadcast_in_dim3A = arith.constant 2 : i32
        %broadcast_in_dim3A_130 = vector.broadcast %broadcast_in_dim3A : i32 to vector<16xi32>
        %broadcast_in_dim3A_131 = vector.shape_cast %broadcast_in_dim3A_130 : vector<16xi32> to vector<16x1xi32>
        %gather3A = vector.shape_cast %broadcast_in_dim3A_131 : vector<16x1xi32> to vector<16xi32>
        %gather3A_132 = tpu.dynamic_gather %get3A_129[%gather3A] in [0] : vector<16xf32>, vector<16xi32> -> vector<16xf32>
        %broadcast_in_dim3A_133 = arith.constant 3 : i32
        %broadcast_in_dim3A_134 = vector.broadcast %broadcast_in_dim3A_133 : i32 to vector<16xi32>
        %broadcast_in_dim3A_135 = vector.shape_cast %broadcast_in_dim3A_134 : vector<16xi32> to vector<16x1xi32>
        %gather3A_136 = vector.shape_cast %broadcast_in_dim3A_135 : vector<16x1xi32> to vector<16xi32>
        %gather3A_137 = tpu.dynamic_gather %get3A_129[%gather3A_136] in [0] : vector<16xf32>, vector<16xi32> -> vector<16xf32>
        %get3A_138 = arith.index_cast %scan3A_126 : i32 to index
        %get3A_139 = arith.constant 0 : index
        %get3A_140 = tpu.vector_load %arg13[%get3A_138, %get3A_139] {strides = array<i32>} : memref<80x128xf32, #tpu.memory_space<vmem>>, vector<16xf32>,
        %mul3A_141 = arith.mulf %get3A_140, %gather3A_132 : vector<16xf32>
        %swap3A = arith.index_cast %scan3A_126 : i32 to index
        %swap3A_142 = arith.constant 0 : index
        %swap3A_143 = tpu.vector_load %arg13[%swap3A, %swap3A_142] {strides = array<i32>} : memref<80x128xf32, #tpu.memory_space<vmem>>, vector<16xf32>,
        tpu.vector_store %arg13[%swap3A, %swap3A_142], %mul3A_141 {strides = array<i32>} : memref<80x128xf32, #tpu.memory_space<vmem>>, vector<16xf32>,
        %get3A_144 = arith.index_cast %scan3A_126 : i32 to index
        %get3A_145 = arith.constant 16 : index
        %get3A_146 = tpu.vector_load %arg13[%get3A_144, %get3A_145] {strides = array<i32>} : memref<80x128xf32, #tpu.memory_space<vmem>>, vector<16xf32>,
        %mul3A_147 = arith.mulf %get3A_146, %gather3A_132 : vector<16xf32>
        %swap3A_148 = arith.index_cast %scan3A_126 : i32 to index
        %swap3A_149 = arith.constant 16 : index
        %swap3A_150 = tpu.vector_load %arg13[%swap3A_148, %swap3A_149] {strides = array<i32>} : memref<80x128xf32, #tpu.memory_space<vmem>>, vector<16xf32>,
        tpu.vector_store %arg13[%swap3A_148, %swap3A_149], %mul3A_147 {strides = array<i32>} : memref<80x128xf32, #tpu.memory_space<vmem>>, vector<16xf32>,
        %get3A_151 = arith.index_cast %scan3A_126 : i32 to index
        %get3A_152 = arith.constant 32 : index
        %get3A_153 = tpu.vector_load %arg13[%get3A_151, %get3A_152] {strides = array<i32>} : memref<80x128xf32, #tpu.memory_space<vmem>>, vector<16xf32>,
        %mul3A_154 = arith.mulf %get3A_153, %gather3A_132 : vector<16xf32>
        %swap3A_155 = arith.index_cast %scan3A_126 : i32 to index
        %swap3A_156 = arith.constant 32 : index
        %swap3A_157 = tpu.vector_load %arg13[%swap3A_155, %swap3A_156] {strides = array<i32>} : memref<80x128xf32, #tpu.memory_space<vmem>>, vector<16xf32>,
        tpu.vector_store %arg13[%swap3A_155, %swap3A_156], %mul3A_154 {strides = array<i32>} : memref<80x128xf32, #tpu.memory_space<vmem>>, vector<16xf32>,
        %get3A_158 = arith.index_cast %scan3A_126 : i32 to index
        %get3A_159 = arith.constant 48 : index
        %get3A_160 = tpu.vector_load %arg13[%get3A_158, %get3A_159] {strides = array<i32>} : memref<80x128xf32, #tpu.memory_space<vmem>>, vector<16xf32>,
        %mul3A_161 = arith.mulf %get3A_160, %gather3A_132 : vector<16xf32>
        %swap3A_162 = arith.index_cast %scan3A_126 : i32 to index
        %swap3A_163 = arith.constant 48 : index
        %swap3A_164 = tpu.vector_load %arg13[%swap3A_162, %swap3A_163] {strides = array<i32>} : memref<80x128xf32, #tpu.memory_space<vmem>>, vector<16xf32>,
        tpu.vector_store %arg13[%swap3A_162, %swap3A_163], %mul3A_161 {strides = array<i32>} : memref<80x128xf32, #tpu.memory_space<vmem>>, vector<16xf32>,
        %get3A_165 = arith.index_cast %scan3A_126 : i32 to index
        %get3A_166 = arith.constant 64 : index
        %get3A_167 = tpu.vector_load %arg13[%get3A_165, %get3A_166] {strides = array<i32>} : memref<80x128xf32, #tpu.memory_space<vmem>>, vector<16xf32>,
        %mul3A_168 = arith.mulf %get3A_167, %gather3A_137 : vector<16xf32>
        %swap3A_169 = arith.index_cast %scan3A_126 : i32 to index
        %swap3A_170 = arith.constant 64 : index
        %swap3A_171 = tpu.vector_load %arg13[%swap3A_169, %swap3A_170] {strides = array<i32>} : memref<80x128xf32, #tpu.memory_space<vmem>>, vector<16xf32>,
        tpu.vector_store %arg13[%swap3A_169, %swap3A_170], %mul3A_168 {strides = array<i32>} : memref<80x128xf32, #tpu.memory_space<vmem>>, vector<16xf32>,
        %get3A_172 = arith.index_cast %scan3A_126 : i32 to index
        %get3A_173 = arith.constant 80 : index
        %get3A_174 = tpu.vector_load %arg13[%get3A_172, %get3A_173] {strides = array<i32>} : memref<80x128xf32, #tpu.memory_space<vmem>>, vector<16xf32>,
        %mul3A_175 = arith.mulf %get3A_174, %gather3A_137 : vector<16xf32>
        %swap3A_176 = arith.index_cast %scan3A_126 : i32 to index
        %swap3A_177 = arith.constant 80 : index
        %swap3A_178 = tpu.vector_load %arg13[%swap3A_176, %swap3A_177] {strides = array<i32>} : memref<80x128xf32, #tpu.memory_space<vmem>>, vector<16xf32>,
        tpu.vector_store %arg13[%swap3A_176, %swap3A_177], %mul3A_175 {strides = array<i32>} : memref<80x128xf32, #tpu.memory_space<vmem>>, vector<16xf32>,
        %get3A_179 = arith.index_cast %scan3A_126 : i32 to index
        %get3A_180 = arith.constant 96 : index
        %get3A_181 = tpu.vector_load %arg13[%get3A_179, %get3A_180] {strides = array<i32>} : memref<80x128xf32, #tpu.memory_space<vmem>>, vector<16xf32>,
        %mul3A_182 = arith.mulf %get3A_181, %gather3A_137 : vector<16xf32>
        %swap3A_183 = arith.index_cast %scan3A_126 : i32 to index
        %swap3A_184 = arith.constant 96 : index
        %swap3A_185 = tpu.vector_load %arg13[%swap3A_183, %swap3A_184] {strides = array<i32>} : memref<80x128xf32, #tpu.memory_space<vmem>>, vector<16xf32>,
        tpu.vector_store %arg13[%swap3A_183, %swap3A_184], %mul3A_182 {strides = array<i32>} : memref<80x128xf32, #tpu.memory_space<vmem>>, vector<16xf32>,
        %get3A_186 = arith.index_cast %scan3A_126 : i32 to index
        %get3A_187 = arith.constant 112 : index
        %get3A_188 = tpu.vector_load %arg13[%get3A_186, %get3A_187] {strides = array<i32>} : memref<80x128xf32, #tpu.memory_space<vmem>>, vector<16xf32>,
        %mul3A_189 = arith.mulf %get3A_188, %gather3A_137 : vector<16xf32>
        %swap3A_190 = arith.index_cast %scan3A_126 : i32 to index
        %swap3A_191 = arith.constant 112 : index
        %swap3A_192 = tpu.vector_load %arg13[%swap3A_190, %swap3A_191] {strides = array<i32>} : memref<80x128xf32, #tpu.memory_space<vmem>>, vector<16xf32>,
        tpu.vector_store %arg13[%swap3A_190, %swap3A_191], %mul3A_189 {strides = array<i32>} : memref<80x128xf32, #tpu.memory_space<vmem>>, vector<16xf32>,
      }
      %scan3A_125 = arith.constant 80 : i32
      "tpu.region"() ({
        %run_scoped3A = tpu.sem_alloc : memref<!tpu.dma_semaphore, #tpu.memory_space<semaphore_mem>>
        %dma_start3A_126 = arith.constant 0 : i32
        %dma_start3A_127 = arith.constant 0 : i32
        %dma_start3A_128 = tpu.memref_slice %arg18[%dma_start3A_126, %dma_start3A_127] : memref<10240x128xf32, #tpu.memory_space<vmem_shared>> -> memref<10240x128xf32, #tpu.memory_space<vmem_shared>>
        tpu.enqueue_indirect_dma source(%arg13 : memref<80x128xf32, #tpu.memory_space<vmem>>) target(%dma_start3A_128 : memref<10240x128xf32, #tpu.memory_space<vmem_shared>>) offsets(%arg16 : memref<80xi32, #tpu.memory_space<vmem>>) semaphore(%run_scoped3A : memref<!tpu.dma_semaphore, #tpu.memory_space<semaphore_mem>>) {add = true}
        %dma_wait3A_129 = arith.constant 0 : i32
        %dma_wait3A_130 = arith.constant 0 : i32
        %dma_wait3A_131 = tpu.memref_slice %arg18[%dma_wait3A_129, %dma_wait3A_130] : memref<10240x128xf32, #tpu.memory_space<vmem_shared>> -> memref<10240x128xf32, #tpu.memory_space<vmem_shared>>
        tpu.wait_indirect_dma semaphore(%run_scoped3A : memref<!tpu.dma_semaphore, #tpu.memory_space<semaphore_mem>>) src(%arg13 : memref<80x128xf32, #tpu.memory_space<vmem>>) dst(%dma_wait3A_131 : memref<10240x128xf32, #tpu.memory_space<vmem_shared>>)
        tpu.yield
      }) : () -> ()
    }
    %scan3A_51 = arith.constant 125 : i32
    %barrier3A_52 = arith.constant 0 : index
    tpu.barrier barrier_id(%barrier3A_52)
    %mul3A_53 = arith.constant 4 : i32
    %mul3A_54 = arith.muli %arg0, %mul3A_53 : i32
    %add3A_55 = arith.constant 1 : i32
    %add3A_56 = arith.addi %mul3A_54, %add3A_55 : i32
    "tpu.region"() ({
      %run_scoped3A = tpu.sem_alloc : memref<!tpu.dma_semaphore, #tpu.memory_space<semaphore_mem>>
      %dma_start3A = arith.constant 0 : i32
      %dma_start3A_82 = arith.constant 0 : i32
      %dma_start3A_83 = tpu.memref_slice %arg7[%add3A_56, %dma_start3A, %dma_start3A_82] : memref<8x10240x128xf32, #tpu.memory_space<hbm>> -> memref<1x10240x128xf32, #tpu.memory_space<hbm>>
      %dma_start3A_84 = tpu.memref_squeeze %dma_start3A_83 : memref<1x10240x128xf32, #tpu.memory_space<hbm>> -> memref<10240x128xf32, #tpu.memory_space<hbm>>
      %dma_start3A_85 = arith.constant 0 : i32
      %dma_start3A_86 = tpu.memref_slice %dma_start3A_84[%multiple_of3A_5, %dma_start3A_85] : memref<10240x128xf32, #tpu.memory_space<hbm>> -> memref<640x128xf32, #tpu.memory_space<hbm>>
      %dma_start3A_87 = arith.constant 0 : i32
      %dma_start3A_88 = tpu.memref_slice %arg18[%multiple_of3A_5, %dma_start3A_87] : memref<10240x128xf32, #tpu.memory_space<vmem_shared>> -> memref<640x128xf32, #tpu.memory_space<vmem_shared>>
      tpu.enqueue_dma source(%dma_start3A_88 : memref<640x128xf32, #tpu.memory_space<vmem_shared>>) target(%dma_start3A_86 : memref<640x128xf32, #tpu.memory_space<hbm>>) target_semaphore(%run_scoped3A : memref<!tpu.dma_semaphore, #tpu.memory_space<semaphore_mem>>)
      %dma_wait3A = arith.constant 0 : i32
      %dma_wait3A_89 = arith.constant 0 : i32
      %dma_wait3A_90 = tpu.memref_slice %arg7[%add3A_56, %dma_wait3A, %dma_wait3A_89] : memref<8x10240x128xf32, #tpu.memory_space<hbm>> -> memref<1x10240x128xf32, #tpu.memory_space<hbm>>
      %dma_wait3A_91 = tpu.memref_squeeze %dma_wait3A_90 : memref<1x10240x128xf32, #tpu.memory_space<hbm>> -> memref<10240x128xf32, #tpu.memory_space<hbm>>
      %dma_wait3A_92 = arith.constant 0 : i32
      %dma_wait3A_93 = tpu.memref_slice %dma_wait3A_91[%multiple_of3A_5, %dma_wait3A_92] : memref<10240x128xf32, #tpu.memory_space<hbm>> -> memref<640x128xf32, #tpu.memory_space<hbm>>
      %dma_wait3A_94 = arith.constant 0 : i32
      %dma_wait3A_95 = tpu.memref_slice %arg18[%multiple_of3A_5, %dma_wait3A_94] : memref<10240x128xf32, #tpu.memory_space<vmem_shared>> -> memref<640x128xf32, #tpu.memory_space<vmem_shared>>
      tpu.wait_dma2 semaphore(%run_scoped3A : memref<!tpu.dma_semaphore, #tpu.memory_space<semaphore_mem>>) src(%dma_wait3A_95 : memref<640x128xf32, #tpu.memory_space<vmem_shared>>) dst(%dma_wait3A_93 : memref<640x128xf32, #tpu.memory_space<hbm>>)
      tpu.yield
    }) : () -> ()
    "tpu.region"() ({
      %run_scoped3A = tpu.sem_alloc : memref<!tpu.dma_semaphore, #tpu.memory_space<semaphore_mem>>
      %dma_start3A = arith.constant 0 : i32
      %dma_start3A_82 = tpu.memref_slice %arg18[%multiple_of3A_5, %dma_start3A] : memref<10240x128xf32, #tpu.memory_space<vmem_shared>> -> memref<640x128xf32, #tpu.memory_space<vmem_shared>>
      %dma_start3A_83 = arith.constant 0 : i32
      %dma_start3A_84 = tpu.memref_slice %arg6[%multiple_of3A_5, %dma_start3A_83] : memref<10240x128xf32, #tpu.memory_space<hbm>> -> memref<640x128xf32, #tpu.memory_space<hbm>>
      tpu.enqueue_dma source(%dma_start3A_84 : memref<640x128xf32, #tpu.memory_space<hbm>>) target(%dma_start3A_82 : memref<640x128xf32, #tpu.memory_space<vmem_shared>>) target_semaphore(%run_scoped3A : memref<!tpu.dma_semaphore, #tpu.memory_space<semaphore_mem>>)
      %dma_wait3A = arith.constant 0 : i32
      %dma_wait3A_85 = tpu.memref_slice %arg18[%multiple_of3A_5, %dma_wait3A] : memref<10240x128xf32, #tpu.memory_space<vmem_shared>> -> memref<640x128xf32, #tpu.memory_space<vmem_shared>>
      %dma_wait3A_86 = arith.constant 0 : i32
      %dma_wait3A_87 = tpu.memref_slice %arg6[%multiple_of3A_5, %dma_wait3A_86] : memref<10240x128xf32, #tpu.memory_space<hbm>> -> memref<640x128xf32, #tpu.memory_space<hbm>>
      tpu.wait_dma2 semaphore(%run_scoped3A : memref<!tpu.dma_semaphore, #tpu.memory_space<semaphore_mem>>) src(%dma_wait3A_87 : memref<640x128xf32, #tpu.memory_space<hbm>>) dst(%dma_wait3A_85 : memref<640x128xf32, #tpu.memory_space<vmem_shared>>)
      tpu.yield
    }) : () -> ()
    %barrier3A_57 = arith.constant 0 : index
    tpu.barrier barrier_id(%barrier3A_57)
    %scan3A_58 = arith.constant 0 : i32
    %scan3A_59 = arith.constant 0 : i32
    %scan3A_60 = arith.constant 125 : i32
    %scan3A_61 = arith.addi %scan3A_59, %scan3A_60 : i32
    %scan3A_62 = arith.constant 1 : i32
    scf.for %scan3A_82 = %scan3A_59 to %scan3A_61 step %scan3A_62  : i32 {
      %mul3A_83 = arith.constant 80 : i32
      %mul3A_84 = arith.muli %scan3A_82, %mul3A_83 : i32
      %add3A_85 = arith.addi %multiple_of3A, %mul3A_84 : i32
      %multiple_of3A_86 = tpu.assume_multiple %add3A_85, 8 : i32
      %dma_start3A = tpu.memref_slice %arg4[%multiple_of3A_86] : memref<320000xi32, #tpu.memory_space<hbm>> -> memref<80xi32, #tpu.memory_space<hbm>>
      %dma_start3A_87 = tpu.memref_slice %arg4[%multiple_of3A_86] : memref<320000xi32, #tpu.memory_space<hbm>> -> memref<80xi32, #tpu.memory_space<hbm>>
      tpu.enqueue_dma source(%dma_start3A_87 : memref<80xi32, #tpu.memory_space<hbm>>) target(%arg15 : memref<80xi32, #tpu.memory_space<vmem>>) target_semaphore(%arg19 : memref<!tpu.dma_semaphore, #tpu.memory_space<semaphore_mem>>)
      %dma_start3A_88 = tpu.memref_slice %arg5[%multiple_of3A_86] : memref<320000xi32, #tpu.memory_space<hbm>> -> memref<80xi32, #tpu.memory_space<hbm>>
      %dma_start3A_89 = tpu.memref_slice %arg5[%multiple_of3A_86] : memref<320000xi32, #tpu.memory_space<hbm>> -> memref<80xi32, #tpu.memory_space<hbm>>
      tpu.enqueue_dma source(%dma_start3A_89 : memref<80xi32, #tpu.memory_space<hbm>>) target(%arg16 : memref<80xi32, #tpu.memory_space<vmem>>) target_semaphore(%arg20 : memref<!tpu.dma_semaphore, #tpu.memory_space<semaphore_mem>>)
      %mul3A_90 = arith.constant 8 : i32
      %mul3A_91 = arith.muli %multiple_of3A_86, %mul3A_90 : i32
      %multiple_of3A_92 = tpu.assume_multiple %mul3A_91, 8 : i32
      %dma_start3A_93 = arith.constant 0 : i32
      %dma_start3A_94 = tpu.memref_slice %arg14[%dma_start3A_93] : memref<648xf32, #tpu.memory_space<vmem>> -> memref<640xf32, #tpu.memory_space<vmem>>
      %dma_start3A_95 = tpu.memref_slice %arg9[%multiple_of3A_92] : memref<2560000xf32, #tpu.memory_space<hbm>> -> memref<640xf32, #tpu.memory_space<hbm>>
      %dma_start3A_96 = arith.constant 0 : i32
      %dma_start3A_97 = tpu.memref_slice %arg14[%dma_start3A_96] : memref<648xf32, #tpu.memory_space<vmem>> -> memref<640xf32, #tpu.memory_space<vmem>>
      %dma_start3A_98 = tpu.memref_slice %arg9[%multiple_of3A_92] : memref<2560000xf32, #tpu.memory_space<hbm>> -> memref<640xf32, #tpu.memory_space<hbm>>
      tpu.enqueue_dma source(%dma_start3A_98 : memref<640xf32, #tpu.memory_space<hbm>>) target(%dma_start3A_97 : memref<640xf32, #tpu.memory_space<vmem>>) target_semaphore(%arg21 : memref<!tpu.dma_semaphore, #tpu.memory_space<semaphore_mem>>)
      %dma_wait3A = tpu.memref_slice %arg4[%multiple_of3A_86] : memref<320000xi32, #tpu.memory_space<hbm>> -> memref<80xi32, #tpu.memory_space<hbm>>
      %dma_wait3A_99 = tpu.memref_slice %arg4[%multiple_of3A_86] : memref<320000xi32, #tpu.memory_space<hbm>> -> memref<80xi32, #tpu.memory_space<hbm>>
      tpu.wait_dma2 semaphore(%arg19 : memref<!tpu.dma_semaphore, #tpu.memory_space<semaphore_mem>>) src(%dma_wait3A_99 : memref<80xi32, #tpu.memory_space<hbm>>) dst(%arg15 : memref<80xi32, #tpu.memory_space<vmem>>)
      %scan3A_100 = arith.constant 0 : i32
      %scan3A_101 = arith.constant 0 : i32
      %scan3A_102 = arith.constant 5 : i32
      %scan3A_103 = arith.addi %scan3A_101, %scan3A_102 : i32
      %scan3A_104 = arith.constant 1 : i32
      scf.for %scan3A_126 = %scan3A_101 to %scan3A_103 step %scan3A_104  : i32 {
        %mul3A_127 = arith.constant 16 : i32
        %mul3A_128 = arith.muli %scan3A_126, %mul3A_127 : i32
        %get3A = arith.index_cast %mul3A_128 : i32 to index
        %get3A_129 = tpu.vector_load %arg15[%get3A] {strides = array<i32>} : memref<80xi32, #tpu.memory_space<vmem>>, vector<16xi32>,
        %add3A_130 = arith.constant 20000 : i32
        %add3A_131 = vector.broadcast %add3A_130 : i32 to vector<16xi32>
        %add3A_132 = arith.addi %get3A_129, %add3A_131 : vector<16xi32>
        %mul3A_133 = arith.constant 16 : i32
        %mul3A_134 = arith.muli %scan3A_126, %mul3A_133 : i32
        %swap3A = arith.index_cast %mul3A_134 : i32 to index
        %swap3A_135 = tpu.vector_load %arg17[%swap3A] {strides = array<i32>} : memref<80xi32, #tpu.memory_space<vmem>>, vector<16xi32>,
        tpu.vector_store %arg17[%swap3A], %add3A_132 {strides = array<i32>} : memref<80xi32, #tpu.memory_space<vmem>>, vector<16xi32>,
      }
      %scan3A_105 = arith.constant 5 : i32
      %dma_start3A_106 = arith.constant 0 : i32
      %dma_start3A_107 = arith.constant 0 : i32
      %dma_start3A_108 = tpu.memref_slice %arg2[%dma_start3A_106, %dma_start3A_107] : memref<40000x128xf32, #tpu.memory_space<hbm>> -> memref<40000x128xf32, #tpu.memory_space<hbm>>
      tpu.enqueue_indirect_dma source(%dma_start3A_108 : memref<40000x128xf32, #tpu.memory_space<hbm>>) target(%arg13 : memref<80x128xf32, #tpu.memory_space<vmem>>) offsets(%arg17 : memref<80xi32, #tpu.memory_space<vmem>>) semaphore(%arg19 : memref<!tpu.dma_semaphore, #tpu.memory_space<semaphore_mem>>)
      %dma_wait3A_109 = arith.constant 0 : i32
      %dma_wait3A_110 = arith.constant 0 : i32
      %dma_wait3A_111 = tpu.memref_slice %arg2[%dma_wait3A_109, %dma_wait3A_110] : memref<40000x128xf32, #tpu.memory_space<hbm>> -> memref<40000x128xf32, #tpu.memory_space<hbm>>
      tpu.wait_indirect_dma semaphore(%arg19 : memref<!tpu.dma_semaphore, #tpu.memory_space<semaphore_mem>>) src(%dma_wait3A_111 : memref<40000x128xf32, #tpu.memory_space<hbm>>) dst(%arg13 : memref<80x128xf32, #tpu.memory_space<vmem>>)
      %dma_wait3A_112 = tpu.memref_slice %arg5[%multiple_of3A_86] : memref<320000xi32, #tpu.memory_space<hbm>> -> memref<80xi32, #tpu.memory_space<hbm>>
      %dma_wait3A_113 = tpu.memref_slice %arg5[%multiple_of3A_86] : memref<320000xi32, #tpu.memory_space<hbm>> -> memref<80xi32, #tpu.memory_space<hbm>>
      tpu.wait_dma2 semaphore(%arg20 : memref<!tpu.dma_semaphore, #tpu.memory_space<semaphore_mem>>) src(%dma_wait3A_113 : memref<80xi32, #tpu.memory_space<hbm>>) dst(%arg16 : memref<80xi32, #tpu.memory_space<vmem>>)
      %dma_wait3A_114 = arith.constant 0 : i32
      %dma_wait3A_115 = tpu.memref_slice %arg14[%dma_wait3A_114] : memref<648xf32, #tpu.memory_space<vmem>> -> memref<640xf32, #tpu.memory_space<vmem>>
      %dma_wait3A_116 = tpu.memref_slice %arg9[%multiple_of3A_92] : memref<2560000xf32, #tpu.memory_space<hbm>> -> memref<640xf32, #tpu.memory_space<hbm>>
      %dma_wait3A_117 = arith.constant 0 : i32
      %dma_wait3A_118 = tpu.memref_slice %arg14[%dma_wait3A_117] : memref<648xf32, #tpu.memory_space<vmem>> -> memref<640xf32, #tpu.memory_space<vmem>>
      %dma_wait3A_119 = tpu.memref_slice %arg9[%multiple_of3A_92] : memref<2560000xf32, #tpu.memory_space<hbm>> -> memref<640xf32, #tpu.memory_space<hbm>>
      tpu.wait_dma2 semaphore(%arg21 : memref<!tpu.dma_semaphore, #tpu.memory_space<semaphore_mem>>) src(%dma_wait3A_119 : memref<640xf32, #tpu.memory_space<hbm>>) dst(%dma_wait3A_118 : memref<640xf32, #tpu.memory_space<vmem>>)
      %scan3A_120 = arith.constant 0 : i32
      %scan3A_121 = arith.constant 0 : i32
      %scan3A_122 = arith.constant 80 : i32
      %scan3A_123 = arith.addi %scan3A_121, %scan3A_122 : i32
      %scan3A_124 = arith.constant 1 : i32
      scf.for %scan3A_126 = %scan3A_121 to %scan3A_123 step %scan3A_124  : i32 {
        %mul3A_127 = arith.constant 8 : i32
        %mul3A_128 = arith.muli %scan3A_126, %mul3A_127 : i32
        %get3A = arith.index_cast %mul3A_128 : i32 to index
        %get3A_129 = tpu.vector_load %arg14[%get3A] {strides = array<i32>} : memref<648xf32, #tpu.memory_space<vmem>>, vector<16xf32>,
        %broadcast_in_dim3A = arith.constant 4 : i32
        %broadcast_in_dim3A_130 = vector.broadcast %broadcast_in_dim3A : i32 to vector<16xi32>
        %broadcast_in_dim3A_131 = vector.shape_cast %broadcast_in_dim3A_130 : vector<16xi32> to vector<16x1xi32>
        %gather3A = vector.shape_cast %broadcast_in_dim3A_131 : vector<16x1xi32> to vector<16xi32>
        %gather3A_132 = tpu.dynamic_gather %get3A_129[%gather3A] in [0] : vector<16xf32>, vector<16xi32> -> vector<16xf32>
        %broadcast_in_dim3A_133 = arith.constant 5 : i32
        %broadcast_in_dim3A_134 = vector.broadcast %broadcast_in_dim3A_133 : i32 to vector<16xi32>
        %broadcast_in_dim3A_135 = vector.shape_cast %broadcast_in_dim3A_134 : vector<16xi32> to vector<16x1xi32>
        %gather3A_136 = vector.shape_cast %broadcast_in_dim3A_135 : vector<16x1xi32> to vector<16xi32>
        %gather3A_137 = tpu.dynamic_gather %get3A_129[%gather3A_136] in [0] : vector<16xf32>, vector<16xi32> -> vector<16xf32>
        %get3A_138 = arith.index_cast %scan3A_126 : i32 to index
        %get3A_139 = arith.constant 0 : index
        %get3A_140 = tpu.vector_load %arg13[%get3A_138, %get3A_139] {strides = array<i32>} : memref<80x128xf32, #tpu.memory_space<vmem>>, vector<16xf32>,
        %mul3A_141 = arith.mulf %get3A_140, %gather3A_132 : vector<16xf32>
        %swap3A = arith.index_cast %scan3A_126 : i32 to index
        %swap3A_142 = arith.constant 0 : index
        %swap3A_143 = tpu.vector_load %arg13[%swap3A, %swap3A_142] {strides = array<i32>} : memref<80x128xf32, #tpu.memory_space<vmem>>, vector<16xf32>,
        tpu.vector_store %arg13[%swap3A, %swap3A_142], %mul3A_141 {strides = array<i32>} : memref<80x128xf32, #tpu.memory_space<vmem>>, vector<16xf32>,
        %get3A_144 = arith.index_cast %scan3A_126 : i32 to index
        %get3A_145 = arith.constant 16 : index
        %get3A_146 = tpu.vector_load %arg13[%get3A_144, %get3A_145] {strides = array<i32>} : memref<80x128xf32, #tpu.memory_space<vmem>>, vector<16xf32>,
        %mul3A_147 = arith.mulf %get3A_146, %gather3A_132 : vector<16xf32>
        %swap3A_148 = arith.index_cast %scan3A_126 : i32 to index
        %swap3A_149 = arith.constant 16 : index
        %swap3A_150 = tpu.vector_load %arg13[%swap3A_148, %swap3A_149] {strides = array<i32>} : memref<80x128xf32, #tpu.memory_space<vmem>>, vector<16xf32>,
        tpu.vector_store %arg13[%swap3A_148, %swap3A_149], %mul3A_147 {strides = array<i32>} : memref<80x128xf32, #tpu.memory_space<vmem>>, vector<16xf32>,
        %get3A_151 = arith.index_cast %scan3A_126 : i32 to index
        %get3A_152 = arith.constant 32 : index
        %get3A_153 = tpu.vector_load %arg13[%get3A_151, %get3A_152] {strides = array<i32>} : memref<80x128xf32, #tpu.memory_space<vmem>>, vector<16xf32>,
        %mul3A_154 = arith.mulf %get3A_153, %gather3A_132 : vector<16xf32>
        %swap3A_155 = arith.index_cast %scan3A_126 : i32 to index
        %swap3A_156 = arith.constant 32 : index
        %swap3A_157 = tpu.vector_load %arg13[%swap3A_155, %swap3A_156] {strides = array<i32>} : memref<80x128xf32, #tpu.memory_space<vmem>>, vector<16xf32>,
        tpu.vector_store %arg13[%swap3A_155, %swap3A_156], %mul3A_154 {strides = array<i32>} : memref<80x128xf32, #tpu.memory_space<vmem>>, vector<16xf32>,
        %get3A_158 = arith.index_cast %scan3A_126 : i32 to index
        %get3A_159 = arith.constant 48 : index
        %get3A_160 = tpu.vector_load %arg13[%get3A_158, %get3A_159] {strides = array<i32>} : memref<80x128xf32, #tpu.memory_space<vmem>>, vector<16xf32>,
        %mul3A_161 = arith.mulf %get3A_160, %gather3A_132 : vector<16xf32>
        %swap3A_162 = arith.index_cast %scan3A_126 : i32 to index
        %swap3A_163 = arith.constant 48 : index
        %swap3A_164 = tpu.vector_load %arg13[%swap3A_162, %swap3A_163] {strides = array<i32>} : memref<80x128xf32, #tpu.memory_space<vmem>>, vector<16xf32>,
        tpu.vector_store %arg13[%swap3A_162, %swap3A_163], %mul3A_161 {strides = array<i32>} : memref<80x128xf32, #tpu.memory_space<vmem>>, vector<16xf32>,
        %get3A_165 = arith.index_cast %scan3A_126 : i32 to index
        %get3A_166 = arith.constant 64 : index
        %get3A_167 = tpu.vector_load %arg13[%get3A_165, %get3A_166] {strides = array<i32>} : memref<80x128xf32, #tpu.memory_space<vmem>>, vector<16xf32>,
        %mul3A_168 = arith.mulf %get3A_167, %gather3A_137 : vector<16xf32>
        %swap3A_169 = arith.index_cast %scan3A_126 : i32 to index
        %swap3A_170 = arith.constant 64 : index
        %swap3A_171 = tpu.vector_load %arg13[%swap3A_169, %swap3A_170] {strides = array<i32>} : memref<80x128xf32, #tpu.memory_space<vmem>>, vector<16xf32>,
        tpu.vector_store %arg13[%swap3A_169, %swap3A_170], %mul3A_168 {strides = array<i32>} : memref<80x128xf32, #tpu.memory_space<vmem>>, vector<16xf32>,
        %get3A_172 = arith.index_cast %scan3A_126 : i32 to index
        %get3A_173 = arith.constant 80 : index
        %get3A_174 = tpu.vector_load %arg13[%get3A_172, %get3A_173] {strides = array<i32>} : memref<80x128xf32, #tpu.memory_space<vmem>>, vector<16xf32>,
        %mul3A_175 = arith.mulf %get3A_174, %gather3A_137 : vector<16xf32>
        %swap3A_176 = arith.index_cast %scan3A_126 : i32 to index
        %swap3A_177 = arith.constant 80 : index
        %swap3A_178 = tpu.vector_load %arg13[%swap3A_176, %swap3A_177] {strides = array<i32>} : memref<80x128xf32, #tpu.memory_space<vmem>>, vector<16xf32>,
        tpu.vector_store %arg13[%swap3A_176, %swap3A_177], %mul3A_175 {strides = array<i32>} : memref<80x128xf32, #tpu.memory_space<vmem>>, vector<16xf32>,
        %get3A_179 = arith.index_cast %scan3A_126 : i32 to index
        %get3A_180 = arith.constant 96 : index
        %get3A_181 = tpu.vector_load %arg13[%get3A_179, %get3A_180] {strides = array<i32>} : memref<80x128xf32, #tpu.memory_space<vmem>>, vector<16xf32>,
        %mul3A_182 = arith.mulf %get3A_181, %gather3A_137 : vector<16xf32>
        %swap3A_183 = arith.index_cast %scan3A_126 : i32 to index
        %swap3A_184 = arith.constant 96 : index
        %swap3A_185 = tpu.vector_load %arg13[%swap3A_183, %swap3A_184] {strides = array<i32>} : memref<80x128xf32, #tpu.memory_space<vmem>>, vector<16xf32>,
        tpu.vector_store %arg13[%swap3A_183, %swap3A_184], %mul3A_182 {strides = array<i32>} : memref<80x128xf32, #tpu.memory_space<vmem>>, vector<16xf32>,
        %get3A_186 = arith.index_cast %scan3A_126 : i32 to index
        %get3A_187 = arith.constant 112 : index
        %get3A_188 = tpu.vector_load %arg13[%get3A_186, %get3A_187] {strides = array<i32>} : memref<80x128xf32, #tpu.memory_space<vmem>>, vector<16xf32>,
        %mul3A_189 = arith.mulf %get3A_188, %gather3A_137 : vector<16xf32>
        %swap3A_190 = arith.index_cast %scan3A_126 : i32 to index
        %swap3A_191 = arith.constant 112 : index
        %swap3A_192 = tpu.vector_load %arg13[%swap3A_190, %swap3A_191] {strides = array<i32>} : memref<80x128xf32, #tpu.memory_space<vmem>>, vector<16xf32>,
        tpu.vector_store %arg13[%swap3A_190, %swap3A_191], %mul3A_189 {strides = array<i32>} : memref<80x128xf32, #tpu.memory_space<vmem>>, vector<16xf32>,
      }
      %scan3A_125 = arith.constant 80 : i32
      "tpu.region"() ({
        %run_scoped3A = tpu.sem_alloc : memref<!tpu.dma_semaphore, #tpu.memory_space<semaphore_mem>>
        %dma_start3A_126 = arith.constant 0 : i32
        %dma_start3A_127 = arith.constant 0 : i32
        %dma_start3A_128 = tpu.memref_slice %arg18[%dma_start3A_126, %dma_start3A_127] : memref<10240x128xf32, #tpu.memory_space<vmem_shared>> -> memref<10240x128xf32, #tpu.memory_space<vmem_shared>>
        tpu.enqueue_indirect_dma source(%arg13 : memref<80x128xf32, #tpu.memory_space<vmem>>) target(%dma_start3A_128 : memref<10240x128xf32, #tpu.memory_space<vmem_shared>>) offsets(%arg16 : memref<80xi32, #tpu.memory_space<vmem>>) semaphore(%run_scoped3A : memref<!tpu.dma_semaphore, #tpu.memory_space<semaphore_mem>>) {add = true}
        %dma_wait3A_129 = arith.constant 0 : i32
        %dma_wait3A_130 = arith.constant 0 : i32
        %dma_wait3A_131 = tpu.memref_slice %arg18[%dma_wait3A_129, %dma_wait3A_130] : memref<10240x128xf32, #tpu.memory_space<vmem_shared>> -> memref<10240x128xf32, #tpu.memory_space<vmem_shared>>
        tpu.wait_indirect_dma semaphore(%run_scoped3A : memref<!tpu.dma_semaphore, #tpu.memory_space<semaphore_mem>>) src(%arg13 : memref<80x128xf32, #tpu.memory_space<vmem>>) dst(%dma_wait3A_131 : memref<10240x128xf32, #tpu.memory_space<vmem_shared>>)
        tpu.yield
      }) : () -> ()
    }
    %scan3A_63 = arith.constant 125 : i32
    %barrier3A_64 = arith.constant 0 : index
    tpu.barrier barrier_id(%barrier3A_64)
    %mul3A_65 = arith.constant 4 : i32
    %mul3A_66 = arith.muli %arg0, %mul3A_65 : i32
    %add3A_67 = arith.constant 2 : i32
    %add3A_68 = arith.addi %mul3A_66, %add3A_67 : i32
    "tpu.region"() ({
      %run_scoped3A = tpu.sem_alloc : memref<!tpu.dma_semaphore, #tpu.memory_space<semaphore_mem>>
      %dma_start3A = arith.constant 0 : i32
      %dma_start3A_82 = arith.constant 0 : i32
      %dma_start3A_83 = tpu.memref_slice %arg7[%add3A_68, %dma_start3A, %dma_start3A_82] : memref<8x10240x128xf32, #tpu.memory_space<hbm>> -> memref<1x10240x128xf32, #tpu.memory_space<hbm>>
      %dma_start3A_84 = tpu.memref_squeeze %dma_start3A_83 : memref<1x10240x128xf32, #tpu.memory_space<hbm>> -> memref<10240x128xf32, #tpu.memory_space<hbm>>
      %dma_start3A_85 = arith.constant 0 : i32
      %dma_start3A_86 = tpu.memref_slice %dma_start3A_84[%multiple_of3A_5, %dma_start3A_85] : memref<10240x128xf32, #tpu.memory_space<hbm>> -> memref<640x128xf32, #tpu.memory_space<hbm>>
      %dma_start3A_87 = arith.constant 0 : i32
      %dma_start3A_88 = tpu.memref_slice %arg18[%multiple_of3A_5, %dma_start3A_87] : memref<10240x128xf32, #tpu.memory_space<vmem_shared>> -> memref<640x128xf32, #tpu.memory_space<vmem_shared>>
      tpu.enqueue_dma source(%dma_start3A_88 : memref<640x128xf32, #tpu.memory_space<vmem_shared>>) target(%dma_start3A_86 : memref<640x128xf32, #tpu.memory_space<hbm>>) target_semaphore(%run_scoped3A : memref<!tpu.dma_semaphore, #tpu.memory_space<semaphore_mem>>)
      %dma_wait3A = arith.constant 0 : i32
      %dma_wait3A_89 = arith.constant 0 : i32
      %dma_wait3A_90 = tpu.memref_slice %arg7[%add3A_68, %dma_wait3A, %dma_wait3A_89] : memref<8x10240x128xf32, #tpu.memory_space<hbm>> -> memref<1x10240x128xf32, #tpu.memory_space<hbm>>
      %dma_wait3A_91 = tpu.memref_squeeze %dma_wait3A_90 : memref<1x10240x128xf32, #tpu.memory_space<hbm>> -> memref<10240x128xf32, #tpu.memory_space<hbm>>
      %dma_wait3A_92 = arith.constant 0 : i32
      %dma_wait3A_93 = tpu.memref_slice %dma_wait3A_91[%multiple_of3A_5, %dma_wait3A_92] : memref<10240x128xf32, #tpu.memory_space<hbm>> -> memref<640x128xf32, #tpu.memory_space<hbm>>
      %dma_wait3A_94 = arith.constant 0 : i32
      %dma_wait3A_95 = tpu.memref_slice %arg18[%multiple_of3A_5, %dma_wait3A_94] : memref<10240x128xf32, #tpu.memory_space<vmem_shared>> -> memref<640x128xf32, #tpu.memory_space<vmem_shared>>
      tpu.wait_dma2 semaphore(%run_scoped3A : memref<!tpu.dma_semaphore, #tpu.memory_space<semaphore_mem>>) src(%dma_wait3A_95 : memref<640x128xf32, #tpu.memory_space<vmem_shared>>) dst(%dma_wait3A_93 : memref<640x128xf32, #tpu.memory_space<hbm>>)
      tpu.yield
    }) : () -> ()
    "tpu.region"() ({
      %run_scoped3A = tpu.sem_alloc : memref<!tpu.dma_semaphore, #tpu.memory_space<semaphore_mem>>
      %dma_start3A = arith.constant 0 : i32
      %dma_start3A_82 = tpu.memref_slice %arg18[%multiple_of3A_5, %dma_start3A] : memref<10240x128xf32, #tpu.memory_space<vmem_shared>> -> memref<640x128xf32, #tpu.memory_space<vmem_shared>>
      %dma_start3A_83 = arith.constant 0 : i32
      %dma_start3A_84 = tpu.memref_slice %arg6[%multiple_of3A_5, %dma_start3A_83] : memref<10240x128xf32, #tpu.memory_space<hbm>> -> memref<640x128xf32, #tpu.memory_space<hbm>>
      tpu.enqueue_dma source(%dma_start3A_84 : memref<640x128xf32, #tpu.memory_space<hbm>>) target(%dma_start3A_82 : memref<640x128xf32, #tpu.memory_space<vmem_shared>>) target_semaphore(%run_scoped3A : memref<!tpu.dma_semaphore, #tpu.memory_space<semaphore_mem>>)
      %dma_wait3A = arith.constant 0 : i32
      %dma_wait3A_85 = tpu.memref_slice %arg18[%multiple_of3A_5, %dma_wait3A] : memref<10240x128xf32, #tpu.memory_space<vmem_shared>> -> memref<640x128xf32, #tpu.memory_space<vmem_shared>>
      %dma_wait3A_86 = arith.constant 0 : i32
      %dma_wait3A_87 = tpu.memref_slice %arg6[%multiple_of3A_5, %dma_wait3A_86] : memref<10240x128xf32, #tpu.memory_space<hbm>> -> memref<640x128xf32, #tpu.memory_space<hbm>>
      tpu.wait_dma2 semaphore(%run_scoped3A : memref<!tpu.dma_semaphore, #tpu.memory_space<semaphore_mem>>) src(%dma_wait3A_87 : memref<640x128xf32, #tpu.memory_space<hbm>>) dst(%dma_wait3A_85 : memref<640x128xf32, #tpu.memory_space<vmem_shared>>)
      tpu.yield
    }) : () -> ()
    %barrier3A_69 = arith.constant 0 : index
    tpu.barrier barrier_id(%barrier3A_69)
    %scan3A_70 = arith.constant 0 : i32
    %scan3A_71 = arith.constant 0 : i32
    %scan3A_72 = arith.constant 125 : i32
    %scan3A_73 = arith.addi %scan3A_71, %scan3A_72 : i32
    %scan3A_74 = arith.constant 1 : i32
    scf.for %scan3A_82 = %scan3A_71 to %scan3A_73 step %scan3A_74  : i32 {
      %mul3A_83 = arith.constant 80 : i32
      %mul3A_84 = arith.muli %scan3A_82, %mul3A_83 : i32
      %add3A_85 = arith.addi %multiple_of3A, %mul3A_84 : i32
      %multiple_of3A_86 = tpu.assume_multiple %add3A_85, 8 : i32
      %dma_start3A = tpu.memref_slice %arg4[%multiple_of3A_86] : memref<320000xi32, #tpu.memory_space<hbm>> -> memref<80xi32, #tpu.memory_space<hbm>>
      %dma_start3A_87 = tpu.memref_slice %arg4[%multiple_of3A_86] : memref<320000xi32, #tpu.memory_space<hbm>> -> memref<80xi32, #tpu.memory_space<hbm>>
      tpu.enqueue_dma source(%dma_start3A_87 : memref<80xi32, #tpu.memory_space<hbm>>) target(%arg15 : memref<80xi32, #tpu.memory_space<vmem>>) target_semaphore(%arg19 : memref<!tpu.dma_semaphore, #tpu.memory_space<semaphore_mem>>)
      %dma_start3A_88 = tpu.memref_slice %arg5[%multiple_of3A_86] : memref<320000xi32, #tpu.memory_space<hbm>> -> memref<80xi32, #tpu.memory_space<hbm>>
      %dma_start3A_89 = tpu.memref_slice %arg5[%multiple_of3A_86] : memref<320000xi32, #tpu.memory_space<hbm>> -> memref<80xi32, #tpu.memory_space<hbm>>
      tpu.enqueue_dma source(%dma_start3A_89 : memref<80xi32, #tpu.memory_space<hbm>>) target(%arg16 : memref<80xi32, #tpu.memory_space<vmem>>) target_semaphore(%arg20 : memref<!tpu.dma_semaphore, #tpu.memory_space<semaphore_mem>>)
      %mul3A_90 = arith.constant 8 : i32
      %mul3A_91 = arith.muli %multiple_of3A_86, %mul3A_90 : i32
      %multiple_of3A_92 = tpu.assume_multiple %mul3A_91, 8 : i32
      %dma_start3A_93 = arith.constant 0 : i32
      %dma_start3A_94 = tpu.memref_slice %arg14[%dma_start3A_93] : memref<648xf32, #tpu.memory_space<vmem>> -> memref<640xf32, #tpu.memory_space<vmem>>
      %dma_start3A_95 = tpu.memref_slice %arg9[%multiple_of3A_92] : memref<2560000xf32, #tpu.memory_space<hbm>> -> memref<640xf32, #tpu.memory_space<hbm>>
      %dma_start3A_96 = arith.constant 0 : i32
      %dma_start3A_97 = tpu.memref_slice %arg14[%dma_start3A_96] : memref<648xf32, #tpu.memory_space<vmem>> -> memref<640xf32, #tpu.memory_space<vmem>>
      %dma_start3A_98 = tpu.memref_slice %arg9[%multiple_of3A_92] : memref<2560000xf32, #tpu.memory_space<hbm>> -> memref<640xf32, #tpu.memory_space<hbm>>
      tpu.enqueue_dma source(%dma_start3A_98 : memref<640xf32, #tpu.memory_space<hbm>>) target(%dma_start3A_97 : memref<640xf32, #tpu.memory_space<vmem>>) target_semaphore(%arg21 : memref<!tpu.dma_semaphore, #tpu.memory_space<semaphore_mem>>)
      %dma_wait3A = tpu.memref_slice %arg4[%multiple_of3A_86] : memref<320000xi32, #tpu.memory_space<hbm>> -> memref<80xi32, #tpu.memory_space<hbm>>
      %dma_wait3A_99 = tpu.memref_slice %arg4[%multiple_of3A_86] : memref<320000xi32, #tpu.memory_space<hbm>> -> memref<80xi32, #tpu.memory_space<hbm>>
      tpu.wait_dma2 semaphore(%arg19 : memref<!tpu.dma_semaphore, #tpu.memory_space<semaphore_mem>>) src(%dma_wait3A_99 : memref<80xi32, #tpu.memory_space<hbm>>) dst(%arg15 : memref<80xi32, #tpu.memory_space<vmem>>)
      %scan3A_100 = arith.constant 0 : i32
      %scan3A_101 = arith.constant 0 : i32
      %scan3A_102 = arith.constant 5 : i32
      %scan3A_103 = arith.addi %scan3A_101, %scan3A_102 : i32
      %scan3A_104 = arith.constant 1 : i32
      scf.for %scan3A_126 = %scan3A_101 to %scan3A_103 step %scan3A_104  : i32 {
        %mul3A_127 = arith.constant 16 : i32
        %mul3A_128 = arith.muli %scan3A_126, %mul3A_127 : i32
        %get3A = arith.index_cast %mul3A_128 : i32 to index
        %get3A_129 = tpu.vector_load %arg15[%get3A] {strides = array<i32>} : memref<80xi32, #tpu.memory_space<vmem>>, vector<16xi32>,
        %add3A_130 = arith.constant 30000 : i32
        %add3A_131 = vector.broadcast %add3A_130 : i32 to vector<16xi32>
        %add3A_132 = arith.addi %get3A_129, %add3A_131 : vector<16xi32>
        %mul3A_133 = arith.constant 16 : i32
        %mul3A_134 = arith.muli %scan3A_126, %mul3A_133 : i32
        %swap3A = arith.index_cast %mul3A_134 : i32 to index
        %swap3A_135 = tpu.vector_load %arg17[%swap3A] {strides = array<i32>} : memref<80xi32, #tpu.memory_space<vmem>>, vector<16xi32>,
        tpu.vector_store %arg17[%swap3A], %add3A_132 {strides = array<i32>} : memref<80xi32, #tpu.memory_space<vmem>>, vector<16xi32>,
      }
      %scan3A_105 = arith.constant 5 : i32
      %dma_start3A_106 = arith.constant 0 : i32
      %dma_start3A_107 = arith.constant 0 : i32
      %dma_start3A_108 = tpu.memref_slice %arg2[%dma_start3A_106, %dma_start3A_107] : memref<40000x128xf32, #tpu.memory_space<hbm>> -> memref<40000x128xf32, #tpu.memory_space<hbm>>
      tpu.enqueue_indirect_dma source(%dma_start3A_108 : memref<40000x128xf32, #tpu.memory_space<hbm>>) target(%arg13 : memref<80x128xf32, #tpu.memory_space<vmem>>) offsets(%arg17 : memref<80xi32, #tpu.memory_space<vmem>>) semaphore(%arg19 : memref<!tpu.dma_semaphore, #tpu.memory_space<semaphore_mem>>)
      %dma_wait3A_109 = arith.constant 0 : i32
      %dma_wait3A_110 = arith.constant 0 : i32
      %dma_wait3A_111 = tpu.memref_slice %arg2[%dma_wait3A_109, %dma_wait3A_110] : memref<40000x128xf32, #tpu.memory_space<hbm>> -> memref<40000x128xf32, #tpu.memory_space<hbm>>
      tpu.wait_indirect_dma semaphore(%arg19 : memref<!tpu.dma_semaphore, #tpu.memory_space<semaphore_mem>>) src(%dma_wait3A_111 : memref<40000x128xf32, #tpu.memory_space<hbm>>) dst(%arg13 : memref<80x128xf32, #tpu.memory_space<vmem>>)
      %dma_wait3A_112 = tpu.memref_slice %arg5[%multiple_of3A_86] : memref<320000xi32, #tpu.memory_space<hbm>> -> memref<80xi32, #tpu.memory_space<hbm>>
      %dma_wait3A_113 = tpu.memref_slice %arg5[%multiple_of3A_86] : memref<320000xi32, #tpu.memory_space<hbm>> -> memref<80xi32, #tpu.memory_space<hbm>>
      tpu.wait_dma2 semaphore(%arg20 : memref<!tpu.dma_semaphore, #tpu.memory_space<semaphore_mem>>) src(%dma_wait3A_113 : memref<80xi32, #tpu.memory_space<hbm>>) dst(%arg16 : memref<80xi32, #tpu.memory_space<vmem>>)
      %dma_wait3A_114 = arith.constant 0 : i32
      %dma_wait3A_115 = tpu.memref_slice %arg14[%dma_wait3A_114] : memref<648xf32, #tpu.memory_space<vmem>> -> memref<640xf32, #tpu.memory_space<vmem>>
      %dma_wait3A_116 = tpu.memref_slice %arg9[%multiple_of3A_92] : memref<2560000xf32, #tpu.memory_space<hbm>> -> memref<640xf32, #tpu.memory_space<hbm>>
      %dma_wait3A_117 = arith.constant 0 : i32
      %dma_wait3A_118 = tpu.memref_slice %arg14[%dma_wait3A_117] : memref<648xf32, #tpu.memory_space<vmem>> -> memref<640xf32, #tpu.memory_space<vmem>>
      %dma_wait3A_119 = tpu.memref_slice %arg9[%multiple_of3A_92] : memref<2560000xf32, #tpu.memory_space<hbm>> -> memref<640xf32, #tpu.memory_space<hbm>>
      tpu.wait_dma2 semaphore(%arg21 : memref<!tpu.dma_semaphore, #tpu.memory_space<semaphore_mem>>) src(%dma_wait3A_119 : memref<640xf32, #tpu.memory_space<hbm>>) dst(%dma_wait3A_118 : memref<640xf32, #tpu.memory_space<vmem>>)
      %scan3A_120 = arith.constant 0 : i32
      %scan3A_121 = arith.constant 0 : i32
      %scan3A_122 = arith.constant 80 : i32
      %scan3A_123 = arith.addi %scan3A_121, %scan3A_122 : i32
      %scan3A_124 = arith.constant 1 : i32
      scf.for %scan3A_126 = %scan3A_121 to %scan3A_123 step %scan3A_124  : i32 {
        %mul3A_127 = arith.constant 8 : i32
        %mul3A_128 = arith.muli %scan3A_126, %mul3A_127 : i32
        %get3A = arith.index_cast %mul3A_128 : i32 to index
        %get3A_129 = tpu.vector_load %arg14[%get3A] {strides = array<i32>} : memref<648xf32, #tpu.memory_space<vmem>>, vector<16xf32>,
        %broadcast_in_dim3A = arith.constant 6 : i32
        %broadcast_in_dim3A_130 = vector.broadcast %broadcast_in_dim3A : i32 to vector<16xi32>
        %broadcast_in_dim3A_131 = vector.shape_cast %broadcast_in_dim3A_130 : vector<16xi32> to vector<16x1xi32>
        %gather3A = vector.shape_cast %broadcast_in_dim3A_131 : vector<16x1xi32> to vector<16xi32>
        %gather3A_132 = tpu.dynamic_gather %get3A_129[%gather3A] in [0] : vector<16xf32>, vector<16xi32> -> vector<16xf32>
        %broadcast_in_dim3A_133 = arith.constant 7 : i32
        %broadcast_in_dim3A_134 = vector.broadcast %broadcast_in_dim3A_133 : i32 to vector<16xi32>
        %broadcast_in_dim3A_135 = vector.shape_cast %broadcast_in_dim3A_134 : vector<16xi32> to vector<16x1xi32>
        %gather3A_136 = vector.shape_cast %broadcast_in_dim3A_135 : vector<16x1xi32> to vector<16xi32>
        %gather3A_137 = tpu.dynamic_gather %get3A_129[%gather3A_136] in [0] : vector<16xf32>, vector<16xi32> -> vector<16xf32>
        %get3A_138 = arith.index_cast %scan3A_126 : i32 to index
        %get3A_139 = arith.constant 0 : index
        %get3A_140 = tpu.vector_load %arg13[%get3A_138, %get3A_139] {strides = array<i32>} : memref<80x128xf32, #tpu.memory_space<vmem>>, vector<16xf32>,
        %mul3A_141 = arith.mulf %get3A_140, %gather3A_132 : vector<16xf32>
        %swap3A = arith.index_cast %scan3A_126 : i32 to index
        %swap3A_142 = arith.constant 0 : index
        %swap3A_143 = tpu.vector_load %arg13[%swap3A, %swap3A_142] {strides = array<i32>} : memref<80x128xf32, #tpu.memory_space<vmem>>, vector<16xf32>,
        tpu.vector_store %arg13[%swap3A, %swap3A_142], %mul3A_141 {strides = array<i32>} : memref<80x128xf32, #tpu.memory_space<vmem>>, vector<16xf32>,
        %get3A_144 = arith.index_cast %scan3A_126 : i32 to index
        %get3A_145 = arith.constant 16 : index
        %get3A_146 = tpu.vector_load %arg13[%get3A_144, %get3A_145] {strides = array<i32>} : memref<80x128xf32, #tpu.memory_space<vmem>>, vector<16xf32>,
        %mul3A_147 = arith.mulf %get3A_146, %gather3A_132 : vector<16xf32>
        %swap3A_148 = arith.index_cast %scan3A_126 : i32 to index
        %swap3A_149 = arith.constant 16 : index
        %swap3A_150 = tpu.vector_load %arg13[%swap3A_148, %swap3A_149] {strides = array<i32>} : memref<80x128xf32, #tpu.memory_space<vmem>>, vector<16xf32>,
        tpu.vector_store %arg13[%swap3A_148, %swap3A_149], %mul3A_147 {strides = array<i32>} : memref<80x128xf32, #tpu.memory_space<vmem>>, vector<16xf32>,
        %get3A_151 = arith.index_cast %scan3A_126 : i32 to index
        %get3A_152 = arith.constant 32 : index
        %get3A_153 = tpu.vector_load %arg13[%get3A_151, %get3A_152] {strides = array<i32>} : memref<80x128xf32, #tpu.memory_space<vmem>>, vector<16xf32>,
        %mul3A_154 = arith.mulf %get3A_153, %gather3A_132 : vector<16xf32>
        %swap3A_155 = arith.index_cast %scan3A_126 : i32 to index
        %swap3A_156 = arith.constant 32 : index
        %swap3A_157 = tpu.vector_load %arg13[%swap3A_155, %swap3A_156] {strides = array<i32>} : memref<80x128xf32, #tpu.memory_space<vmem>>, vector<16xf32>,
        tpu.vector_store %arg13[%swap3A_155, %swap3A_156], %mul3A_154 {strides = array<i32>} : memref<80x128xf32, #tpu.memory_space<vmem>>, vector<16xf32>,
        %get3A_158 = arith.index_cast %scan3A_126 : i32 to index
        %get3A_159 = arith.constant 48 : index
        %get3A_160 = tpu.vector_load %arg13[%get3A_158, %get3A_159] {strides = array<i32>} : memref<80x128xf32, #tpu.memory_space<vmem>>, vector<16xf32>,
        %mul3A_161 = arith.mulf %get3A_160, %gather3A_132 : vector<16xf32>
        %swap3A_162 = arith.index_cast %scan3A_126 : i32 to index
        %swap3A_163 = arith.constant 48 : index
        %swap3A_164 = tpu.vector_load %arg13[%swap3A_162, %swap3A_163] {strides = array<i32>} : memref<80x128xf32, #tpu.memory_space<vmem>>, vector<16xf32>,
        tpu.vector_store %arg13[%swap3A_162, %swap3A_163], %mul3A_161 {strides = array<i32>} : memref<80x128xf32, #tpu.memory_space<vmem>>, vector<16xf32>,
        %get3A_165 = arith.index_cast %scan3A_126 : i32 to index
        %get3A_166 = arith.constant 64 : index
        %get3A_167 = tpu.vector_load %arg13[%get3A_165, %get3A_166] {strides = array<i32>} : memref<80x128xf32, #tpu.memory_space<vmem>>, vector<16xf32>,
        %mul3A_168 = arith.mulf %get3A_167, %gather3A_137 : vector<16xf32>
        %swap3A_169 = arith.index_cast %scan3A_126 : i32 to index
        %swap3A_170 = arith.constant 64 : index
        %swap3A_171 = tpu.vector_load %arg13[%swap3A_169, %swap3A_170] {strides = array<i32>} : memref<80x128xf32, #tpu.memory_space<vmem>>, vector<16xf32>,
        tpu.vector_store %arg13[%swap3A_169, %swap3A_170], %mul3A_168 {strides = array<i32>} : memref<80x128xf32, #tpu.memory_space<vmem>>, vector<16xf32>,
        %get3A_172 = arith.index_cast %scan3A_126 : i32 to index
        %get3A_173 = arith.constant 80 : index
        %get3A_174 = tpu.vector_load %arg13[%get3A_172, %get3A_173] {strides = array<i32>} : memref<80x128xf32, #tpu.memory_space<vmem>>, vector<16xf32>,
        %mul3A_175 = arith.mulf %get3A_174, %gather3A_137 : vector<16xf32>
        %swap3A_176 = arith.index_cast %scan3A_126 : i32 to index
        %swap3A_177 = arith.constant 80 : index
        %swap3A_178 = tpu.vector_load %arg13[%swap3A_176, %swap3A_177] {strides = array<i32>} : memref<80x128xf32, #tpu.memory_space<vmem>>, vector<16xf32>,
        tpu.vector_store %arg13[%swap3A_176, %swap3A_177], %mul3A_175 {strides = array<i32>} : memref<80x128xf32, #tpu.memory_space<vmem>>, vector<16xf32>,
        %get3A_179 = arith.index_cast %scan3A_126 : i32 to index
        %get3A_180 = arith.constant 96 : index
        %get3A_181 = tpu.vector_load %arg13[%get3A_179, %get3A_180] {strides = array<i32>} : memref<80x128xf32, #tpu.memory_space<vmem>>, vector<16xf32>,
        %mul3A_182 = arith.mulf %get3A_181, %gather3A_137 : vector<16xf32>
        %swap3A_183 = arith.index_cast %scan3A_126 : i32 to index
        %swap3A_184 = arith.constant 96 : index
        %swap3A_185 = tpu.vector_load %arg13[%swap3A_183, %swap3A_184] {strides = array<i32>} : memref<80x128xf32, #tpu.memory_space<vmem>>, vector<16xf32>,
        tpu.vector_store %arg13[%swap3A_183, %swap3A_184], %mul3A_182 {strides = array<i32>} : memref<80x128xf32, #tpu.memory_space<vmem>>, vector<16xf32>,
        %get3A_186 = arith.index_cast %scan3A_126 : i32 to index
        %get3A_187 = arith.constant 112 : index
        %get3A_188 = tpu.vector_load %arg13[%get3A_186, %get3A_187] {strides = array<i32>} : memref<80x128xf32, #tpu.memory_space<vmem>>, vector<16xf32>,
        %mul3A_189 = arith.mulf %get3A_188, %gather3A_137 : vector<16xf32>
        %swap3A_190 = arith.index_cast %scan3A_126 : i32 to index
        %swap3A_191 = arith.constant 112 : index
        %swap3A_192 = tpu.vector_load %arg13[%swap3A_190, %swap3A_191] {strides = array<i32>} : memref<80x128xf32, #tpu.memory_space<vmem>>, vector<16xf32>,
        tpu.vector_store %arg13[%swap3A_190, %swap3A_191], %mul3A_189 {strides = array<i32>} : memref<80x128xf32, #tpu.memory_space<vmem>>, vector<16xf32>,
      }
      %scan3A_125 = arith.constant 80 : i32
      "tpu.region"() ({
        %run_scoped3A = tpu.sem_alloc : memref<!tpu.dma_semaphore, #tpu.memory_space<semaphore_mem>>
        %dma_start3A_126 = arith.constant 0 : i32
        %dma_start3A_127 = arith.constant 0 : i32
        %dma_start3A_128 = tpu.memref_slice %arg18[%dma_start3A_126, %dma_start3A_127] : memref<10240x128xf32, #tpu.memory_space<vmem_shared>> -> memref<10240x128xf32, #tpu.memory_space<vmem_shared>>
        tpu.enqueue_indirect_dma source(%arg13 : memref<80x128xf32, #tpu.memory_space<vmem>>) target(%dma_start3A_128 : memref<10240x128xf32, #tpu.memory_space<vmem_shared>>) offsets(%arg16 : memref<80xi32, #tpu.memory_space<vmem>>) semaphore(%run_scoped3A : memref<!tpu.dma_semaphore, #tpu.memory_space<semaphore_mem>>) {add = true}
        %dma_wait3A_129 = arith.constant 0 : i32
        %dma_wait3A_130 = arith.constant 0 : i32
        %dma_wait3A_131 = tpu.memref_slice %arg18[%dma_wait3A_129, %dma_wait3A_130] : memref<10240x128xf32, #tpu.memory_space<vmem_shared>> -> memref<10240x128xf32, #tpu.memory_space<vmem_shared>>
        tpu.wait_indirect_dma semaphore(%run_scoped3A : memref<!tpu.dma_semaphore, #tpu.memory_space<semaphore_mem>>) src(%arg13 : memref<80x128xf32, #tpu.memory_space<vmem>>) dst(%dma_wait3A_131 : memref<10240x128xf32, #tpu.memory_space<vmem_shared>>)
        tpu.yield
      }) : () -> ()
    }
    %scan3A_75 = arith.constant 125 : i32
    %barrier3A_76 = arith.constant 0 : index
    tpu.barrier barrier_id(%barrier3A_76)
    %mul3A_77 = arith.constant 4 : i32
    %mul3A_78 = arith.muli %arg0, %mul3A_77 : i32
    %add3A_79 = arith.constant 3 : i32
    %add3A_80 = arith.addi %mul3A_78, %add3A_79 : i32
    "tpu.region"() ({
      %run_scoped3A = tpu.sem_alloc : memref<!tpu.dma_semaphore, #tpu.memory_space<semaphore_mem>>
      %dma_start3A = arith.constant 0 : i32
      %dma_start3A_82 = arith.constant 0 : i32
      %dma_start3A_83 = tpu.memref_slice %arg7[%add3A_80, %dma_start3A, %dma_start3A_82] : memref<8x10240x128xf32, #tpu.memory_space<hbm>> -> memref<1x10240x128xf32, #tpu.memory_space<hbm>>
      %dma_start3A_84 = tpu.memref_squeeze %dma_start3A_83 : memref<1x10240x128xf32, #tpu.memory_space<hbm>> -> memref<10240x128xf32, #tpu.memory_space<hbm>>
      %dma_start3A_85 = arith.constant 0 : i32
      %dma_start3A_86 = tpu.memref_slice %dma_start3A_84[%multiple_of3A_5, %dma_start3A_85] : memref<10240x128xf32, #tpu.memory_space<hbm>> -> memref<640x128xf32, #tpu.memory_space<hbm>>
      %dma_start3A_87 = arith.constant 0 : i32
      %dma_start3A_88 = tpu.memref_slice %arg18[%multiple_of3A_5, %dma_start3A_87] : memref<10240x128xf32, #tpu.memory_space<vmem_shared>> -> memref<640x128xf32, #tpu.memory_space<vmem_shared>>
      tpu.enqueue_dma source(%dma_start3A_88 : memref<640x128xf32, #tpu.memory_space<vmem_shared>>) target(%dma_start3A_86 : memref<640x128xf32, #tpu.memory_space<hbm>>) target_semaphore(%run_scoped3A : memref<!tpu.dma_semaphore, #tpu.memory_space<semaphore_mem>>)
      %dma_wait3A = arith.constant 0 : i32
      %dma_wait3A_89 = arith.constant 0 : i32
      %dma_wait3A_90 = tpu.memref_slice %arg7[%add3A_80, %dma_wait3A, %dma_wait3A_89] : memref<8x10240x128xf32, #tpu.memory_space<hbm>> -> memref<1x10240x128xf32, #tpu.memory_space<hbm>>
      %dma_wait3A_91 = tpu.memref_squeeze %dma_wait3A_90 : memref<1x10240x128xf32, #tpu.memory_space<hbm>> -> memref<10240x128xf32, #tpu.memory_space<hbm>>
      %dma_wait3A_92 = arith.constant 0 : i32
      %dma_wait3A_93 = tpu.memref_slice %dma_wait3A_91[%multiple_of3A_5, %dma_wait3A_92] : memref<10240x128xf32, #tpu.memory_space<hbm>> -> memref<640x128xf32, #tpu.memory_space<hbm>>
      %dma_wait3A_94 = arith.constant 0 : i32
      %dma_wait3A_95 = tpu.memref_slice %arg18[%multiple_of3A_5, %dma_wait3A_94] : memref<10240x128xf32, #tpu.memory_space<vmem_shared>> -> memref<640x128xf32, #tpu.memory_space<vmem_shared>>
      tpu.wait_dma2 semaphore(%run_scoped3A : memref<!tpu.dma_semaphore, #tpu.memory_space<semaphore_mem>>) src(%dma_wait3A_95 : memref<640x128xf32, #tpu.memory_space<vmem_shared>>) dst(%dma_wait3A_93 : memref<640x128xf32, #tpu.memory_space<hbm>>)
      tpu.yield
    }) : () -> ()
    %barrier3A_81 = arith.constant 0 : index
    tpu.barrier barrier_id(%barrier3A_81)
    return
  }
}

module attributes {stable_mosaic.version = 14 : i64} {
  func.func @_tc_a_body(%arg0: i32, %arg1: memref<1000x128xf32, #tpu.memory_space<vmem>>, %arg2: memref<128x512xf32, #tpu.memory_space<vmem>>, %arg3: memref<1x8x64xf32, #tpu.memory_space<vmem>>, %arg4: memref<1x8x64xf32, #tpu.memory_space<vmem>>, %arg5: memref<4x1000x128xf32, #tpu.memory_space<vmem>>, %arg6: memref<1000x128xf32, #tpu.memory_space<vmem>>) attributes {dimension_semantics = [#tpu.dimension_semantics<arbitrary>], iteration_bounds = array<i64: 10>, scalar_prefetch = 0 : i64, scratch_operands = 0 : i64, tpu.core_type = #tpu.core_type<tc>, window_params = [{transform_indices = @transform_0, window_bounds = array<i64: 1000, 128>}, {pipeline_mode = #tpu.pipeline_mode<synchronous>, transform_indices = @transform_1, window_bounds = array<i64: 128, 512>}, {pipeline_mode = #tpu.pipeline_mode<synchronous>, transform_indices = @transform_2, window_bounds = array<i64: 1, 8, 64>}, {pipeline_mode = #tpu.pipeline_mode<synchronous>, transform_indices = @transform_3, window_bounds = array<i64: 1, 8, 64>}, {transform_indices = @transform_4, window_bounds = array<i64: 4, 1000, 128>}, {transform_indices = @transform_5, window_bounds = array<i64: 1000, 128>}]} {
    %get3A = arith.constant 0 : index
    %get3A_0 = arith.constant 0 : index
    %get3A_1 = vector.load %arg1[%get3A, %get3A_0] : memref<1000x128xf32, #tpu.memory_space<vmem>>, vector<1000x128xf32>
    %get3A_2 = arith.constant 0 : index
    %get3A_3 = arith.constant 0 : index
    %get3A_4 = vector.load %arg2[%get3A_2, %get3A_3] : memref<128x512xf32, #tpu.memory_space<vmem>>, vector<128x512xf32>
    %dot_general3A = arith.constant dense<0.000000e+00> : vector<1000x512xf32>
    %dot_general3A_5 = tpu.matmul %get3A_1, %get3A_4, %dot_general3A {dimension_numbers = #tpu.dot_dimension_numbers<[1], [0], [0], [1], [0, 0, 1, 1], [], []>, transpose_lhs_hint = false} : vector<1000x128xf32>, vector<128x512xf32>, vector<1000x512xf32> -> vector<1000x512xf32>
    %reshape3A = vector.shape_cast %dot_general3A_5 : vector<1000x512xf32> to vector<1000x8x64xf32>
    %reshape3A_6 = vector.shape_cast %dot_general3A_5 : vector<1000x512xf32> to vector<1000x4x128xf32>
    %transpose3A = tpu.transpose %reshape3A_6, [1, 0, 2] : vector<1000x4x128xf32> -> vector<4x1000x128xf32>
    %swap3A = arith.constant 0 : index
    %swap3A_7 = arith.constant 0 : index
    %swap3A_8 = arith.constant 0 : index
    %swap3A_9 = vector.load %arg5[%swap3A, %swap3A_7, %swap3A_8] : memref<4x1000x128xf32, #tpu.memory_space<vmem>>, vector<4x1000x128xf32>
    tpu.vector_store %arg5[%swap3A, %swap3A_7, %swap3A_8], %transpose3A {strides = array<i32>} : memref<4x1000x128xf32, #tpu.memory_space<vmem>>, vector<4x1000x128xf32>,
    %get3A_10 = arith.constant 0 : index
    %get3A_11 = arith.constant 0 : index
    %get3A_12 = arith.constant 0 : index
    %get3A_13 = vector.load %arg3[%get3A_10, %get3A_11, %get3A_12] : memref<1x8x64xf32, #tpu.memory_space<vmem>>, vector<1x8x64xf32>
    %mul3A = vector.broadcast %get3A_13 : vector<1x8x64xf32> to vector<1000x8x64xf32>
    %mul3A_14 = arith.mulf %reshape3A, %mul3A : vector<1000x8x64xf32>
    %reduce_sum3A = arith.constant dense<0.000000e+00> : vector<1000x8xf32>
    %reduce_sum3A_15 = vector.multi_reduction <add>, %mul3A_14, %reduce_sum3A [2] : vector<1000x8x64xf32> to vector<1000x8xf32>
    %get3A_16 = arith.constant 0 : index
    %get3A_17 = arith.constant 0 : index
    %get3A_18 = arith.constant 0 : index
    %get3A_19 = vector.load %arg4[%get3A_16, %get3A_17, %get3A_18] : memref<1x8x64xf32, #tpu.memory_space<vmem>>, vector<1x8x64xf32>
    %mul3A_20 = vector.broadcast %get3A_19 : vector<1x8x64xf32> to vector<1000x8x64xf32>
    %mul3A_21 = arith.mulf %reshape3A, %mul3A_20 : vector<1000x8x64xf32>
    %reduce_sum3A_22 = arith.constant dense<0.000000e+00> : vector<1000x8xf32>
    %reduce_sum3A_23 = vector.multi_reduction <add>, %mul3A_21, %reduce_sum3A_22 [2] : vector<1000x8x64xf32> to vector<1000x8xf32>
    %broadcast_in_dim3A = arith.constant 0.000000e+00 : f32
    %broadcast_in_dim3A_24 = vector.broadcast %broadcast_in_dim3A : f32 to vector<1000x112xf32>
    %concatenate3A = tpu.concatenate %reduce_sum3A_15, %reduce_sum3A_23, %broadcast_in_dim3A_24 in 1 : vector<1000x8xf32>, vector<1000x8xf32>, vector<1000x112xf32> -> vector<1000x128xf32>
    %swap3A_25 = arith.constant 0 : index
    %swap3A_26 = arith.constant 0 : index
    %swap3A_27 = vector.load %arg6[%swap3A_25, %swap3A_26] : memref<1000x128xf32, #tpu.memory_space<vmem>>, vector<1000x128xf32>
    tpu.vector_store %arg6[%swap3A_25, %swap3A_26], %concatenate3A {strides = array<i32>} : memref<1000x128xf32, #tpu.memory_space<vmem>>, vector<1000x128xf32>,
    return
  }
  func.func @transform_0(%arg0: i32) -> (i32, i32) {
    %c0_i32 = arith.constant 0 : i32
    %c0_i32_0 = arith.constant 0 : i32
    return %arg0, %c0_i32 : i32, i32
  }
  func.func @transform_1(%arg0: i32) -> (i32, i32) {
    %c0_i32 = arith.constant 0 : i32
    %c0_i32_0 = arith.constant 0 : i32
    %c0_i32_1 = arith.constant 0 : i32
    return %c0_i32, %c0_i32_0 : i32, i32
  }
  func.func @transform_2(%arg0: i32) -> (i32, i32, i32) {
    %c0_i32 = arith.constant 0 : i32
    %c0_i32_0 = arith.constant 0 : i32
    %c0_i32_1 = arith.constant 0 : i32
    %c0_i32_2 = arith.constant 0 : i32
    return %c0_i32, %c0_i32_0, %c0_i32_1 : i32, i32, i32
  }
  func.func @transform_3(%arg0: i32) -> (i32, i32, i32) {
    %c0_i32 = arith.constant 0 : i32
    %c0_i32_0 = arith.constant 0 : i32
    %c0_i32_1 = arith.constant 0 : i32
    %c0_i32_2 = arith.constant 0 : i32
    return %c0_i32, %c0_i32_0, %c0_i32_1 : i32, i32, i32
  }
  func.func @transform_4(%arg0: i32) -> (i32, i32, i32) {
    %c0_i32 = arith.constant 0 : i32
    %c0_i32_0 = arith.constant 0 : i32
    %c0_i32_1 = arith.constant 0 : i32
    return %c0_i32, %arg0, %c0_i32_0 : i32, i32, i32
  }
  func.func @transform_5(%arg0: i32) -> (i32, i32) {
    %c0_i32 = arith.constant 0 : i32
    %c0_i32_0 = arith.constant 0 : i32
    return %arg0, %c0_i32 : i32, i32
  }
}

module attributes {stable_mosaic.version = 14 : i64} {
  func.func @_tc_c_body(%arg0: i32, %arg1: memref<2x4x1000x128xf32, #tpu.memory_space<vmem>>, %arg2: memref<2x1000x128xf32, #tpu.memory_space<vmem>>, %arg3: memref<1000x128xf32, #tpu.memory_space<vmem>>, %arg4: memref<4x1000x128xf32, #tpu.memory_space<vmem>>, %arg5: memref<512x40xf32, #tpu.memory_space<vmem>>, %arg6: memref<1x512xf32, #tpu.memory_space<vmem>>, %arg7: memref<1x40xf32, #tpu.memory_space<vmem>>, %arg8: memref<1x40xf32, #tpu.memory_space<vmem>>, %arg9: memref<1000x128xf32, #tpu.memory_space<vmem>>, %arg10: memref<1000x8xf32, #tpu.memory_space<vmem>>) attributes {dimension_semantics = [#tpu.dimension_semantics<arbitrary>], iteration_bounds = array<i64: 10>, scalar_prefetch = 0 : i64, scratch_operands = 0 : i64, tpu.core_type = #tpu.core_type<tc>, window_params = [{transform_indices = @transform_0, window_bounds = array<i64: 2, 4, 1000, 128>}, {transform_indices = @transform_1, window_bounds = array<i64: 2, 1000, 128>}, {transform_indices = @transform_2, window_bounds = array<i64: 1000, 128>}, {transform_indices = @transform_3, window_bounds = array<i64: 4, 1000, 128>}, {pipeline_mode = #tpu.pipeline_mode<synchronous>, transform_indices = @transform_4, window_bounds = array<i64: 512, 40>}, {pipeline_mode = #tpu.pipeline_mode<synchronous>, transform_indices = @transform_5, window_bounds = array<i64: 1, 512>}, {pipeline_mode = #tpu.pipeline_mode<synchronous>, transform_indices = @transform_6, window_bounds = array<i64: 1, 40>}, {pipeline_mode = #tpu.pipeline_mode<synchronous>, transform_indices = @transform_7, window_bounds = array<i64: 1, 40>}, {transform_indices = @transform_8, window_bounds = array<i64: 1000, 128>}, {transform_indices = @transform_9, window_bounds = array<i64: 1000, 8>}]} {
    %get3A = arith.constant 0 : index
    %get3A_0 = arith.constant 0 : index
    %get3A_1 = vector.load %arg3[%get3A, %get3A_0] : memref<1000x128xf32, #tpu.memory_space<vmem>>, vector<1000x128xf32>
    %slice3A = vector.extract_strided_slice %get3A_1 {offsets = [0, 0], sizes = [1000, 8], strides = [1, 1]} : vector<1000x128xf32> to vector<1000x8xf32>
    %slice3A_2 = vector.extract_strided_slice %get3A_1 {offsets = [0, 8], sizes = [1000, 8], strides = [1, 1]} : vector<1000x128xf32> to vector<1000x8xf32>
    %add3A = arith.addf %slice3A, %slice3A_2 : vector<1000x8xf32>
    %ge3A = arith.constant 0.000000e+00 : f32
    %ge3A_3 = vector.broadcast %ge3A : f32 to vector<1000x8xf32>
    %ge3A_4 = arith.cmpf oge, %add3A, %ge3A_3 : vector<1000x8xf32>
    %mul3A = arith.constant 2.000000e-01 : f32
    %mul3A_5 = vector.broadcast %mul3A : f32 to vector<1000x8xf32>
    %mul3A_6 = arith.mulf %mul3A_5, %add3A : vector<1000x8xf32>
    %select_n3A = arith.select %ge3A_4, %add3A, %mul3A_6 : vector<1000x8xi1>, vector<1000x8xf32>
    %exp3A = math.exp %select_n3A : vector<1000x8xf32>
    %get3A_7 = arith.constant 0 : index
    %get3A_8 = arith.constant 0 : index
    %get3A_9 = arith.constant 0 : index
    %get3A_10 = vector.load %arg2[%get3A_7, %get3A_8, %get3A_9] : memref<2x1000x128xf32, #tpu.memory_space<vmem>>, vector<1x1000x8xf32>
    %get3A_11 = vector.shape_cast %get3A_10 : vector<1x1000x8xf32> to vector<1000x8xf32>
    %get3A_12 = arith.constant 1 : index
    %get3A_13 = arith.constant 0 : index
    %get3A_14 = arith.constant 0 : index
    %get3A_15 = vector.load %arg2[%get3A_12, %get3A_13, %get3A_14] : memref<2x1000x128xf32, #tpu.memory_space<vmem>>, vector<1x1000x8xf32>
    %get3A_16 = vector.shape_cast %get3A_15 : vector<1x1000x8xf32> to vector<1000x8xf32>
    %add3A_17 = arith.addf %get3A_11, %get3A_16 : vector<1000x8xf32>
    %add3A_18 = arith.addf %add3A_17, %exp3A : vector<1000x8xf32>
    %get3A_19 = arith.constant 0 : index
    %get3A_20 = arith.constant 0 : index
    %get3A_21 = arith.constant 0 : index
    %get3A_22 = arith.constant 0 : index
    %get3A_23 = vector.load %arg1[%get3A_19, %get3A_20, %get3A_21, %get3A_22] : memref<2x4x1000x128xf32, #tpu.memory_space<vmem>>, vector<1x1x1000x64xf32>
    %get3A_24 = vector.shape_cast %get3A_23 : vector<1x1x1000x64xf32> to vector<1000x64xf32>
    %get3A_25 = arith.constant 1 : index
    %get3A_26 = arith.constant 0 : index
    %get3A_27 = arith.constant 0 : index
    %get3A_28 = arith.constant 0 : index
    %get3A_29 = vector.load %arg1[%get3A_25, %get3A_26, %get3A_27, %get3A_28] : memref<2x4x1000x128xf32, #tpu.memory_space<vmem>>, vector<1x1x1000x64xf32>
    %get3A_30 = vector.shape_cast %get3A_29 : vector<1x1x1000x64xf32> to vector<1000x64xf32>
    %add3A_31 = arith.addf %get3A_24, %get3A_30 : vector<1000x64xf32>
    %slice3A_32 = vector.extract_strided_slice %exp3A {offsets = [0, 0], sizes = [1000, 1], strides = [1, 1]} : vector<1000x8xf32> to vector<1000x1xf32>
    %get3A_33 = arith.constant 0 : index
    %get3A_34 = arith.constant 0 : index
    %get3A_35 = arith.constant 0 : index
    %get3A_36 = vector.load %arg4[%get3A_33, %get3A_34, %get3A_35] : memref<4x1000x128xf32, #tpu.memory_space<vmem>>, vector<1x1000x64xf32>
    %get3A_37 = vector.shape_cast %get3A_36 : vector<1x1000x64xf32> to vector<1000x64xf32>
    %mul3A_38 = vector.broadcast %slice3A_32 : vector<1000x1xf32> to vector<1000x64xf32>
    %mul3A_39 = arith.mulf %mul3A_38, %get3A_37 : vector<1000x64xf32>
    %add3A_40 = arith.addf %add3A_31, %mul3A_39 : vector<1000x64xf32>
    %slice3A_41 = vector.extract_strided_slice %add3A_18 {offsets = [0, 0], sizes = [1000, 1], strides = [1, 1]} : vector<1000x8xf32> to vector<1000x1xf32>
    %div3A = vector.broadcast %slice3A_41 : vector<1000x1xf32> to vector<1000x64xf32>
    %div3A_42 = arith.divf %add3A_40, %div3A : vector<1000x64xf32>
    %get3A_43 = arith.constant 0 : index
    %get3A_44 = arith.constant 0 : index
    %get3A_45 = arith.constant 0 : index
    %get3A_46 = arith.constant 64 : index
    %get3A_47 = vector.load %arg1[%get3A_43, %get3A_44, %get3A_45, %get3A_46] : memref<2x4x1000x128xf32, #tpu.memory_space<vmem>>, vector<1x1x1000x64xf32>
    %get3A_48 = vector.shape_cast %get3A_47 : vector<1x1x1000x64xf32> to vector<1000x64xf32>
    %get3A_49 = arith.constant 1 : index
    %get3A_50 = arith.constant 0 : index
    %get3A_51 = arith.constant 0 : index
    %get3A_52 = arith.constant 64 : index
    %get3A_53 = vector.load %arg1[%get3A_49, %get3A_50, %get3A_51, %get3A_52] : memref<2x4x1000x128xf32, #tpu.memory_space<vmem>>, vector<1x1x1000x64xf32>
    %get3A_54 = vector.shape_cast %get3A_53 : vector<1x1x1000x64xf32> to vector<1000x64xf32>
    %add3A_55 = arith.addf %get3A_48, %get3A_54 : vector<1000x64xf32>
    %slice3A_56 = vector.extract_strided_slice %exp3A {offsets = [0, 1], sizes = [1000, 1], strides = [1, 1]} : vector<1000x8xf32> to vector<1000x1xf32>
    %get3A_57 = arith.constant 0 : index
    %get3A_58 = arith.constant 0 : index
    %get3A_59 = arith.constant 64 : index
    %get3A_60 = vector.load %arg4[%get3A_57, %get3A_58, %get3A_59] : memref<4x1000x128xf32, #tpu.memory_space<vmem>>, vector<1x1000x64xf32>
    %get3A_61 = vector.shape_cast %get3A_60 : vector<1x1000x64xf32> to vector<1000x64xf32>
    %mul3A_62 = vector.broadcast %slice3A_56 : vector<1000x1xf32> to vector<1000x64xf32>
    %mul3A_63 = arith.mulf %mul3A_62, %get3A_61 : vector<1000x64xf32>
    %add3A_64 = arith.addf %add3A_55, %mul3A_63 : vector<1000x64xf32>
    %slice3A_65 = vector.extract_strided_slice %add3A_18 {offsets = [0, 1], sizes = [1000, 1], strides = [1, 1]} : vector<1000x8xf32> to vector<1000x1xf32>
    %div3A_66 = vector.broadcast %slice3A_65 : vector<1000x1xf32> to vector<1000x64xf32>
    %div3A_67 = arith.divf %add3A_64, %div3A_66 : vector<1000x64xf32>
    %get3A_68 = arith.constant 0 : index
    %get3A_69 = arith.constant 1 : index
    %get3A_70 = arith.constant 0 : index
    %get3A_71 = arith.constant 0 : index
    %get3A_72 = vector.load %arg1[%get3A_68, %get3A_69, %get3A_70, %get3A_71] : memref<2x4x1000x128xf32, #tpu.memory_space<vmem>>, vector<1x1x1000x64xf32>
    %get3A_73 = vector.shape_cast %get3A_72 : vector<1x1x1000x64xf32> to vector<1000x64xf32>
    %get3A_74 = arith.constant 1 : index
    %get3A_75 = arith.constant 1 : index
    %get3A_76 = arith.constant 0 : index
    %get3A_77 = arith.constant 0 : index
    %get3A_78 = vector.load %arg1[%get3A_74, %get3A_75, %get3A_76, %get3A_77] : memref<2x4x1000x128xf32, #tpu.memory_space<vmem>>, vector<1x1x1000x64xf32>
    %get3A_79 = vector.shape_cast %get3A_78 : vector<1x1x1000x64xf32> to vector<1000x64xf32>
    %add3A_80 = arith.addf %get3A_73, %get3A_79 : vector<1000x64xf32>
    %slice3A_81 = vector.extract_strided_slice %exp3A {offsets = [0, 2], sizes = [1000, 1], strides = [1, 1]} : vector<1000x8xf32> to vector<1000x1xf32>
    %get3A_82 = arith.constant 1 : index
    %get3A_83 = arith.constant 0 : index
    %get3A_84 = arith.constant 0 : index
    %get3A_85 = vector.load %arg4[%get3A_82, %get3A_83, %get3A_84] : memref<4x1000x128xf32, #tpu.memory_space<vmem>>, vector<1x1000x64xf32>
    %get3A_86 = vector.shape_cast %get3A_85 : vector<1x1000x64xf32> to vector<1000x64xf32>
    %mul3A_87 = vector.broadcast %slice3A_81 : vector<1000x1xf32> to vector<1000x64xf32>
    %mul3A_88 = arith.mulf %mul3A_87, %get3A_86 : vector<1000x64xf32>
    %add3A_89 = arith.addf %add3A_80, %mul3A_88 : vector<1000x64xf32>
    %slice3A_90 = vector.extract_strided_slice %add3A_18 {offsets = [0, 2], sizes = [1000, 1], strides = [1, 1]} : vector<1000x8xf32> to vector<1000x1xf32>
    %div3A_91 = vector.broadcast %slice3A_90 : vector<1000x1xf32> to vector<1000x64xf32>
    %div3A_92 = arith.divf %add3A_89, %div3A_91 : vector<1000x64xf32>
    %get3A_93 = arith.constant 0 : index
    %get3A_94 = arith.constant 1 : index
    %get3A_95 = arith.constant 0 : index
    %get3A_96 = arith.constant 64 : index
    %get3A_97 = vector.load %arg1[%get3A_93, %get3A_94, %get3A_95, %get3A_96] : memref<2x4x1000x128xf32, #tpu.memory_space<vmem>>, vector<1x1x1000x64xf32>
    %get3A_98 = vector.shape_cast %get3A_97 : vector<1x1x1000x64xf32> to vector<1000x64xf32>
    %get3A_99 = arith.constant 1 : index
    %get3A_100 = arith.constant 1 : index
    %get3A_101 = arith.constant 0 : index
    %get3A_102 = arith.constant 64 : index
    %get3A_103 = vector.load %arg1[%get3A_99, %get3A_100, %get3A_101, %get3A_102] : memref<2x4x1000x128xf32, #tpu.memory_space<vmem>>, vector<1x1x1000x64xf32>
    %get3A_104 = vector.shape_cast %get3A_103 : vector<1x1x1000x64xf32> to vector<1000x64xf32>
    %add3A_105 = arith.addf %get3A_98, %get3A_104 : vector<1000x64xf32>
    %slice3A_106 = vector.extract_strided_slice %exp3A {offsets = [0, 3], sizes = [1000, 1], strides = [1, 1]} : vector<1000x8xf32> to vector<1000x1xf32>
    %get3A_107 = arith.constant 1 : index
    %get3A_108 = arith.constant 0 : index
    %get3A_109 = arith.constant 64 : index
    %get3A_110 = vector.load %arg4[%get3A_107, %get3A_108, %get3A_109] : memref<4x1000x128xf32, #tpu.memory_space<vmem>>, vector<1x1000x64xf32>
    %get3A_111 = vector.shape_cast %get3A_110 : vector<1x1000x64xf32> to vector<1000x64xf32>
    %mul3A_112 = vector.broadcast %slice3A_106 : vector<1000x1xf32> to vector<1000x64xf32>
    %mul3A_113 = arith.mulf %mul3A_112, %get3A_111 : vector<1000x64xf32>
    %add3A_114 = arith.addf %add3A_105, %mul3A_113 : vector<1000x64xf32>
    %slice3A_115 = vector.extract_strided_slice %add3A_18 {offsets = [0, 3], sizes = [1000, 1], strides = [1, 1]} : vector<1000x8xf32> to vector<1000x1xf32>
    %div3A_116 = vector.broadcast %slice3A_115 : vector<1000x1xf32> to vector<1000x64xf32>
    %div3A_117 = arith.divf %add3A_114, %div3A_116 : vector<1000x64xf32>
    %get3A_118 = arith.constant 0 : index
    %get3A_119 = arith.constant 2 : index
    %get3A_120 = arith.constant 0 : index
    %get3A_121 = arith.constant 0 : index
    %get3A_122 = vector.load %arg1[%get3A_118, %get3A_119, %get3A_120, %get3A_121] : memref<2x4x1000x128xf32, #tpu.memory_space<vmem>>, vector<1x1x1000x64xf32>
    %get3A_123 = vector.shape_cast %get3A_122 : vector<1x1x1000x64xf32> to vector<1000x64xf32>
    %get3A_124 = arith.constant 1 : index
    %get3A_125 = arith.constant 2 : index
    %get3A_126 = arith.constant 0 : index
    %get3A_127 = arith.constant 0 : index
    %get3A_128 = vector.load %arg1[%get3A_124, %get3A_125, %get3A_126, %get3A_127] : memref<2x4x1000x128xf32, #tpu.memory_space<vmem>>, vector<1x1x1000x64xf32>
    %get3A_129 = vector.shape_cast %get3A_128 : vector<1x1x1000x64xf32> to vector<1000x64xf32>
    %add3A_130 = arith.addf %get3A_123, %get3A_129 : vector<1000x64xf32>
    %slice3A_131 = vector.extract_strided_slice %exp3A {offsets = [0, 4], sizes = [1000, 1], strides = [1, 1]} : vector<1000x8xf32> to vector<1000x1xf32>
    %get3A_132 = arith.constant 2 : index
    %get3A_133 = arith.constant 0 : index
    %get3A_134 = arith.constant 0 : index
    %get3A_135 = vector.load %arg4[%get3A_132, %get3A_133, %get3A_134] : memref<4x1000x128xf32, #tpu.memory_space<vmem>>, vector<1x1000x64xf32>
    %get3A_136 = vector.shape_cast %get3A_135 : vector<1x1000x64xf32> to vector<1000x64xf32>
    %mul3A_137 = vector.broadcast %slice3A_131 : vector<1000x1xf32> to vector<1000x64xf32>
    %mul3A_138 = arith.mulf %mul3A_137, %get3A_136 : vector<1000x64xf32>
    %add3A_139 = arith.addf %add3A_130, %mul3A_138 : vector<1000x64xf32>
    %slice3A_140 = vector.extract_strided_slice %add3A_18 {offsets = [0, 4], sizes = [1000, 1], strides = [1, 1]} : vector<1000x8xf32> to vector<1000x1xf32>
    %div3A_141 = vector.broadcast %slice3A_140 : vector<1000x1xf32> to vector<1000x64xf32>
    %div3A_142 = arith.divf %add3A_139, %div3A_141 : vector<1000x64xf32>
    %get3A_143 = arith.constant 0 : index
    %get3A_144 = arith.constant 2 : index
    %get3A_145 = arith.constant 0 : index
    %get3A_146 = arith.constant 64 : index
    %get3A_147 = vector.load %arg1[%get3A_143, %get3A_144, %get3A_145, %get3A_146] : memref<2x4x1000x128xf32, #tpu.memory_space<vmem>>, vector<1x1x1000x64xf32>
    %get3A_148 = vector.shape_cast %get3A_147 : vector<1x1x1000x64xf32> to vector<1000x64xf32>
    %get3A_149 = arith.constant 1 : index
    %get3A_150 = arith.constant 2 : index
    %get3A_151 = arith.constant 0 : index
    %get3A_152 = arith.constant 64 : index
    %get3A_153 = vector.load %arg1[%get3A_149, %get3A_150, %get3A_151, %get3A_152] : memref<2x4x1000x128xf32, #tpu.memory_space<vmem>>, vector<1x1x1000x64xf32>
    %get3A_154 = vector.shape_cast %get3A_153 : vector<1x1x1000x64xf32> to vector<1000x64xf32>
    %add3A_155 = arith.addf %get3A_148, %get3A_154 : vector<1000x64xf32>
    %slice3A_156 = vector.extract_strided_slice %exp3A {offsets = [0, 5], sizes = [1000, 1], strides = [1, 1]} : vector<1000x8xf32> to vector<1000x1xf32>
    %get3A_157 = arith.constant 2 : index
    %get3A_158 = arith.constant 0 : index
    %get3A_159 = arith.constant 64 : index
    %get3A_160 = vector.load %arg4[%get3A_157, %get3A_158, %get3A_159] : memref<4x1000x128xf32, #tpu.memory_space<vmem>>, vector<1x1000x64xf32>
    %get3A_161 = vector.shape_cast %get3A_160 : vector<1x1000x64xf32> to vector<1000x64xf32>
    %mul3A_162 = vector.broadcast %slice3A_156 : vector<1000x1xf32> to vector<1000x64xf32>
    %mul3A_163 = arith.mulf %mul3A_162, %get3A_161 : vector<1000x64xf32>
    %add3A_164 = arith.addf %add3A_155, %mul3A_163 : vector<1000x64xf32>
    %slice3A_165 = vector.extract_strided_slice %add3A_18 {offsets = [0, 5], sizes = [1000, 1], strides = [1, 1]} : vector<1000x8xf32> to vector<1000x1xf32>
    %div3A_166 = vector.broadcast %slice3A_165 : vector<1000x1xf32> to vector<1000x64xf32>
    %div3A_167 = arith.divf %add3A_164, %div3A_166 : vector<1000x64xf32>
    %get3A_168 = arith.constant 0 : index
    %get3A_169 = arith.constant 3 : index
    %get3A_170 = arith.constant 0 : index
    %get3A_171 = arith.constant 0 : index
    %get3A_172 = vector.load %arg1[%get3A_168, %get3A_169, %get3A_170, %get3A_171] : memref<2x4x1000x128xf32, #tpu.memory_space<vmem>>, vector<1x1x1000x64xf32>
    %get3A_173 = vector.shape_cast %get3A_172 : vector<1x1x1000x64xf32> to vector<1000x64xf32>
    %get3A_174 = arith.constant 1 : index
    %get3A_175 = arith.constant 3 : index
    %get3A_176 = arith.constant 0 : index
    %get3A_177 = arith.constant 0 : index
    %get3A_178 = vector.load %arg1[%get3A_174, %get3A_175, %get3A_176, %get3A_177] : memref<2x4x1000x128xf32, #tpu.memory_space<vmem>>, vector<1x1x1000x64xf32>
    %get3A_179 = vector.shape_cast %get3A_178 : vector<1x1x1000x64xf32> to vector<1000x64xf32>
    %add3A_180 = arith.addf %get3A_173, %get3A_179 : vector<1000x64xf32>
    %slice3A_181 = vector.extract_strided_slice %exp3A {offsets = [0, 6], sizes = [1000, 1], strides = [1, 1]} : vector<1000x8xf32> to vector<1000x1xf32>
    %get3A_182 = arith.constant 3 : index
    %get3A_183 = arith.constant 0 : index
    %get3A_184 = arith.constant 0 : index
    %get3A_185 = vector.load %arg4[%get3A_182, %get3A_183, %get3A_184] : memref<4x1000x128xf32, #tpu.memory_space<vmem>>, vector<1x1000x64xf32>
    %get3A_186 = vector.shape_cast %get3A_185 : vector<1x1000x64xf32> to vector<1000x64xf32>
    %mul3A_187 = vector.broadcast %slice3A_181 : vector<1000x1xf32> to vector<1000x64xf32>
    %mul3A_188 = arith.mulf %mul3A_187, %get3A_186 : vector<1000x64xf32>
    %add3A_189 = arith.addf %add3A_180, %mul3A_188 : vector<1000x64xf32>
    %slice3A_190 = vector.extract_strided_slice %add3A_18 {offsets = [0, 6], sizes = [1000, 1], strides = [1, 1]} : vector<1000x8xf32> to vector<1000x1xf32>
    %div3A_191 = vector.broadcast %slice3A_190 : vector<1000x1xf32> to vector<1000x64xf32>
    %div3A_192 = arith.divf %add3A_189, %div3A_191 : vector<1000x64xf32>
    %get3A_193 = arith.constant 0 : index
    %get3A_194 = arith.constant 3 : index
    %get3A_195 = arith.constant 0 : index
    %get3A_196 = arith.constant 64 : index
    %get3A_197 = vector.load %arg1[%get3A_193, %get3A_194, %get3A_195, %get3A_196] : memref<2x4x1000x128xf32, #tpu.memory_space<vmem>>, vector<1x1x1000x64xf32>
    %get3A_198 = vector.shape_cast %get3A_197 : vector<1x1x1000x64xf32> to vector<1000x64xf32>
    %get3A_199 = arith.constant 1 : index
    %get3A_200 = arith.constant 3 : index
    %get3A_201 = arith.constant 0 : index
    %get3A_202 = arith.constant 64 : index
    %get3A_203 = vector.load %arg1[%get3A_199, %get3A_200, %get3A_201, %get3A_202] : memref<2x4x1000x128xf32, #tpu.memory_space<vmem>>, vector<1x1x1000x64xf32>
    %get3A_204 = vector.shape_cast %get3A_203 : vector<1x1x1000x64xf32> to vector<1000x64xf32>
    %add3A_205 = arith.addf %get3A_198, %get3A_204 : vector<1000x64xf32>
    %slice3A_206 = vector.extract_strided_slice %exp3A {offsets = [0, 7], sizes = [1000, 1], strides = [1, 1]} : vector<1000x8xf32> to vector<1000x1xf32>
    %get3A_207 = arith.constant 3 : index
    %get3A_208 = arith.constant 0 : index
    %get3A_209 = arith.constant 64 : index
    %get3A_210 = vector.load %arg4[%get3A_207, %get3A_208, %get3A_209] : memref<4x1000x128xf32, #tpu.memory_space<vmem>>, vector<1x1000x64xf32>
    %get3A_211 = vector.shape_cast %get3A_210 : vector<1x1000x64xf32> to vector<1000x64xf32>
    %mul3A_212 = vector.broadcast %slice3A_206 : vector<1000x1xf32> to vector<1000x64xf32>
    %mul3A_213 = arith.mulf %mul3A_212, %get3A_211 : vector<1000x64xf32>
    %add3A_214 = arith.addf %add3A_205, %mul3A_213 : vector<1000x64xf32>
    %slice3A_215 = vector.extract_strided_slice %add3A_18 {offsets = [0, 7], sizes = [1000, 1], strides = [1, 1]} : vector<1000x8xf32> to vector<1000x1xf32>
    %div3A_216 = vector.broadcast %slice3A_215 : vector<1000x1xf32> to vector<1000x64xf32>
    %div3A_217 = arith.divf %add3A_214, %div3A_216 : vector<1000x64xf32>
    %concatenate3A = tpu.concatenate %div3A_42, %div3A_67, %div3A_92, %div3A_117, %div3A_142, %div3A_167, %div3A_192, %div3A_217 in 1 : vector<1000x64xf32>, vector<1000x64xf32>, vector<1000x64xf32>, vector<1000x64xf32>, vector<1000x64xf32>, vector<1000x64xf32>, vector<1000x64xf32>, vector<1000x64xf32> -> vector<1000x512xf32>
    %get3A_218 = arith.constant 0 : index
    %get3A_219 = arith.constant 0 : index
    %get3A_220 = vector.load %arg6[%get3A_218, %get3A_219] : memref<1x512xf32, #tpu.memory_space<vmem>>, vector<1x512xf32>
    %add3A_221 = vector.broadcast %get3A_220 : vector<1x512xf32> to vector<1000x512xf32>
    %add3A_222 = arith.addf %concatenate3A, %add3A_221 : vector<1000x512xf32>
    %gt3A = arith.constant 0.000000e+00 : f32
    %gt3A_223 = vector.broadcast %gt3A : f32 to vector<1000x512xf32>
    %gt3A_224 = arith.cmpf ogt, %add3A_222, %gt3A_223 : vector<1000x512xf32>
    %min3A = arith.constant 0.000000e+00 : f32
    %min3A_225 = vector.broadcast %min3A : f32 to vector<1000x512xf32>
    %min3A_226 = arith.minimumf %add3A_222, %min3A_225 : vector<1000x512xf32>
    %exp3A_227 = math.exp %min3A_226 : vector<1000x512xf32>
    %sub3A = arith.constant 1.000000e+00 : f32
    %sub3A_228 = vector.broadcast %sub3A : f32 to vector<1000x512xf32>
    %sub3A_229 = arith.subf %exp3A_227, %sub3A_228 : vector<1000x512xf32>
    %select_n3A_230 = arith.select %gt3A_224, %add3A_222, %sub3A_229 : vector<1000x512xi1>, vector<1000x512xf32>
    %get3A_231 = arith.constant 0 : index
    %get3A_232 = arith.constant 0 : index
    %get3A_233 = vector.load %arg5[%get3A_231, %get3A_232] : memref<512x40xf32, #tpu.memory_space<vmem>>, vector<512x40xf32>
    %dot_general3A = arith.constant dense<0.000000e+00> : vector<1000x40xf32>
    %dot_general3A_234 = tpu.matmul %select_n3A_230, %get3A_233, %dot_general3A {dimension_numbers = #tpu.dot_dimension_numbers<[1], [0], [0], [1], [0, 0, 1, 1], [], []>, transpose_lhs_hint = false} : vector<1000x512xf32>, vector<512x40xf32>, vector<1000x40xf32> -> vector<1000x40xf32>
    %broadcast_in_dim3A = arith.constant 1.000000e+00 : f32
    %broadcast_in_dim3A_235 = vector.broadcast %broadcast_in_dim3A : f32 to vector<1000x1xf32>
    %broadcast_in_dim3A_236 = arith.constant 0.000000e+00 : f32
    %broadcast_in_dim3A_237 = vector.broadcast %broadcast_in_dim3A_236 : f32 to vector<1000x87xf32>
    %concatenate3A_238 = tpu.concatenate %dot_general3A_234, %broadcast_in_dim3A_235, %broadcast_in_dim3A_237 in 1 : vector<1000x40xf32>, vector<1000x1xf32>, vector<1000x87xf32> -> vector<1000x128xf32>
    %swap3A = arith.constant 0 : index
    %swap3A_239 = arith.constant 0 : index
    %swap3A_240 = vector.load %arg9[%swap3A, %swap3A_239] : memref<1000x128xf32, #tpu.memory_space<vmem>>, vector<1000x128xf32>
    tpu.vector_store %arg9[%swap3A, %swap3A_239], %concatenate3A_238 {strides = array<i32>} : memref<1000x128xf32, #tpu.memory_space<vmem>>, vector<1000x128xf32>,
    %get3A_241 = arith.constant 0 : index
    %get3A_242 = arith.constant 0 : index
    %get3A_243 = vector.load %arg7[%get3A_241, %get3A_242] : memref<1x40xf32, #tpu.memory_space<vmem>>, vector<1x40xf32>
    %mul3A_244 = vector.broadcast %get3A_243 : vector<1x40xf32> to vector<1000x40xf32>
    %mul3A_245 = arith.mulf %dot_general3A_234, %mul3A_244 : vector<1000x40xf32>
    %reduce_sum3A = arith.constant dense<0.000000e+00> : vector<1000xf32>
    %reduce_sum3A_246 = vector.multi_reduction <add>, %mul3A_245, %reduce_sum3A [1] : vector<1000x40xf32> to vector<1000xf32>
    %get3A_247 = arith.constant 0 : index
    %get3A_248 = arith.constant 0 : index
    %get3A_249 = vector.load %arg8[%get3A_247, %get3A_248] : memref<1x40xf32, #tpu.memory_space<vmem>>, vector<1x40xf32>
    %mul3A_250 = vector.broadcast %get3A_249 : vector<1x40xf32> to vector<1000x40xf32>
    %mul3A_251 = arith.mulf %dot_general3A_234, %mul3A_250 : vector<1000x40xf32>
    %reduce_sum3A_252 = arith.constant dense<0.000000e+00> : vector<1000xf32>
    %reduce_sum3A_253 = vector.multi_reduction <add>, %mul3A_251, %reduce_sum3A_252 [1] : vector<1000x40xf32> to vector<1000xf32>
    %broadcast_in_dim3A_254 = vector.shape_cast %reduce_sum3A_246 : vector<1000xf32> to vector<1000x1xf32>
    %broadcast_in_dim3A_255 = vector.shape_cast %reduce_sum3A_253 : vector<1000xf32> to vector<1000x1xf32>
    %broadcast_in_dim3A_256 = arith.constant 0.000000e+00 : f32
    %broadcast_in_dim3A_257 = vector.broadcast %broadcast_in_dim3A_256 : f32 to vector<1000x6xf32>
    %concatenate3A_258 = tpu.concatenate %broadcast_in_dim3A_254, %broadcast_in_dim3A_255, %broadcast_in_dim3A_257 in 1 : vector<1000x1xf32>, vector<1000x1xf32>, vector<1000x6xf32> -> vector<1000x8xf32>
    %swap3A_259 = arith.constant 0 : index
    %swap3A_260 = arith.constant 0 : index
    %swap3A_261 = vector.load %arg10[%swap3A_259, %swap3A_260] : memref<1000x8xf32, #tpu.memory_space<vmem>>, vector<1000x8xf32>
    tpu.vector_store %arg10[%swap3A_259, %swap3A_260], %concatenate3A_258 {strides = array<i32>} : memref<1000x8xf32, #tpu.memory_space<vmem>>, vector<1000x8xf32>,
    return
  }
  func.func @transform_0(%arg0: i32) -> (i32, i32, i32, i32) {
    %c0_i32 = arith.constant 0 : i32
    %c0_i32_0 = arith.constant 0 : i32
    %c0_i32_1 = arith.constant 0 : i32
    %c0_i32_2 = arith.constant 0 : i32
    return %c0_i32, %c0_i32_0, %arg0, %c0_i32_1 : i32, i32, i32, i32
  }
  func.func @transform_1(%arg0: i32) -> (i32, i32, i32) {
    %c0_i32 = arith.constant 0 : i32
    %c0_i32_0 = arith.constant 0 : i32
    %c0_i32_1 = arith.constant 0 : i32
    return %c0_i32, %arg0, %c0_i32_0 : i32, i32, i32
  }
  func.func @transform_2(%arg0: i32) -> (i32, i32) {
    %c0_i32 = arith.constant 0 : i32
    %c0_i32_0 = arith.constant 0 : i32
    return %arg0, %c0_i32 : i32, i32
  }
  func.func @transform_3(%arg0: i32) -> (i32, i32, i32) {
    %c0_i32 = arith.constant 0 : i32
    %c0_i32_0 = arith.constant 0 : i32
    %c0_i32_1 = arith.constant 0 : i32
    return %c0_i32, %arg0, %c0_i32_0 : i32, i32, i32
  }
  func.func @transform_4(%arg0: i32) -> (i32, i32) {
    %c0_i32 = arith.constant 0 : i32
    %c0_i32_0 = arith.constant 0 : i32
    %c0_i32_1 = arith.constant 0 : i32
    return %c0_i32, %c0_i32_0 : i32, i32
  }
  func.func @transform_5(%arg0: i32) -> (i32, i32) {
    %c0_i32 = arith.constant 0 : i32
    %c0_i32_0 = arith.constant 0 : i32
    %c0_i32_1 = arith.constant 0 : i32
    return %c0_i32, %c0_i32_0 : i32, i32
  }
  func.func @transform_6(%arg0: i32) -> (i32, i32) {
    %c0_i32 = arith.constant 0 : i32
    %c0_i32_0 = arith.constant 0 : i32
    %c0_i32_1 = arith.constant 0 : i32
    return %c0_i32, %c0_i32_0 : i32, i32
  }
  func.func @transform_7(%arg0: i32) -> (i32, i32) {
    %c0_i32 = arith.constant 0 : i32
    %c0_i32_0 = arith.constant 0 : i32
    %c0_i32_1 = arith.constant 0 : i32
    return %c0_i32, %c0_i32_0 : i32, i32
  }
  func.func @transform_8(%arg0: i32) -> (i32, i32) {
    %c0_i32 = arith.constant 0 : i32
    %c0_i32_0 = arith.constant 0 : i32
    return %arg0, %c0_i32 : i32, i32
  }
  func.func @transform_9(%arg0: i32) -> (i32, i32) {
    %c0_i32 = arith.constant 0 : i32
    %c0_i32_0 = arith.constant 0 : i32
    return %arg0, %c0_i32 : i32, i32
  }
}

module attributes {stable_mosaic.version = 14 : i64} {
  func.func @_tc_e_body(%arg0: i32, %arg1: memref<2x1000x128xf32, #tpu.memory_space<vmem>>, %arg2: memref<1000x128xf32, #tpu.memory_space<vmem>>, %arg3: memref<1000x8xf32, #tpu.memory_space<vmem>>, %arg4: memref<1x40xf32, #tpu.memory_space<vmem>>, %arg5: memref<1000x40xf32, #tpu.memory_space<vmem>>) attributes {dimension_semantics = [#tpu.dimension_semantics<arbitrary>], iteration_bounds = array<i64: 10>, scalar_prefetch = 0 : i64, scratch_operands = 0 : i64, tpu.core_type = #tpu.core_type<tc>, window_params = [{transform_indices = @transform_0, window_bounds = array<i64: 2, 1000, 128>}, {transform_indices = @transform_1, window_bounds = array<i64: 1000, 128>}, {transform_indices = @transform_2, window_bounds = array<i64: 1000, 8>}, {pipeline_mode = #tpu.pipeline_mode<synchronous>, transform_indices = @transform_3, window_bounds = array<i64: 1, 40>}, {transform_indices = @transform_4, window_bounds = array<i64: 1000, 40>}]} {
    %get3A = arith.constant 0 : index
    %get3A_0 = arith.constant 0 : index
    %get3A_1 = vector.load %arg3[%get3A, %get3A_0] : memref<1000x8xf32, #tpu.memory_space<vmem>>, vector<1000x8xf32>
    %slice3A = vector.extract_strided_slice %get3A_1 {offsets = [0, 0], sizes = [1000, 1], strides = [1, 1]} : vector<1000x8xf32> to vector<1000x1xf32>
    %squeeze3A = vector.shape_cast %slice3A : vector<1000x1xf32> to vector<1000xf32>
    %slice3A_2 = vector.extract_strided_slice %get3A_1 {offsets = [0, 1], sizes = [1000, 1], strides = [1, 1]} : vector<1000x8xf32> to vector<1000x1xf32>
    %squeeze3A_3 = vector.shape_cast %slice3A_2 : vector<1000x1xf32> to vector<1000xf32>
    %add3A = arith.addf %squeeze3A, %squeeze3A_3 : vector<1000xf32>
    %ge3A = arith.constant 0.000000e+00 : f32
    %ge3A_4 = vector.broadcast %ge3A : f32 to vector<1000xf32>
    %ge3A_5 = arith.cmpf oge, %add3A, %ge3A_4 : vector<1000xf32>
    %mul3A = arith.constant 2.000000e-01 : f32
    %mul3A_6 = vector.broadcast %mul3A : f32 to vector<1000xf32>
    %mul3A_7 = arith.mulf %mul3A_6, %add3A : vector<1000xf32>
    %select_n3A = arith.select %ge3A_5, %add3A, %mul3A_7 : vector<1000xi1>, vector<1000xf32>
    %exp3A = math.exp %select_n3A : vector<1000xf32>
    %get3A_8 = arith.constant 0 : index
    %get3A_9 = arith.constant 0 : index
    %get3A_10 = arith.constant 0 : index
    %get3A_11 = vector.load %arg1[%get3A_8, %get3A_9, %get3A_10] : memref<2x1000x128xf32, #tpu.memory_space<vmem>>, vector<1x1000x128xf32>
    %get3A_12 = vector.shape_cast %get3A_11 : vector<1x1000x128xf32> to vector<1000x128xf32>
    %get3A_13 = arith.constant 1 : index
    %get3A_14 = arith.constant 0 : index
    %get3A_15 = arith.constant 0 : index
    %get3A_16 = vector.load %arg1[%get3A_13, %get3A_14, %get3A_15] : memref<2x1000x128xf32, #tpu.memory_space<vmem>>, vector<1x1000x128xf32>
    %get3A_17 = vector.shape_cast %get3A_16 : vector<1x1000x128xf32> to vector<1000x128xf32>
    %add3A_18 = arith.addf %get3A_12, %get3A_17 : vector<1000x128xf32>
    %broadcast_in_dim3A = vector.shape_cast %exp3A : vector<1000xf32> to vector<1000x1xf32>
    %get3A_19 = arith.constant 0 : index
    %get3A_20 = arith.constant 0 : index
    %get3A_21 = vector.load %arg2[%get3A_19, %get3A_20] : memref<1000x128xf32, #tpu.memory_space<vmem>>, vector<1000x128xf32>
    %mul3A_22 = vector.broadcast %broadcast_in_dim3A : vector<1000x1xf32> to vector<1000x128xf32>
    %mul3A_23 = arith.mulf %mul3A_22, %get3A_21 : vector<1000x128xf32>
    %add3A_24 = arith.addf %add3A_18, %mul3A_23 : vector<1000x128xf32>
    %slice3A_25 = vector.extract_strided_slice %add3A_24 {offsets = [0, 0], sizes = [1000, 40], strides = [1, 1]} : vector<1000x128xf32> to vector<1000x40xf32>
    %slice3A_26 = vector.extract_strided_slice %add3A_24 {offsets = [0, 40], sizes = [1000, 1], strides = [1, 1]} : vector<1000x128xf32> to vector<1000x1xf32>
    %div3A = vector.broadcast %slice3A_26 : vector<1000x1xf32> to vector<1000x40xf32>
    %div3A_27 = arith.divf %slice3A_25, %div3A : vector<1000x40xf32>
    %get3A_28 = arith.constant 0 : index
    %get3A_29 = arith.constant 0 : index
    %get3A_30 = vector.load %arg4[%get3A_28, %get3A_29] : memref<1x40xf32, #tpu.memory_space<vmem>>, vector<1x40xf32>
    %add3A_31 = vector.broadcast %get3A_30 : vector<1x40xf32> to vector<1000x40xf32>
    %add3A_32 = arith.addf %div3A_27, %add3A_31 : vector<1000x40xf32>
    %reduce_max3A = arith.constant dense<0xFF800000> : vector<1000xf32>
    %reduce_max3A_33 = vector.multi_reduction <maximumf>, %add3A_32, %reduce_max3A [1] : vector<1000x40xf32> to vector<1000xf32>
    %max3A = arith.constant 0xFF800000 : f32
    %max3A_34 = vector.broadcast %max3A : f32 to vector<1000xf32>
    %max3A_35 = arith.maximumf %max3A_34, %reduce_max3A_33 : vector<1000xf32>
    %broadcast_in_dim3A_36 = vector.shape_cast %max3A_35 : vector<1000xf32> to vector<1000x1xf32>
    %is_finite3A = tpu.weird %broadcast_in_dim3A_36 : vector<1000x1xf32> -> vector<1000x1xi1>
    %is_finite3A_37 = arith.constant dense<true> : vector<1000x1xi1>
    %is_finite3A_38 = arith.xori %is_finite3A, %is_finite3A_37 : vector<1000x1xi1>
    %broadcast_in_dim3A_39 = arith.constant 0.000000e+00 : f32
    %broadcast_in_dim3A_40 = vector.broadcast %broadcast_in_dim3A_39 : f32 to vector<1000x1xf32>
    %select_n3A_41 = arith.select %is_finite3A_38, %broadcast_in_dim3A_36, %broadcast_in_dim3A_40 : vector<1000x1xi1>, vector<1000x1xf32>
    %sub3A = vector.broadcast %select_n3A_41 : vector<1000x1xf32> to vector<1000x40xf32>
    %sub3A_42 = arith.subf %add3A_32, %sub3A : vector<1000x40xf32>
    %exp3A_43 = math.exp %sub3A_42 : vector<1000x40xf32>
    %reduce_sum3A = arith.constant dense<0.000000e+00> : vector<1000xf32>
    %reduce_sum3A_44 = vector.multi_reduction <add>, %exp3A_43, %reduce_sum3A [1] : vector<1000x40xf32> to vector<1000xf32>
    %broadcast_in_dim3A_45 = vector.shape_cast %reduce_sum3A_44 : vector<1000xf32> to vector<1000x1xf32>
    %abs3A = math.absf %broadcast_in_dim3A_45 : vector<1000x1xf32>
    %log3A = math.log %abs3A : vector<1000x1xf32>
    %add3A_46 = arith.addf %log3A, %select_n3A_41 : vector<1000x1xf32>
    %sub3A_47 = vector.broadcast %add3A_46 : vector<1000x1xf32> to vector<1000x40xf32>
    %sub3A_48 = arith.subf %add3A_32, %sub3A_47 : vector<1000x40xf32>
    %swap3A = arith.constant 0 : index
    %swap3A_49 = arith.constant 0 : index
    %swap3A_50 = vector.load %arg5[%swap3A, %swap3A_49] : memref<1000x40xf32, #tpu.memory_space<vmem>>, vector<1000x40xf32>
    tpu.vector_store %arg5[%swap3A, %swap3A_49], %sub3A_48 {strides = array<i32>} : memref<1000x40xf32, #tpu.memory_space<vmem>>, vector<1000x40xf32>,
    return
  }
  func.func @transform_0(%arg0: i32) -> (i32, i32, i32) {
    %c0_i32 = arith.constant 0 : i32
    %c0_i32_0 = arith.constant 0 : i32
    %c0_i32_1 = arith.constant 0 : i32
    return %c0_i32, %arg0, %c0_i32_0 : i32, i32, i32
  }
  func.func @transform_1(%arg0: i32) -> (i32, i32) {
    %c0_i32 = arith.constant 0 : i32
    %c0_i32_0 = arith.constant 0 : i32
    return %arg0, %c0_i32 : i32, i32
  }
  func.func @transform_2(%arg0: i32) -> (i32, i32) {
    %c0_i32 = arith.constant 0 : i32
    %c0_i32_0 = arith.constant 0 : i32
    return %arg0, %c0_i32 : i32, i32
  }
  func.func @transform_3(%arg0: i32) -> (i32, i32) {
    %c0_i32 = arith.constant 0 : i32
    %c0_i32_0 = arith.constant 0 : i32
    %c0_i32_1 = arith.constant 0 : i32
    return %c0_i32, %c0_i32_0 : i32, i32
  }
  func.func @transform_4(%arg0: i32) -> (i32, i32) {
    %c0_i32 = arith.constant 0 : i32
    %c0_i32_0 = arith.constant 0 : i32
    return %arg0, %c0_i32 : i32, i32
  }
}

</mosaic_0001>

<sc_bundles>
// kernel: kernel.10.cloned.1.call-start
scs
__scs_entry_jumppad:
0x0: {  	(pc) =	sbr.rel $0x88, $3  }
0x1: {  	(tag) =	ssettag $0x0;
	lr =	simm.s32 $0x1  }
0x2: {  	[smem:$0x3F97] =	sst lr;
	_ =	strace $0xD0000000  }
0x3: {  	_ = 	snop  }
0x4: {  	_ = 	snop  }
0x5: {  	_ = 	snop  }
0x6: {  	_ = 	snop  }
0x7: {  	_ = 	snop  }
__scs_overlays_trampoline_lowered:
0x8: {  	[smem:$0x3FA6] =	sst s0  }
0x9: {  	[smem:$0x3FA7] =	sst s1  }
0xa: {  	[smem:$0x3FA8] =	sst s2  }
0xb: {  	[smem:$0x3FA9] =	sst s3  }
0xc: {  	[smem:$0x3FAA] =	sst s4  }
0xd: {  	[smem:$0x3FAB] =	sst s5  }
0xe: {  	[smem:$0x3FAC] =	sst s6  }
0xf: {  	[smem:$0x3FAD] =	sst s7  }
0x10: {  	[smem:$0x3FAE] =	sst s8  }
0x11: {  	[smem:$0x3FAF] =	sst s9;
	s0 =	simm.s32 @!p0 $0x0  }
0x12: {  	s1 =	sld [smem:$0x3F95];
	s0 =	simm.s32 @p0 $0x1  }
0x13: {  	[smem:$0x3FB0] =	sst s0;
	s0 =	simm.s32 @!p1 $0x0  }
0x14: {  	s2 =	sld [smem:$0x3F94];
	s0 =	simm.s32 @p1 $0x1  }
0x15: {  	[smem:$0x3FB1] =	sst s0;
	s0 =	simm.s32 @!p2 $0x0  }
0x16: {  	s3 =	sld [smem:$0x3FDB];
	s0 =	simm.s32 @p2 $0x1  }
0x17: {  	s4 =	simm.s32 $0x1BF5;
	[smem:$0x3FB3] =	sst s0  }
0x18: {  	s0 =	sld [smem:$0x3F96];
	_ =	swait.ge [sflag:s4], $0x0  }
0x19: {  	s7 =	sld [smem:$0x3F97]  }
0x1a: {  	s8 =	sadd.s32 $0xFFFFE003, lr  }
0x1b: {  	s9 =	sadd.s32 $0xFFFFFEF7, lr;
	s5 =	simm.s32 $0xFFFFFFFF;
	p2 =	slt.u32 s8, $0xFFFFF086  }
0x1c: {  	p1 =	slt.u32 s9, $0xF7A;
	s5 =	simm.s32 @!p2 $0x0  }
0x1d: {  	s5 =	simm.s32 @p1 $0x1;
	p0 =	seq.s32 s7, s2  }
0x1e: {  	s7 =	smul.u32 @!p0 $0xF7A, s2;
	p2 =	seq.s32 @!p0 s5, $0x0  }
0x1f: {  	s9 =	smul.u32 $0xF7A, s1;
	s8 =	simm.s32 @!p0 $0x1BF5;
	p2 =	por !p2, p0  }
0x20: {  	[sflag:s8] =	ssyncset.s32 @!p0 $0xFFFFF086;
	s6 =	sadd.s32 @!p0 s3, s7;
	s7 =	simm.s32 @!p0 $0x108  }
0x21: {  	s3 =	sadd.s32 s3, s9;
	s6 =	sadd.s32 @!p0 $0x88, s6;
	s7 =	simm.s32 @p2 $0x1082  }
0x22: {  	[simem:s7], [sflag:s8] =	dma.local @!p0 [hbm:s6], $0xF7A  }
0x23: {  	s9 =	sor.u32 $0xD0000000, s2;
	s6 =	simm.s32 $0x108;
	_ =	swait.ge @!p0 [sflag:s8], $0x0  }
0x24: {  	s3 =	sadd.s32 $0x88, s3;
	s6 =	simm.s32 @!p1 $0x1082;
	[sflag:s4] =	ssyncset.s32 $0xFFFFF086  }
0x25: {  	[simem:s6], [sflag:s4] =	dma.local [hbm:s3], $0xF7A  }
0x26: {  	[smem:$0x3F97] =	sst s1;
	(tag) =	ssettag s2;
	_ =	strace s9  }
0x27: {  	s1 =	sld [smem:$0x3FA7]  }
0x28: {  	s2 =	sld [smem:$0x3FA8]  }
0x29: {  	s4 =	sld [smem:$0x3FAA]  }
0x2a: {  	p0 =	seq.s32 s5, $0x0;
	s5 =	sld [smem:$0x3FAB]  }
0x2b: {  	s6 =	sld [smem:$0x3FAC]  }
0x2c: {  	s7 =	sld [smem:$0x3FAD]  }
0x2d: {  	s3 =	simm.s32 $0x108;
	s8 =	sld [smem:$0x3FAE]  }
0x2e: {  	s3 =	simm.s32 @!p0 $0x1082;
	s9 =	sld [smem:$0x3FAF]  }
0x2f: {  	lr =	sadd.s32 s0, s3;
	s0 =	sld [smem:$0x3FA6]  }
0x30: {  	s3 =	sld [smem:$0x3FA9]  }
0x31: {  	[smem:$0x3FB2] =	sst s10  }
0x32: {  	s10 =	sld [smem:$0x3FB0];
	_ =	sdelay $0x3  }
0x33: {  	p0 =	seq.s32 s10, $0x1;
	s10 =	sld [smem:$0x3FB2];
	_ =	sdelay $0x3  }
0x34: {  	[smem:$0x3FB2] =	sst s10  }
0x35: {  	s10 =	sld [smem:$0x3FB1];
	_ =	sdelay $0x3  }
0x36: {  	p1 =	seq.s32 s10, $0x1;
	s10 =	sld [smem:$0x3FB2];
	_ =	sdelay $0x3  }
0x37: {  	[smem:$0x3FB2] =	sst s10  }
0x38: {  	s10 =	sld [smem:$0x3FB3]  }
0x39: {  	_ = 	snop;
	(pc) =	sbr.ind lr, $3  }
0x3a: {  	_ = 	snop  }
0x3b: {  	_ = 	snop  }
0x3c: {  	p2 =	seq.s32 s10, $0x1;
	s10 =	sld [smem:$0x3FB2]  }
0x3d: {  	_ =	shalt  }
0x3e: {  	_ =	shalt  }
0x3f: {  	_ =	shalt  }
0x40: {  	_ =	shalt  }
0x41: {  	_ =	shalt  }
0x42: {  	_ =	shalt  }
0x43: {  	_ =	shalt  }
0x44: {  	_ =	shalt  }
0x45: {  	_ =	shalt  }
0x46: {  	_ =	shalt  }
0x47: {  	_ =	shalt  }
0x48: {  	_ =	shalt  }
0x49: {  	_ =	shalt  }
0x4a: {  	_ =	shalt  }
0x4b: {  	_ =	shalt  }
0x4c: {  	_ =	shalt  }
0x4d: {  	_ =	shalt  }
0x4e: {  	_ =	shalt  }
0x4f: {  	_ =	shalt  }
0x50: {  	_ =	shalt  }
0x51: {  	_ =	shalt  }
0x52: {  	_ =	shalt  }
0x53: {  	_ =	shalt  }
0x54: {  	_ =	shalt  }
0x55: {  	_ =	shalt  }
0x56: {  	_ =	shalt  }
0x57: {  	_ =	shalt  }
0x58: {  	_ =	shalt  }
0x59: {  	_ =	shalt  }
0x5a: {  	_ =	shalt  }
0x5b: {  	_ =	shalt  }
0x5c: {  	_ =	shalt  }
0x5d: {  	_ =	shalt  }
0x5e: {  	_ =	shalt  }
0x5f: {  	_ =	shalt  }
0x60: {  	_ =	shalt  }
0x61: {  	_ =	shalt  }
0x62: {  	_ =	shalt  }
0x63: {  	_ =	shalt  }
0x64: {  	_ =	shalt  }
0x65: {  	_ =	shalt  }
0x66: {  	_ =	shalt  }
0x67: {  	_ =	shalt  }
0x68: {  	_ =	shalt  }
0x69: {  	_ =	shalt  }
0x6a: {  	_ =	shalt  }
0x6b: {  	_ =	shalt  }
0x6c: {  	_ =	shalt  }
0x6d: {  	_ =	shalt  }
0x6e: {  	_ =	shalt  }
0x6f: {  	_ =	shalt  }
0x70: {  	_ =	shalt  }
0x71: {  	_ =	shalt  }
0x72: {  	_ =	shalt  }
0x73: {  	_ =	shalt  }
0x74: {  	_ =	shalt  }
0x75: {  	_ =	shalt  }
0x76: {  	_ =	shalt  }
0x77: {  	_ =	shalt  }
0x78: {  	_ =	shalt  }
0x79: {  	_ =	shalt  }
0x7a: {  	_ =	shalt  }
0x7b: {  	_ =	shalt  }
0x7c: {  	_ =	shalt  }
0x7d: {  	_ =	shalt  }
0x7e: {  	_ =	shalt  }
0x7f: {  	_ =	shalt  }
0x80: {  	_ =	shalt  }
0x81: {  	_ =	shalt  }
0x82: {  	_ =	shalt  }
0x83: {  	_ =	shalt  }
0x84: {  	_ =	shalt  }
0x85: {  	_ =	shalt  }
0x86: {  	_ =	shalt  }
0x87: {  	_ =	shalt  }
.Lfunc_end0:
.L_simem_size_0:
called_computation.1_lowered:
.L_overlay_start_0:
0x88: {  	s2 =	sld [smem:$0x3FD9]  }
0x89: {  	s3 =	sld [smem:$0x3FFE];
	_ =	sdelay $0x1  }
0x8a: {  	s1 =	srdreg.scid  }
0x8b: {  	s0 =	sand.u32 $0x1, s1  }
0x8c: {  	s17 =	sshll.u32 s0, $0xA;
	s2 =	sadd.s32 s3, s2  }
0x8d: {  	s2 =	sadd.s32 s2, s17  }
0x8e: {  	[smem:$0x3FBE] =	sst s2  }
0x8f: {  	_ = 	snop  }
0x90: {  	s2 =	sld [smem:$0x3FD0];
	(tm) =	ssettm $0x1  }
0x91: {  	s18 =	sld [smem:$0x3FFB];
	_ =	sdelay $0x3  }
0x92: {  	_ =	strace s18  }
0x93: {  	s3 =	sld [smem:$0x3FFC];
	_ =	sdelay $0x3  }
0x94: {  	_ =	strace s3  }
0x95: {  	s3 =	sld [smem:$0x3FFD];
	_ =	sdelay $0x3  }
0x96: {  	_ =	strace s3  }
0x97: {  	_ =	strace $0x8FFFFFFF  }
0x98: {  	s19 =	sld [smem:$0x3FDB];
	_ =	sdelay $0x1  }
0x99: {  	s4 =	simm.s32 $_scs_section_size  }
0x9a: {  	s5 =	simm.s32 $_size__tile_overlayer_lowered;
	s6 =	simm.s32 $_tile_overlayer_lowered  }
0x9b: {  	s22 =	simm.s32 $0x1BFF;
	s21 =	sshll.u32 s6, $0x1;
	s3 =	sadd.s32 s4, s19  }
0x9c: {  	s7 =	simm.s32 $0x0;
	s20 =	sshll.u32 s5, $0x1;
	s5 =	sadd.s32 s21, s3  }
0x9d: {  	[timem:s7], [sflag:s22] =	dma.local [hbm:s5], s20  }
0x9e: {  	_ =	swait.ge [sflag:s22], s20  }
0x9f: {  	s4 =	ssub.s32 $0x0, s20;
	[sflag:s22] =	ssyncset.done $0x0  }
0xa0: {  	[sflag:s22] =	ssyncadd.s32 s4;
	_ =	sdelay $0x1  }
0xa1: {  	s23 =	simm.s32 $0x1B8B  }
0xa2: {  	_ =	swait.ge [sflag:s23], $0x1  }
0xa3: {  	[sflag:s23] =	ssyncset.done $0x0  }
0xa4: {  	s25 =	simm.s32 $0x1B8E;
	s24 =	sld [smem:$0x3FFE];
	[sflag:s23] =	ssyncadd.s32 $0xFFFFFFFF  }
0xa5: {  	s26 =	simm.s32 $execute0_lowered;
	[smem:$0x3FD2] =	sst s25  }
0xa6: {  	s5 =	sshll.u32 s26, $0x1;
	_ =	strace $0x80000049;
	[dreg:$0x1] =	wrdreg $0xFFFFFFFF  }
0xa7: {  	s28 =	simm.s32 $_size_execute0_lowered;
	s3 =	sadd.s32 s3, s5;
	[dreg:$0x0] =	wrdreg $0x0  }
0xa8: {  	s5 =	sshll.u32 s28, $0x1;
	[dreg:$0x2] =	wrdreg s3  }
0xa9: {  	[dreg:$0x3] =	wrdreg s5  }
0xaa: {  	[dreg:$0x4] =	wrdreg $0xC0  }
0xab: {  	_ =	task [dreg:s7], $0x5FFFF  }
0xac: {  	[dreg:$0x1] =	wrdreg $0xFFFFFFFF  }
0xad: {  	[dreg:$0x0] =	wrdreg $0x60  }
0xae: {  	[dreg:$0x2] =	wrdreg s24  }
0xaf: {  	[dreg:$0x3] =	wrdreg s2  }
0xb0: {  	[dreg:$0x4] =	wrdreg $0x77800  }
0xb1: {  	[dreg:$0x5] =	wrdreg $0x9  }
0xb2: {  	_ =	task.clear_ibuf [dreg:s7], $0x6FFFF;
	_ =	strace $0x90000049  }
0xb3: {  	s29 =	simm.s32 $0x9;
	_ =	strace $0x8000004B  }
0xb4: {  	_ =	swait.ge [sflag:s29], $0x1  }
0xb5: {  	[sflag:s29] =	ssyncadd.s32 $0xFFFFFFFF  }
0xb6: {  	_ =	strace $0x9000004B  }
0xb7: {  	_ =	sfence  }
0xb8: {  	s30 =	sld [smem:$0x0];
	_ =	sdelay $0x2  }
0xb9: {  	s31 =	sshll.u32 s1, $0xD;
	s1 =	sshrl.u32 s1, $0x2  }
0xba: {  	s3 =	sand.u32 $0x4000, s31;
	s1 =	sadd.s32 s1, s30  }
0xbb: {  	s0 =	sor.u32 s3, s0;
	s1 =	sshll.u32 s1, $0x11  }
0xbc: {  	s0 =	sor.u32 s1, s0  }
0xbd: {  	s0 =	sadd.s32 $0x8F2B, s0  }
0xbe: {  	[sflag:s0] =	ssyncadd.remote.s32 $0x1  }
0xbf: {  	_ =	sfence.sel $0xFFFF  }
0xc0: {  	[dreg:$0x0] =	wrdreg $0xFFFFFFFF;
	(pc) =	sbr.abs _section_cstart, $3  }
0xc1: {  	[dreg:$0x1] =	wrdreg $0xFFFFFFFF  }
0xc2: {  	_ =	task.clear_ibuf [dreg:s7], $0x2FFFF;
	_ =	strace $0x9FFFFFFF  }
0xc3: {  	(tm) =	ssettm $0x7FFFFFFF  }
tec
execute0_lowered:
.L_overlay_start_1:
0x0: {  	(tag) =	ssettag $0x1  }
0x1: {  	s8 =	rddreg [dreg:$0x0]  }
0x2: {  	s1 =	rddreg [dreg:$0x1]  }
0x3: {  	s3 =	rddreg [dreg:$0x2]  }
0x4: {  	s0 =	rddreg [dreg:$0x3]  }
0x5: {  	s4 =	simm.s32 $0x0;
	s2 =	stileid.u32;
	s7 =	srdreg.scid  }
0x6: {  	s15 =	simm.s32 $0x4F00;
	s16 =	simm.s32 $0x50;
	s17 =	simm.s32 $0x4F80  }
0x7: {  	s18 =	simm.s32 $0x1;
	[smem:$0x7FF] =	sst s4;
	s19 =	smul.u32 $0x2800, s2  }
0x8: {  	s5 =	sadd.s32 $0xC800, s8;
	s6 =	sadd.s32 $0x2A00, s8;
	s9 =	sand.u32 $0x1, s7  }
0x9: {  	s7 =	sadd.s32 $0x33A00, s8;
	s13 =	sshll.u32 s2, $0x1;
	s14 =	smul.u32 $0x50000, s2  }
0xa: {  	s31 =	sshll.u32 s2, $0x6;
	_ =	strace $0x8000004A;
	s11 =	smul.u32 $0x28000, s9  }
0xb: {  	v0 =	vimm.s32 $0x1;
	s12 =	ssub.s32 $0x2, s9;
	s9 =	sor.u32 s9, s13;
	s13 =	simm.s32 $0x2  }
0xc: {  	v1 =	vimm.s32 $0x0;
	v2 =	vimm.s32 $0x2;
	v3 =	vimm.s32 $0x3;
	s10 =	sadd.s32 s19, s8;
	s28 =	sshrl.u32 s12, $0x1;
	s29 =	sshrl.u32 s14, $0x2  }
0xd: {  	v4 =	vimm.s32 $0x4;
	v5 =	vimm.s32 $0x5;
	v6 =	vimm.s32 $0x6;
	s14 =	simm.s32 $0x4E80;
	s11 =	sadd.s32 s11, s8;
	s12 =	ssub.s32 s12, s28  }
0xe: {  	v7 =	vimm.s32 $0x7;
	v8 =	vimm.s32 $0x8;
	v9 =	vimm.s32 $0x9;
	s8 =	smul.u32 $0x2710, s9;
	s30 =	sadd.s32 s29, s3;
	s9 =	sadd.s32 $0xCFE00, s10  }
0xf: {  	v10 =	vimm.s32 $0xA;
	v11 =	vimm.s32 $0xB;
	v12 =	vimm.s32 $0xC;
	s10 =	sor.u32 $0x1C02, s31;
	s20 =	sadd.s32 $0x34400, s11;
	s11 =	smax.u32 s12, $0x1  }
0x10: {  	v13 =	vimm.s32 $0xD;
	v14 =	vimm.s32 $0xE;
	v15 =	vimm.s32 $0xF;
	s12 =	sshrl.u32 s30, $0x3;
	s19 =	sadd.s32 s19, s20;
	s20 =	simm.s32 $0x0  }
.LBB2_1:
0x11: {  	[spmem:s12], [sflag:s10] =	dma.local [hbm:s9], $0x2800  }
0x12: {  	_ =	swait.ge [sflag:s13], $0x2800  }
0x13: {  	[sflag:s13] =	ssyncset.done $0x0  }
0x14: {  	[sflag:s13] =	ssyncadd.s32 $0xFFFFD800  }
0x15: {  	[tilespmem:s4], [sflag:$0x2] =	stream.linear.gather [hbm4b:s7+s4], $0x4E80, $0x38;
	[tilespmem:$0x1B780] =	vst v63  }
0x16: {  	_ =	swait.ge [sflag:s13], $0x4E80  }
0x17: {  	[sflag:s13] =	ssyncset.done $0x0  }
0x18: {  	[sflag:s13] =	ssyncadd.s32 $0xFFFFB180  }
0x19: {  	s21 =	simm.s32 $0x0;
	[bflag:$0x0] =	sbarrier.arrive $0xFFFF  }
.LBB2_2:
0x1a: {  	s22 =	smul.u32 $0x50, s21;
	_ =	sdelay $0x1  }
0x1b: {  	s22 =	sadd.s32 s8, s22  }
0x1c: {  	s23 =	sshrl.u32 s22, $0x3  }
0x1d: {  	s22 =	simm.s32 $0x0;
	s24 =	sadd.s32 s6, s23  }
0x1e: {  	[tilespmem:s14], [sflag:$0x2] =	stream.linear.gather [hbm4b:s24+s22], $0x50, $0x38;
	[tilespmem:$0x1B780] =	vst v63  }
0x1f: {  	_ =	swait.ge [sflag:s13], $0x50  }
0x20: {  	[sflag:s13] =	ssyncset.done $0x0  }
0x21: {  	s23 =	sadd.s32 s1, s23;
	[sflag:s13] =	ssyncadd.s32 $0xFFFFFFB0  }
0x22: {  	[tilespmem:s15], [sflag:$0x2] =	stream.linear.gather [hbm4b:s23+s22], $0x50, $0x38;
	[tilespmem:$0x1B780] =	vst v63  }
0x23: {  	_ =	swait.ge [sflag:s13], $0x50  }
0x24: {  	[sflag:s13] =	ssyncset.done $0x0  }
0x25: {  	[sflag:s13] =	ssyncadd.s32 $0xFFFFFFB0  }
0x26: {  	[tilespmem:s17], [sflag:$0x1] =	stream.indirect.gather [hbm4b:s5+s16], $0x80, s14, s16, $0xb8;
	[tilespmem:$0x1B780] =	vst v63  }
0x27: {  	_ =	swait.ge [sflag:s18], $0x2800  }
0x28: {  	[sflag:s18] =	ssyncset.done $0x0  }
0x29: {  	s23 =	simm.s32 $0x5380;
	[sflag:s18] =	ssyncadd.s32 $0xFFFFD800  }
.LBB2_3:
0x2a: {  	s24 =	sshra.s32 s22, $0x2  }
0x2b: {  	v16 =	vld [tilespmem:s24+$0x4E80]  }
0x2c: {  	v17 =	vld [tilespmem:s24+$0x4F00];
	_ =	sdelay $0x4  }
0x2d: {  	v16 =	vshll.u32 v16, $0x1;
	v17 =	vshll.u32 v17, $0x1  }
0x2e: {  	v17 =	vor.u32 $0x1, v17;
	_ =	sdelay $0x3  }
0x2f: {  	v16 =	vld.idx.msk [tilespmem:v16+s4+$0x0], $0xffff  }
0x30: {  	v17 =	vld.idx.msk [tilespmem:v17+s4+$0x0], $0xffff;
	_ =	sdelay $0x4  }
0x31: {  	v16 =	vadd.f32 v17, v16;
	_ =	sdelay $0x1  }
0x32: {  	v17 =	vmul.f32 $2.000000030e-01, v16  }
0x33: {  	vm0 =	vge.f32 v16, $0.0e+00  }
0x34: {  	v16 =	vsel vm0, v16, v17  }
0x35: {  	v16 =	vmul.f32 $1.442695020e+00, v16;
	_ =	sdelay $0x1  }
0x36: {  	(erf) = vpow2.f32 v16;
	_ =	sdelay $0x6  }
0x37: {  	v16 =	vld [tilespmem:s23+$0xFFFFFC00]  }
0x38: {  	v17 =	vld [tilespmem:s23+$0xFFFFFC80]  }
0x39: {  	v19 =	vld [tilespmem:s23+$0xFFFFFD00];
	v18 =	vpop (erf)  }
0x3a: {  	v21 =	vld [tilespmem:s23+$0xFFFFFD80];
	v20 =	vperm.xlane v18, v1  }
0x3b: {  	v23 =	vld [tilespmem:s23+$0xFFFFFE00];
	v22 =	vperm.xlane v18, v0  }
0x3c: {  	v25 =	vld [tilespmem:s23+$0xFFFFFE80];
	v24 =	vperm.xlane v18, v2;
	v16 =	vmul.f32 v16, v20  }
0x3d: {  	v27 =	vld [tilespmem:s23+$0xFFFFFF00];
	v26 =	vperm.xlane v18, v3;
	v17 =	vmul.f32 v17, v22  }
0x3e: {  	v28 =	vld [tilespmem:s23+$0xFFFFFF80];
	v54 =	vperm.xlane v18, v4;
	[tilespmem:s23+$0xFFFFFC00] =	vst v16;
	v16 =	vmul.f32 v19, v24  }
0x3f: {  	v29 =	vld [tilespmem:s23+$0xFFFFFC10];
	v55 =	vperm.xlane v18, v5;
	[tilespmem:s23+$0xFFFFFC80] =	vst v17;
	v17 =	vmul.f32 v21, v26  }
0x40: {  	v30 =	vld [tilespmem:s23+$0xFFFFFC90];
	v56 =	vperm.xlane v18, v6;
	[tilespmem:s23+$0xFFFFFD00] =	vst v16;
	v16 =	vmul.f32 v23, v54  }
0x41: {  	v31 =	vld [tilespmem:s23+$0xFFFFFD10];
	v57 =	vperm.xlane v18, v7;
	[tilespmem:s23+$0xFFFFFD80] =	vst v17;
	v17 =	vmul.f32 v25, v55  }
0x42: {  	v27 =	vmul.f32 v27, v56;
	[tilespmem:s23+$0xFFFFFE00] =	vst v16;
	v16 =	vld [tilespmem:s23+$0xFFFFFD90]  }
0x43: {  	v28 =	vmul.f32 v28, v57;
	[tilespmem:s23+$0xFFFFFE80] =	vst v17;
	v17 =	vld [tilespmem:s23+$0xFFFFFE10]  }
0x44: {  	v61 =	vld [tilespmem:s23+$0xFFFFFF90];
	v29 =	vmul.f32 v29, v20;
	[tilespmem:s23+$0xFFFFFF00] =	vst v27  }
0x45: {  	v62 =	vld [tilespmem:s23+$0xFFFFFC20];
	v30 =	vmul.f32 v30, v22;
	[tilespmem:s23+$0xFFFFFF80] =	vst v28  }
0x46: {  	v63 =	vld [tilespmem:s23+$0xFFFFFCA0];
	v60 =	vmul.f32 v31, v24;
	[tilespmem:s23+$0xFFFFFC10] =	vst v29  }
0x47: {  	v58 =	vld [tilespmem:s23+$0xFFFFFE90];
	[tilespmem:s23+$0xFFFFFC90] =	vst v30;
	v16 =	vmul.f32 v16, v26  }
0x48: {  	v59 =	vld [tilespmem:s23+$0xFFFFFF10];
	[tilespmem:s23+$0xFFFFFD10] =	vst v60;
	v17 =	vmul.f32 v17, v54  }
0x49: {  	v31 =	vmul.f32 v61, v57;
	[tilespmem:s23+$0xFFFFFD90] =	vst v16;
	v16 =	vld [tilespmem:s23+$0xFFFFFD20]  }
0x4a: {  	v20 =	vmul.f32 v62, v20;
	[tilespmem:s23+$0xFFFFFE10] =	vst v17;
	v17 =	vld [tilespmem:s23+$0xFFFFFDA0]  }
0x4b: {  	v33 =	vld [tilespmem:s23+$0xFFFFFE20];
	v22 =	vmul.f32 v63, v22;
	[tilespmem:s23+$0xFFFFFF90] =	vst v31  }
0x4c: {  	v34 =	vld [tilespmem:s23+$0xFFFFFEA0];
	v27 =	vmul.f32 v58, v55;
	[tilespmem:s23+$0xFFFFFC20] =	vst v20  }
0x4d: {  	v35 =	vld [tilespmem:s23+$0xFFFFFF20];
	v28 =	vmul.f32 v59, v56;
	[tilespmem:s23+$0xFFFFFCA0] =	vst v22  }
0x4e: {  	v36 =	vld [tilespmem:s23+$0xFFFFFFA0];
	[tilespmem:s23+$0xFFFFFE90] =	vst v27;
	v16 =	vmul.f32 v16, v24  }
0x4f: {  	v37 =	vld [tilespmem:s23+$0x0];
	[tilespmem:s23+$0xFFFFFF10] =	vst v28;
	v17 =	vmul.f32 v17, v26  }
0x50: {  	v38 =	vld [tilespmem:s23+$0x80];
	[tilespmem:s23+$0xFFFFFD20] =	vst v16;
	v16 =	vmul.f32 v33, v54  }
0x51: {  	v39 =	vld [tilespmem:s23+$0x100];
	[tilespmem:s23+$0xFFFFFDA0] =	vst v17;
	v17 =	vmul.f32 v34, v55  }
0x52: {  	v41 =	vld [tilespmem:s23+$0x180];
	v40 =	vperm.xlane v18, v8;
	[tilespmem:s23+$0xFFFFFE20] =	vst v16;
	v16 =	vmul.f32 v35, v56  }
0x53: {  	v43 =	vld [tilespmem:s23+$0x200];
	v42 =	vperm.xlane v18, v9;
	[tilespmem:s23+$0xFFFFFEA0] =	vst v17;
	v17 =	vmul.f32 v36, v57  }
0x54: {  	v50 =	vld [tilespmem:s23+$0x10];
	v44 =	vperm.xlane v18, v10;
	[tilespmem:s23+$0xFFFFFF20] =	vst v16;
	v16 =	vmul.f32 v37, v40  }
0x55: {  	v52 =	vld [tilespmem:s23+$0x90];
	v46 =	vperm.xlane v18, v11;
	[tilespmem:s23+$0xFFFFFFA0] =	vst v17;
	v17 =	vmul.f32 v38, v42  }
0x56: {  	v47 =	vld [tilespmem:s23+$0x300];
	v48 =	vperm.xlane v18, v12;
	[tilespmem:s23+$0x0] =	vst v16;
	v16 =	vmul.f32 v39, v44  }
0x57: {  	v49 =	vld [tilespmem:s23+$0x380];
	[tilespmem:s23+$0x80] =	vst v17;
	v17 =	vmul.f32 v41, v46  }
0x58: {  	v45 =	vld [tilespmem:s23+$0x280];
	v51 =	vperm.xlane v18, v13;
	[tilespmem:s23+$0x100] =	vst v16;
	v16 =	vmul.f32 v43, v48  }
0x59: {  	v53 =	vperm.xlane v18, v14;
	v29 =	vmul.f32 v50, v40;
	[tilespmem:s23+$0x180] =	vst v17;
	v17 =	vld [tilespmem:s23+$0x110]  }
0x5a: {  	v18 =	vperm.xlane v18, v15;
	v30 =	vmul.f32 v52, v42;
	[tilespmem:s23+$0x200] =	vst v16;
	v16 =	vld [tilespmem:s23+$0x190]  }
0x5b: {  	v58 =	vld [tilespmem:s23+$0x20];
	v27 =	vmul.f32 v47, v53;
	[tilespmem:s23+$0x10] =	vst v29  }
0x5c: {  	v28 =	vmul.f32 v49, v18;
	[tilespmem:s23+$0x90] =	vst v30;
	v54 =	vld [tilespmem:s23+$0x210]  }
0x5d: {  	[tilespmem:s23+$0x300] =	vst v27;
	v26 =	vmul.f32 v45, v51;
	v55 =	vld [tilespmem:s23+$0x290]  }
0x5e: {  	[tilespmem:s23+$0x380] =	vst v28;
	v56 =	vld [tilespmem:s23+$0x310];
	v17 =	vmul.f32 v17, v44  }
0x5f: {  	[tilespmem:s23+$0x280] =	vst v26;
	v57 =	vld [tilespmem:s23+$0x390];
	v16 =	vmul.f32 v16, v46  }
0x60: {  	v23 =	vmul.f32 v58, v40;
	[tilespmem:s23+$0x110] =	vst v17;
	v17 =	vld [tilespmem:s23+$0xA0]  }
0x61: {  	v26 =	vmul.f32 v54, v48;
	[tilespmem:s23+$0x190] =	vst v16;
	v16 =	vld [tilespmem:s23+$0x120]  }
0x62: {  	v59 =	vld [tilespmem:s23+$0x1A0];
	[tilespmem:s23+$0x20] =	vst v23;
	v27 =	vmul.f32 v55, v51  }
0x63: {  	v60 =	vld [tilespmem:s23+$0x220];
	[tilespmem:s23+$0x210] =	vst v26;
	v28 =	vmul.f32 v56, v53  }
0x64: {  	v61 =	vld [tilespmem:s23+$0x2A0];
	[tilespmem:s23+$0x290] =	vst v27;
	v29 =	vmul.f32 v57, v18  }
0x65: {  	v62 =	vld [tilespmem:s23+$0x320];
	[tilespmem:s23+$0x310] =	vst v28;
	v17 =	vmul.f32 v17, v42  }
0x66: {  	v63 =	vld [tilespmem:s23+$0x3A0];
	[tilespmem:s23+$0x390] =	vst v29;
	v16 =	vmul.f32 v16, v44  }
0x67: {  	[tilespmem:s23+$0xA0] =	vst v17;
	v17 =	vmul.f32 v59, v46  }
0x68: {  	p0 =	sne.s32 s22, $0x100;
	[tilespmem:s23+$0x120] =	vst v16;
	v16 =	vmul.f32 v60, v48  }
.Ltmp0:
0x69: {  	[tilespmem:s23+$0x1A0] =	vst v17;
	v17 =	vmul.f32 v61, v51;
	(pc) =	sbr.rel @p0 .LBB2_3-.Ltmp0, $4  }
0x6a: {  	[tilespmem:s23+$0x220] =	vst v16;
	v16 =	vmul.f32 v62, v53  }
0x6b: {  	[tilespmem:s23+$0x2A0] =	vst v17;
	v17 =	vmul.f32 v63, v18  }
0x6c: {  	[tilespmem:s23+$0x320] =	vst v16  }
0x6d: {  	s22 =	sadd.s32 $0x40, s22;
	[tilespmem:s23+$0x3A0] =	vst v17;
	s23 =	sadd.s32 $0x800, s23  }
0x6e: {  	s21 =	sadd.s32 $0x1, s21  }
0x6f: {  	p0 =	sne.s32 s21, $0x7D  }
.Ltmp1:
0x70: {  	_ = 	snop;
	(pc) =	sbr.rel @p0 .LBB2_2-.Ltmp1, $4  }
0x71: {  	[spmem:s3] =	stream.indirect.scatter.add.f32 [tilespmem:s17], [sflag:$0x2], $0x80, s15, s16, $0xb8;
	[tilespmem:$0x1B780] =	vst v63  }
0x72: {  	_ =	swait.ge [sflag:s13], $0x2800  }
0x73: {  	[sflag:s13] =	ssyncset.done $0x0  }
0x74: {  	[sflag:s13] =	ssyncadd.s32 $0xFFFFD800  }
0x75: {  	s20 =	sadd.s32 $0x1, s20  }
0x76: {  	p0 =	sne.s32 s20, s11  }
.Ltmp2:
0x77: {  	[bflag:$0x0] =	sbarrier.arrive $0xFFFF;
	(pc) =	sbr.rel @p0 .LBB2_1-.Ltmp2, $4  }
0x78: {  	[hbm:s19], [sflag:s10] =	dma.local [spmem:s12], $0x2800  }
0x79: {  	_ =	swait.ge [sflag:s13], $0x2800  }
0x7a: {  	[sflag:s13] =	ssyncset.done $0x0  }
0x7b: {  	[sflag:s13] =	ssyncadd.s32 $0xFFFFD800  }
0x7c: {  	_ =	sfence.sel $0x180000  }
0x7d: {  	[bflag:$0x0] =	sbarrier.arrive $0xFFFF  }
0x7e: {  	p0 =	sne.s32 s2, $0x0;
	_ =	strace $0x9000004A  }
0x7f: {  	s0 =	sadd.s32 @!p0 $0x100000, s0;
	[bflag:$0x2] =	sbarrier.arrive $0xFFFF  }
0x80: {  	[sflag:s0] =	ssyncadd.tile.s32 @!p0 $0x1;
	_ =	shalt  }
.Lfunc_end2:
_tile_overlayer_lowered:
.L_overlay_start_2:
0x81: {  	(tag) =	ssettag $0x2  }
0x82: {  	s0 =	rddreg [dreg:$0x0];
	s2 =	stileid.u32  }
0x83: {  	s1 =	rddreg [dreg:$0x1];
	p0 =	sne.s32 s2, $0x0  }
0x84: {  	s3 =	rddreg [dreg:$0x2];
	[bflag:$0x3] =	sbarrier.arrive $0xFFFF;
	s2 =	simm.s32 @!p0 $0x1C02  }
0x85: {  	[timem:s3], [sflag:s2] =	dma.local @!p0 [hbm:s0], s1  }
0x86: {  	s0 =	simm.s32 @!p0 $0x2  }
0x87: {  	_ =	swait.ge @!p0 [sflag:s0], s1  }
0x88: {  	s1 =	ssub.s32 @!p0 $0x0, s1;
	[sflag:s0] =	ssyncset.done @!p0 $0x0  }
0x89: {  	[sflag:s0] =	ssyncadd.s32 @!p0 s1  }
0x8a: {  	[bflag:$0x3] =	sbarrier.arrive $0xFFFF  }
0x8b: {  	_ =	shalt  }

// kernel: kernel.7.cloned.1.call-start
scs
__scs_entry_jumppad:
0x0: {  	(pc) =	sbr.rel $0x88, $3  }
0x1: {  	(tag) =	ssettag $0x0;
	lr =	simm.s32 $0x1  }
0x2: {  	[smem:$0x3F97] =	sst lr;
	_ =	strace $0xD0000000  }
0x3: {  	_ = 	snop  }
0x4: {  	_ = 	snop  }
0x5: {  	_ = 	snop  }
0x6: {  	_ = 	snop  }
0x7: {  	_ = 	snop  }
__scs_overlays_trampoline_lowered:
0x8: {  	[smem:$0x3FA6] =	sst s0  }
0x9: {  	[smem:$0x3FA7] =	sst s1  }
0xa: {  	[smem:$0x3FA8] =	sst s2  }
0xb: {  	[smem:$0x3FA9] =	sst s3  }
0xc: {  	[smem:$0x3FAA] =	sst s4  }
0xd: {  	[smem:$0x3FAB] =	sst s5  }
0xe: {  	[smem:$0x3FAC] =	sst s6  }
0xf: {  	[smem:$0x3FAD] =	sst s7  }
0x10: {  	[smem:$0x3FAE] =	sst s8  }
0x11: {  	[smem:$0x3FAF] =	sst s9;
	s0 =	simm.s32 @!p0 $0x0  }
0x12: {  	s1 =	sld [smem:$0x3F95];
	s0 =	simm.s32 @p0 $0x1  }
0x13: {  	[smem:$0x3FB0] =	sst s0;
	s0 =	simm.s32 @!p1 $0x0  }
0x14: {  	s2 =	sld [smem:$0x3F94];
	s0 =	simm.s32 @p1 $0x1  }
0x15: {  	[smem:$0x3FB1] =	sst s0;
	s0 =	simm.s32 @!p2 $0x0  }
0x16: {  	s3 =	sld [smem:$0x3FDB];
	s0 =	simm.s32 @p2 $0x1  }
0x17: {  	s4 =	simm.s32 $0x1BF5;
	[smem:$0x3FB3] =	sst s0  }
0x18: {  	s0 =	sld [smem:$0x3F96];
	_ =	swait.ge [sflag:s4], $0x0  }
0x19: {  	s7 =	sld [smem:$0x3F97]  }
0x1a: {  	s8 =	sadd.s32 $0xFFFFE003, lr  }
0x1b: {  	s9 =	sadd.s32 $0xFFFFFEF7, lr;
	s5 =	simm.s32 $0xFFFFFFFF;
	p2 =	slt.u32 s8, $0xFFFFF086  }
0x1c: {  	p1 =	slt.u32 s9, $0xF7A;
	s5 =	simm.s32 @!p2 $0x0  }
0x1d: {  	s5 =	simm.s32 @p1 $0x1;
	p0 =	seq.s32 s7, s2  }
0x1e: {  	s7 =	smul.u32 @!p0 $0xF7A, s2;
	p2 =	seq.s32 @!p0 s5, $0x0  }
0x1f: {  	s9 =	smul.u32 $0xF7A, s1;
	s8 =	simm.s32 @!p0 $0x1BF5;
	p2 =	por !p2, p0  }
0x20: {  	[sflag:s8] =	ssyncset.s32 @!p0 $0xFFFFF086;
	s6 =	sadd.s32 @!p0 s3, s7;
	s7 =	simm.s32 @!p0 $0x108  }
0x21: {  	s3 =	sadd.s32 s3, s9;
	s6 =	sadd.s32 @!p0 $0x88, s6;
	s7 =	simm.s32 @p2 $0x1082  }
0x22: {  	[simem:s7], [sflag:s8] =	dma.local @!p0 [hbm:s6], $0xF7A  }
0x23: {  	s9 =	sor.u32 $0xD0000000, s2;
	s6 =	simm.s32 $0x108;
	_ =	swait.ge @!p0 [sflag:s8], $0x0  }
0x24: {  	s3 =	sadd.s32 $0x88, s3;
	s6 =	simm.s32 @!p1 $0x1082;
	[sflag:s4] =	ssyncset.s32 $0xFFFFF086  }
0x25: {  	[simem:s6], [sflag:s4] =	dma.local [hbm:s3], $0xF7A  }
0x26: {  	[smem:$0x3F97] =	sst s1;
	(tag) =	ssettag s2;
	_ =	strace s9  }
0x27: {  	s1 =	sld [smem:$0x3FA7]  }
0x28: {  	s2 =	sld [smem:$0x3FA8]  }
0x29: {  	s4 =	sld [smem:$0x3FAA]  }
0x2a: {  	p0 =	seq.s32 s5, $0x0;
	s5 =	sld [smem:$0x3FAB]  }
0x2b: {  	s6 =	sld [smem:$0x3FAC]  }
0x2c: {  	s7 =	sld [smem:$0x3FAD]  }
0x2d: {  	s3 =	simm.s32 $0x108;
	s8 =	sld [smem:$0x3FAE]  }
0x2e: {  	s3 =	simm.s32 @!p0 $0x1082;
	s9 =	sld [smem:$0x3FAF]  }
0x2f: {  	lr =	sadd.s32 s0, s3;
	s0 =	sld [smem:$0x3FA6]  }
0x30: {  	s3 =	sld [smem:$0x3FA9]  }
0x31: {  	[smem:$0x3FB2] =	sst s10  }
0x32: {  	s10 =	sld [smem:$0x3FB0];
	_ =	sdelay $0x3  }
0x33: {  	p0 =	seq.s32 s10, $0x1;
	s10 =	sld [smem:$0x3FB2];
	_ =	sdelay $0x3  }
0x34: {  	[smem:$0x3FB2] =	sst s10  }
0x35: {  	s10 =	sld [smem:$0x3FB1];
	_ =	sdelay $0x3  }
0x36: {  	p1 =	seq.s32 s10, $0x1;
	s10 =	sld [smem:$0x3FB2];
	_ =	sdelay $0x3  }
0x37: {  	[smem:$0x3FB2] =	sst s10  }
0x38: {  	s10 =	sld [smem:$0x3FB3]  }
0x39: {  	_ = 	snop;
	(pc) =	sbr.ind lr, $3  }
0x3a: {  	_ = 	snop  }
0x3b: {  	_ = 	snop  }
0x3c: {  	p2 =	seq.s32 s10, $0x1;
	s10 =	sld [smem:$0x3FB2]  }
0x3d: {  	_ =	shalt  }
0x3e: {  	_ =	shalt  }
0x3f: {  	_ =	shalt  }
0x40: {  	_ =	shalt  }
0x41: {  	_ =	shalt  }
0x42: {  	_ =	shalt  }
0x43: {  	_ =	shalt  }
0x44: {  	_ =	shalt  }
0x45: {  	_ =	shalt  }
0x46: {  	_ =	shalt  }
0x47: {  	_ =	shalt  }
0x48: {  	_ =	shalt  }
0x49: {  	_ =	shalt  }
0x4a: {  	_ =	shalt  }
0x4b: {  	_ =	shalt  }
0x4c: {  	_ =	shalt  }
0x4d: {  	_ =	shalt  }
0x4e: {  	_ =	shalt  }
0x4f: {  	_ =	shalt  }
0x50: {  	_ =	shalt  }
0x51: {  	_ =	shalt  }
0x52: {  	_ =	shalt  }
0x53: {  	_ =	shalt  }
0x54: {  	_ =	shalt  }
0x55: {  	_ =	shalt  }
0x56: {  	_ =	shalt  }
0x57: {  	_ =	shalt  }
0x58: {  	_ =	shalt  }
0x59: {  	_ =	shalt  }
0x5a: {  	_ =	shalt  }
0x5b: {  	_ =	shalt  }
0x5c: {  	_ =	shalt  }
0x5d: {  	_ =	shalt  }
0x5e: {  	_ =	shalt  }
0x5f: {  	_ =	shalt  }
0x60: {  	_ =	shalt  }
0x61: {  	_ =	shalt  }
0x62: {  	_ =	shalt  }
0x63: {  	_ =	shalt  }
0x64: {  	_ =	shalt  }
0x65: {  	_ =	shalt  }
0x66: {  	_ =	shalt  }
0x67: {  	_ =	shalt  }
0x68: {  	_ =	shalt  }
0x69: {  	_ =	shalt  }
0x6a: {  	_ =	shalt  }
0x6b: {  	_ =	shalt  }
0x6c: {  	_ =	shalt  }
0x6d: {  	_ =	shalt  }
0x6e: {  	_ =	shalt  }
0x6f: {  	_ =	shalt  }
0x70: {  	_ =	shalt  }
0x71: {  	_ =	shalt  }
0x72: {  	_ =	shalt  }
0x73: {  	_ =	shalt  }
0x74: {  	_ =	shalt  }
0x75: {  	_ =	shalt  }
0x76: {  	_ =	shalt  }
0x77: {  	_ =	shalt  }
0x78: {  	_ =	shalt  }
0x79: {  	_ =	shalt  }
0x7a: {  	_ =	shalt  }
0x7b: {  	_ =	shalt  }
0x7c: {  	_ =	shalt  }
0x7d: {  	_ =	shalt  }
0x7e: {  	_ =	shalt  }
0x7f: {  	_ =	shalt  }
0x80: {  	_ =	shalt  }
0x81: {  	_ =	shalt  }
0x82: {  	_ =	shalt  }
0x83: {  	_ =	shalt  }
0x84: {  	_ =	shalt  }
0x85: {  	_ =	shalt  }
0x86: {  	_ =	shalt  }
0x87: {  	_ =	shalt  }
.Lfunc_end0:
.L_simem_size_0:
called_computation_lowered:
.L_overlay_start_0:
0x88: {  	s2 =	sld [smem:$0x3FD9]  }
0x89: {  	s3 =	sld [smem:$0x3FFE];
	_ =	sdelay $0x1  }
0x8a: {  	s1 =	srdreg.scid  }
0x8b: {  	s0 =	sand.u32 $0x1, s1  }
0x8c: {  	s17 =	sshll.u32 s0, $0xA;
	s2 =	sadd.s32 s3, s2  }
0x8d: {  	s2 =	sadd.s32 s2, s17  }
0x8e: {  	[smem:$0x3FBE] =	sst s2  }
0x8f: {  	_ = 	snop  }
0x90: {  	s2 =	sld [smem:$0x3FD0];
	(tm) =	ssettm $0x1  }
0x91: {  	s18 =	sld [smem:$0x3FFB];
	_ =	sdelay $0x3  }
0x92: {  	_ =	strace s18  }
0x93: {  	s3 =	sld [smem:$0x3FFC];
	_ =	sdelay $0x3  }
0x94: {  	_ =	strace s3  }
0x95: {  	s3 =	sld [smem:$0x3FFD];
	_ =	sdelay $0x3  }
0x96: {  	_ =	strace s3  }
0x97: {  	_ =	strace $0x8FFFFFFF  }
0x98: {  	s19 =	sld [smem:$0x3FDB];
	_ =	sdelay $0x1  }
0x99: {  	s4 =	simm.s32 $_scs_section_size  }
0x9a: {  	s5 =	simm.s32 $_size__tile_overlayer_lowered;
	s6 =	simm.s32 $_tile_overlayer_lowered  }
0x9b: {  	s22 =	simm.s32 $0x1BFF;
	s21 =	sshll.u32 s6, $0x1;
	s3 =	sadd.s32 s4, s19  }
0x9c: {  	s7 =	simm.s32 $0x0;
	s20 =	sshll.u32 s5, $0x1;
	s5 =	sadd.s32 s21, s3  }
0x9d: {  	[timem:s7], [sflag:s22] =	dma.local [hbm:s5], s20  }
0x9e: {  	_ =	swait.ge [sflag:s22], s20  }
0x9f: {  	s4 =	ssub.s32 $0x0, s20;
	[sflag:s22] =	ssyncset.done $0x0  }
0xa0: {  	[sflag:s22] =	ssyncadd.s32 s4;
	_ =	sdelay $0x1  }
0xa1: {  	s23 =	simm.s32 $0x1B8B  }
0xa2: {  	_ =	swait.ge [sflag:s23], $0x1  }
0xa3: {  	[sflag:s23] =	ssyncset.done $0x0  }
0xa4: {  	s25 =	simm.s32 $0x1B8E;
	s24 =	sld [smem:$0x3FFE];
	[sflag:s23] =	ssyncadd.s32 $0xFFFFFFFF  }
0xa5: {  	s26 =	simm.s32 $execute0_lowered;
	[smem:$0x3FD2] =	sst s25  }
0xa6: {  	s5 =	sshll.u32 s26, $0x1;
	_ =	strace $0x80000046;
	[dreg:$0x1] =	wrdreg $0xFFFFFFFF  }
0xa7: {  	s28 =	simm.s32 $_size_execute0_lowered;
	s3 =	sadd.s32 s3, s5;
	[dreg:$0x0] =	wrdreg $0x0  }
0xa8: {  	s5 =	sshll.u32 s28, $0x1;
	[dreg:$0x2] =	wrdreg s3  }
0xa9: {  	[dreg:$0x3] =	wrdreg s5  }
0xaa: {  	[dreg:$0x4] =	wrdreg $0xC0  }
0xab: {  	_ =	task [dreg:s7], $0x5FFFF  }
0xac: {  	[dreg:$0x1] =	wrdreg $0xFFFFFFFF  }
0xad: {  	[dreg:$0x0] =	wrdreg $0x60  }
0xae: {  	[dreg:$0x2] =	wrdreg s24  }
0xaf: {  	[dreg:$0x3] =	wrdreg s2  }
0xb0: {  	[dreg:$0x4] =	wrdreg $0xA4800  }
0xb1: {  	[dreg:$0x5] =	wrdreg $0x9  }
0xb2: {  	_ =	task.clear_ibuf [dreg:s7], $0x6FFFF;
	_ =	strace $0x90000046  }
0xb3: {  	s29 =	simm.s32 $0x9;
	_ =	strace $0x80000048  }
0xb4: {  	_ =	swait.ge [sflag:s29], $0x1  }
0xb5: {  	[sflag:s29] =	ssyncadd.s32 $0xFFFFFFFF  }
0xb6: {  	_ =	strace $0x90000048  }
0xb7: {  	_ =	sfence  }
0xb8: {  	s30 =	sld [smem:$0x0];
	_ =	sdelay $0x2  }
0xb9: {  	s31 =	sshll.u32 s1, $0xD;
	s1 =	sshrl.u32 s1, $0x2  }
0xba: {  	s3 =	sand.u32 $0x4000, s31;
	s1 =	sadd.s32 s1, s30  }
0xbb: {  	s0 =	sor.u32 s3, s0;
	s1 =	sshll.u32 s1, $0x11  }
0xbc: {  	s0 =	sor.u32 s1, s0  }
0xbd: {  	s0 =	sadd.s32 $0x8F2B, s0  }
0xbe: {  	[sflag:s0] =	ssyncadd.remote.s32 $0x1  }
0xbf: {  	_ =	sfence.sel $0xFFFF  }
0xc0: {  	[dreg:$0x0] =	wrdreg $0xFFFFFFFF;
	(pc) =	sbr.abs _section_cstart, $3  }
0xc1: {  	[dreg:$0x1] =	wrdreg $0xFFFFFFFF  }
0xc2: {  	_ =	task.clear_ibuf [dreg:s7], $0x2FFFF;
	_ =	strace $0x9FFFFFFF  }
0xc3: {  	(tm) =	ssettm $0x7FFFFFFF  }
tec
execute0_lowered:
.L_overlay_start_1:
0x0: {  	(tag) =	ssettag $0x1  }
0x1: {  	s0 =	rddreg [dreg:$0x0]  }
0x2: {  	s1 =	rddreg [dreg:$0x1]  }
0x3: {  	s2 =	rddreg [dreg:$0x2];
	s3 =	simm.s32 $0x0;
	s4 =	srdreg.scid  }
0x4: {  	s15 =	stileid.u32;
	s17 =	simm.s32 $0xA300;
	s18 =	simm.s32 $0xA380  }
0x5: {  	s19 =	simm.s32 $0x1;
	s28 =	simm.s32 $0x2800;
	s29 =	simm.s32 $0xA000  }
0x6: {  	s30 =	simm.s32 $0xA400;
	s31 =	simm.s32 $0x7800;
	[smem:$0x7FF] =	sst s3  }
0x7: {  	s6 =	sand.u32 $0x1, s4;
	s4 =	sadd.s32 $0xC800, s0;
	s5 =	sadd.s32 $0xA8C00, s0  }
0x8: {  	s7 =	sadd.s32 $0x2A00, s0;
	s16 =	sadd.s32 $0xCFE00, s0;
	s11 =	smul.u32 $0x50000, s15  }
0x9: {  	s13 =	sadd.s32 $0x146000, s0;
	s9 =	sadd.s32 $0xF7E00, s0;
	s20 =	smul.u32 $0x2800, s15  }
0xa: {  	s23 =	sshll.u32 s15, $0x1;
	s15 =	sshll.u32 s15, $0x6;
	s8 =	smul.u32 $0x28000, s6  }
0xb: {  	_ =	strace $0x80000047;
	s10 =	ssub.s32 $0x2, s6;
	s12 =	smul.u32 $0x500000, s6  }
0xc: {  	[dreg:$0x4] =	wrdreg s16;
	s22 =	sshrl.u32 s10, $0x1;
	s11 =	sshrl.u32 s11, $0x2  }
0xd: {  	s8 =	sadd.s32 s8, s0;
	s0 =	ssub.s32 s10, s22;
	s10 =	sor.u32 s6, s23  }
0xe: {  	s14 =	sadd.s32 s11, s2;
	s11 =	sadd.s32 s16, s20;
	s6 =	smul.u32 $0xA0000, s6  }
0xf: {  	s24 =	sshrl.u32 s12, $0x3;
	s12 =	sor.u32 $0x1C04, s15;
	s15 =	simm.s32 $0x4  }
0x10: {  	s16 =	simm.s32 $0x5000;
	s10 =	smul.u32 $0x2710, s10;
	s8 =	sadd.s32 $0x286000, s8  }
0x11: {  	s25 =	sadd.s32 s13, s24;
	s0 =	smax.u32 s0, $0x1;
	s6 =	sadd.s32 s13, s6  }
0x12: {  	s26 =	sadd.s32 $0x28000, s25;
	[dreg:$0x5] =	wrdreg s0;
	s23 =	sadd.s32 s20, s8  }
0x13: {  	s21 =	sadd.s32 $0x50000, s25;
	[dreg:$0x6] =	wrdreg s23;
	s24 =	sadd.s32 s20, s6  }
0x14: {  	v0 =	vlaneseq.u32;
	vm0 =	vmmov $0xff;
	s22 =	sadd.s32 $0x78000, s25;
	s25 =	sadd.s32 s20, s26;
	[dreg:$0x7] =	wrdreg s24  }
0x15: {  	v1 =	vimm.s32 $0x0;
	v2 =	vimm.s32 $0x1;
	v3 =	vimm.s32 $0x2;
	s14 =	sshrl.u32 s14, $0x3;
	s26 =	sadd.s32 s20, s21;
	[dreg:$0x8] =	wrdreg s25  }
0x16: {  	v4 =	vimm.s32 $0x3;
	v5 =	vimm.s32 $0x4;
	v6 =	vimm.s32 $0x5;
	s0 =	simm.s32 $0x3;
	s6 =	simm.s32 $0x0;
	[dreg:$0x9] =	wrdreg s26  }
0x17: {  	v7 =	vimm.s32 $0x6;
	v8 =	vimm.s32 $0x7;
	v0 =	vor.u32 $0x8, v0;
	s24 =	sadd.s32 s20, s22;
	s25 =	simm.s32 $0x2;
	s26 =	simm.s32 $0x50  }
.LBB2_1:
0x18: {  	[spmem:s14], [sflag:s12] =	dma.local [hbm:s11], $0x2800  }
0x19: {  	_ =	swait.ge [sflag:s15], $0x2800  }
0x1a: {  	[sflag:s15] =	ssyncset.done $0x0  }
0x1b: {  	s8 =	rddreg [dreg:$0x4];
	[sflag:s15] =	ssyncadd.s32 $0xFFFFD800  }
0x1c: {  	[tilespmem:s16], [sflag:$0x4] =	stream.linear.gather [hbm4b:s8+s3], $0x2800, $0x38;
	[tilespmem:$0x1E480] =	vst v63  }
0x1d: {  	_ =	swait.ge [sflag:s15], $0x2800  }
0x1e: {  	[sflag:s15] =	ssyncset.done $0x0  }
0x1f: {  	[sflag:s15] =	ssyncadd.s32 $0xFFFFD800  }
0x20: {  	s8 =	simm.s32 $0x0;
	[bflag:$0x0] =	sbarrier.arrive $0xFFFF  }
.LBB2_2:
0x21: {  	s13 =	smul.u32 $0x50, s8;
	_ =	sdelay $0x1  }
0x22: {  	s13 =	sadd.s32 s10, s13  }
0x23: {  	s20 =	sshrl.u32 s13, $0x3  }
0x24: {  	s22 =	simm.s32 $0x0;
	s21 =	sadd.s32 s7, s20  }
0x25: {  	[tilespmem:s17], [sflag:$0x1] =	stream.linear.gather [hbm4b:s21+s22], $0x50, $0x38;
	[tilespmem:$0x1E480] =	vst v63  }
0x26: {  	s20 =	sadd.s32 s1, s20  }
0x27: {  	[tilespmem:s18], [sflag:$0x2] =	stream.linear.gather [hbm4b:s20+s22], $0x50, $0x38;
	[tilespmem:$0x1E480] =	vst v63  }
0x28: {  	_ =	swait.ge [sflag:s19], $0x50  }
0x29: {  	[sflag:s19] =	ssyncset.done $0x0  }
0x2a: {  	[sflag:s19] =	ssyncadd.s32 $0xFFFFFFB0  }
0x2b: {  	_ =	swait.ge [sflag:s25], $0x50  }
0x2c: {  	[sflag:s25] =	ssyncset.done $0x0  }
0x2d: {  	[sflag:s25] =	ssyncadd.s32 $0xFFFFFFB0  }
0x2e: {  	[tilespmem:s22], [sflag:$0x1] =	stream.indirect.gather [hbm4b:s5+s26], $0x80, s17, s26, $0xb8;
	[tilespmem:$0x1E480] =	vst v63  }
0x2f: {  	_ = 	snop  }
0x30: {  	[tilespmem:s28], [sflag:$0x2] =	stream.indirect.gather [hbm4b:s5+s26], $0x80, s18, s26, $0xb8;
	[tilespmem:$0x1E480] =	vst v63  }
0x31: {  	_ =	swait.ge [sflag:s19], $0x2800  }
0x32: {  	[sflag:s19] =	ssyncset.done $0x0  }
0x33: {  	[sflag:s19] =	ssyncadd.s32 $0xFFFFD800  }
0x34: {  	_ =	swait.ge [sflag:s25], $0x2800  }
0x35: {  	[sflag:s25] =	ssyncset.done $0x0  }
0x36: {  	s23 =	simm.s32 $0x0;
	[sflag:s25] =	ssyncadd.s32 $0xFFFFD800  }
0x37: {  	v9 =	vld [tilespmem:s23+$0x2800];
	_ =	sdelay $0x1  }
0x38: {  	v10 =	vld [tilespmem:s23+$0x0];
	_ =	sdelay $0x2  }
0x39: {  	v9 =	vperm.xlane v9, v0;
	_ =	sdelay $0x1  }
0x3a: {  	v9 =	vadd.f32 v9, v10;
	_ =	sdelay $0x1  }
0x3b: {  	v10 =	vmul.f32 $2.000000030e-01, v9  }
0x3c: {  	vm1 =	vge.f32 v9, $0.0e+00  }
0x3d: {  	v9 =	vsel vm1, v9, v10  }
0x3e: {  	v9 =	vmul.f32 $1.442695020e+00, v9;
	_ =	sdelay $0x1  }
0x3f: {  	(erf) = vpow2.f32 v9;
	_ =	sdelay $0x8  }
0x40: {  	v9 =	vpop (erf)  }
0x41: {  	v10 =	vnsel vm0, $0x0, v9  }
0x42: {  	s20 =	simm.s32 $0xA000;
	[tilespmem:s23+$0x5000] =	vst v10  }
0x43: {  	s21 =	simm.s32 $0x80;
	[tilespmem:s20+$0x0] =	vst.msk $0xff, v9  }
0x44: {  	s22 =	simm.s32 $0x400;
	v9 =	vld [tilespmem:s21+$0x2800]  }
.LBB2_3:
0x45: {  	p0 =	sne.s32 s22, $0x9E00  }
0x46: {  	v10 =	vld [tilespmem:s21+$0x0];
	_ =	sdelay $0x2  }
0x47: {  	v9 =	vperm.xlane v9, v0;
	_ =	sdelay $0x1  }
0x48: {  	v9 =	vadd.f32 v9, v10;
	_ =	sdelay $0x1  }
0x49: {  	v10 =	vmul.f32 $2.000000030e-01, v9  }
0x4a: {  	vm1 =	vge.f32 v9, $0.0e+00  }
0x4b: {  	v9 =	vsel vm1, v9, v10  }
0x4c: {  	v9 =	vmul.f32 $1.442695020e+00, v9;
	_ =	sdelay $0x1  }
0x4d: {  	(erf) = vpow2.f32 v9;
	_ =	sdelay $0x8  }
.Ltmp0:
0x4e: {  	v9 =	vpop (erf);
	(pc) =	sbr.rel @p0 .LBB2_3-.Ltmp0, $4  }
0x4f: {  	v10 =	vnsel vm0, $0x0, v9  }
0x50: {  	s20 =	sadd.s32 $0x8, s20;
	[tilespmem:s21+$0x5000] =	vst v10  }
0x51: {  	s21 =	sshra.s32 s22, $0x2;
	[tilespmem:s20+$0x0] =	vst.msk $0xff, v9  }
0x52: {  	s22 =	sadd.s32 $0x200, s22;
	v9 =	vld [tilespmem:s21+$0x2800]  }
0x53: {  	_ = 	snop  }
0x54: {  	v10 =	vld [tilespmem:s21+$0x0];
	_ =	sdelay $0x2  }
0x55: {  	v9 =	vperm.xlane v9, v0;
	_ =	sdelay $0x1  }
0x56: {  	v9 =	vadd.f32 v9, v10;
	_ =	sdelay $0x1  }
0x57: {  	v10 =	vmul.f32 $2.000000030e-01, v9  }
0x58: {  	vm1 =	vge.f32 v9, $0.0e+00  }
0x59: {  	v9 =	vsel vm1, v9, v10  }
0x5a: {  	v9 =	vmul.f32 $1.442695020e+00, v9;
	_ =	sdelay $0x1  }
0x5b: {  	(erf) = vpow2.f32 v9;
	_ =	sdelay $0x8  }
0x5c: {  	v9 =	vpop (erf)  }
0x5d: {  	v10 =	vnsel vm0, $0x0, v9  }
0x5e: {  	s20 =	sadd.s32 $0x8, s20;
	[tilespmem:s21+$0x5000] =	vst v10  }
0x5f: {  	[tilespmem:s20+$0x0] =	vst.msk $0xff, v9  }
0x60: {  	[spmem:s2] =	stream.indirect.scatter.add.f32 [tilespmem:s16], [sflag:$0x4], $0x80, s18, s26, $0xb8;
	[tilespmem:$0x1E480] =	vst v63  }
0x61: {  	s8 =	sadd.s32 $0x1, s8;
	_ =	swait.ge [sflag:s15], $0x2800  }
0x62: {  	p0 =	sne.s32 s8, $0x7D;
	[sflag:s15] =	ssyncset.done $0x0  }
.Ltmp1:
0x63: {  	s13 =	sadd.s32 s9, s13;
	[sflag:s15] =	ssyncadd.s32 $0xFFFFD800;
	(pc) =	sbr.rel @p0 .LBB2_2-.Ltmp1, $4  }
0x64: {  	[hbm4b:s13+s3] =	stream.linear.scatter [tilespmem:s29], [sflag:$0x4], $0x280, $0x38;
	[tilespmem:$0x1E480] =	vst v63  }
0x65: {  	_ =	swait.ge [sflag:s15], $0x280  }
0x66: {  	[sflag:s15] =	ssyncset.done $0x0  }
0x67: {  	[sflag:s15] =	ssyncadd.s32 $0xFFFFFD80  }
0x68: {  	[bflag:$0x0] =	sbarrier.arrive $0xFFFF  }
0x69: {  	s8 =	rddreg [dreg:$0x6]  }
0x6a: {  	[hbm:s8], [sflag:s12] =	dma.local [spmem:s14], $0x2800  }
0x6b: {  	_ =	swait.ge [sflag:s15], $0x2800  }
0x6c: {  	[sflag:s15] =	ssyncset.done $0x0  }
0x6d: {  	[sflag:s15] =	ssyncadd.s32 $0xFFFFD800  }
0x6e: {  	[spmem:s14], [sflag:s12] =	dma.local [hbm:s11], $0x2800  }
0x6f: {  	_ =	swait.ge [sflag:s15], $0x2800  }
0x70: {  	[sflag:s15] =	ssyncset.done $0x0  }
0x71: {  	[sflag:s15] =	ssyncadd.s32 $0xFFFFD800  }
0x72: {  	s13 =	simm.s32 $0x0;
	s8 =	simm.s32 $0x0;
	[bflag:$0x0] =	sbarrier.arrive $0xFFFF  }
.LBB2_6:
0x73: {  	s20 =	smul.u32 $0x50, s13;
	_ =	sdelay $0x1  }
0x74: {  	s20 =	sadd.s32 s10, s20  }
0x75: {  	s21 =	sshrl.u32 s20, $0x3  }
0x76: {  	s22 =	sadd.s32 s7, s21  }
0x77: {  	[tilespmem:s17], [sflag:$0x1] =	stream.linear.gather [hbm4b:s22+s8], $0x50, $0x38;
	[tilespmem:$0x1E480] =	vst v63  }
0x78: {  	s21 =	sadd.s32 s1, s21  }
0x79: {  	[tilespmem:s18], [sflag:$0x2] =	stream.linear.gather [hbm4b:s21+s8], $0x50, $0x38;
	[tilespmem:$0x1E480] =	vst v63  }
0x7a: {  	s20 =	sadd.s32 s9, s20  }
0x7b: {  	[tilespmem:s29], [sflag:$0x3] =	stream.linear.gather [hbm4b:s20+s8], $0x280, $0x38;
	[tilespmem:$0x1E480] =	vst v63  }
0x7c: {  	_ =	swait.ge [sflag:s19], $0x50  }
0x7d: {  	[sflag:s19] =	ssyncset.done $0x0  }
0x7e: {  	[sflag:s19] =	ssyncadd.s32 $0xFFFFFFB0  }
0x7f: {  	v9 =	vld [tilespmem:$0xA300]  }
0x80: {  	v10 =	vld [tilespmem:$0xA310]  }
0x81: {  	v11 =	vld [tilespmem:$0xA320]  }
0x82: {  	v12 =	vld [tilespmem:$0xA330]  }
0x83: {  	v13 =	vld [tilespmem:$0xA340]  }
0x84: {  	[tilespmem:$0xA400] =	vst v9  }
0x85: {  	[tilespmem:$0xA410] =	vst v10  }
0x86: {  	[tilespmem:$0xA420] =	vst v11  }
0x87: {  	[tilespmem:$0xA430] =	vst v12  }
0x88: {  	[tilespmem:$0xA440] =	vst v13  }
0x89: {  	[tilespmem:s31], [sflag:$0x1] =	stream.indirect.gather [hbm4b:s4+s26], $0x80, s30, s26, $0xb8;
	[tilespmem:$0x1E480] =	vst v63  }
0x8a: {  	_ =	swait.ge [sflag:s19], $0x2800  }
0x8b: {  	[sflag:s19] =	ssyncset.done $0x0  }
0x8c: {  	[sflag:s19] =	ssyncadd.s32 $0xFFFFD800  }
0x8d: {  	_ =	swait.ge [sflag:s25], $0x50  }
0x8e: {  	[sflag:s25] =	ssyncset.done $0x0  }
0x8f: {  	[sflag:s25] =	ssyncadd.s32 $0xFFFFFFB0  }
0x90: {  	_ =	swait.ge [sflag:s0], $0x280  }
0x91: {  	[sflag:s0] =	ssyncset.done $0x0  }
0x92: {  	s20 =	simm.s32 $0x7840;
	[sflag:s0] =	ssyncadd.s32 $0xFFFFFD80  }
0x93: {  	s23 =	simm.s32 $0x0;
	v14 =	vld [tilespmem:s20+$0x30]  }
0x94: {  	v11 =	vld [tilespmem:s23+$0xA000]  }
0x95: {  	v17 =	vld [tilespmem:s20+$0x10]  }
0x96: {  	v15 =	vld [tilespmem:s20+$0xFFFFFFC0]  }
0x97: {  	v19 =	vld [tilespmem:s20+$0xFFFFFFE0]  }
0x98: {  	v9 =	vld [tilespmem:s20+$0xFFFFFFF0]  }
0x99: {  	v12 =	vld [tilespmem:s20+$0x20];
	v10 =	vperm.xlane v11, v1;
	v11 =	vperm.xlane v11, v2  }
0x9a: {  	v13 =	vld [tilespmem:s20+$0xFFFFFFD0]  }
0x9b: {  	v18 =	vmul.f32 v14, v11;
	v14 =	vld [tilespmem:s20+$0x0]  }
0x9c: {  	v16 =	vmul.f32 v15, v10  }
0x9d: {  	s22 =	simm.s32 $0x7840;
	s21 =	simm.s32 $0x20;
	v15 =	vmul.f32 v19, v10;
	v17 =	vmul.f32 v17, v11  }
.LBB2_7:
0x9e: {  	p0 =	sne.s32 s21, $0x9E0  }
0x9f: {  	v13 =	vmul.f32 v13, v10;
	v12 =	vmul.f32 v12, v11;
	[tilespmem:s20+$0x30] =	vst v18;
	s22 =	sadd.s32 $0x80, s22;
	s23 =	smov.u32 s21;
	s21 =	sadd.s32 $0x20, s21  }
0xa0: {  	v9 =	vmul.f32 v9, v10;
	[tilespmem:s20+$0xFFFFFFC0] =	vst v16;
	v10 =	vmul.f32 v14, v11  }
0xa1: {  	[tilespmem:s20+$0x10] =	vst v17  }
0xa2: {  	[tilespmem:s20+$0xFFFFFFE0] =	vst v15  }
0xa3: {  	[tilespmem:s20+$0xFFFFFFF0] =	vst v9  }
0xa4: {  	v9 =	vld [tilespmem:s22+$0xFFFFFFF0];
	[tilespmem:s20+$0x0] =	vst v10  }
0xa5: {  	v15 =	vld [tilespmem:s22+$0x30];
	[tilespmem:s20+$0x20] =	vst v12  }
0xa6: {  	s23 =	sshra.s32 s23, $0x2;
	v17 =	vld [tilespmem:s22+$0x10];
	[tilespmem:s20+$0xFFFFFFD0] =	vst v13;
	s20 =	smov.u32 s22  }
0xa7: {  	v11 =	vld [tilespmem:s23+$0xA000]  }
0xa8: {  	v16 =	vld [tilespmem:s22+$0xFFFFFFC0]  }
0xa9: {  	v19 =	vld [tilespmem:s22+$0xFFFFFFE0]  }
0xaa: {  	v12 =	vld [tilespmem:s22+$0x20]  }
.Ltmp2:
0xab: {  	v13 =	vld [tilespmem:s22+$0xFFFFFFD0];
	(pc) =	sbr.rel @p0 .LBB2_7-.Ltmp2, $3  }
0xac: {  	v10 =	vperm.xlane v11, v1;
	v11 =	vperm.xlane v11, v2;
	v14 =	vld [tilespmem:s22+$0x0];
	_ =	sdelay $0x1  }
0xad: {  	v16 =	vmul.f32 v16, v10;
	v18 =	vmul.f32 v15, v11  }
0xae: {  	v15 =	vmul.f32 v19, v10;
	v17 =	vmul.f32 v17, v11  }
0xaf: {  	[tilespmem:s20+$0x30] =	vst v18  }
0xb0: {  	[tilespmem:s20+$0xFFFFFFC0] =	vst v16  }
0xb1: {  	v9 =	vmul.f32 v9, v10;
	[tilespmem:s20+$0x10] =	vst v17  }
0xb2: {  	v14 =	vmul.f32 v14, v11;
	[tilespmem:s20+$0xFFFFFFE0] =	vst v15  }
0xb3: {  	v11 =	vmul.f32 v12, v11;
	[tilespmem:s20+$0xFFFFFFF0] =	vst v9  }
0xb4: {  	s13 =	sadd.s32 $0x1, s13;
	v9 =	vmul.f32 v13, v10;
	[tilespmem:s20+$0x0] =	vst v14  }
0xb5: {  	p0 =	sne.s32 s13, $0x7D;
	[tilespmem:s20+$0x20] =	vst v11  }
.Ltmp3:
0xb6: {  	[tilespmem:s20+$0xFFFFFFD0] =	vst v9;
	(pc) =	sbr.rel @p0 .LBB2_6-.Ltmp3, $4  }
0xb7: {  	[spmem:s2] =	stream.indirect.scatter.add.f32 [tilespmem:s31], [sflag:$0x4], $0x80, s18, s26, $0xb8;
	[tilespmem:$0x1E480] =	vst v63  }
0xb8: {  	_ =	swait.ge [sflag:s15], $0x2800  }
0xb9: {  	[sflag:s15] =	ssyncset.done $0x0  }
0xba: {  	[sflag:s15] =	ssyncadd.s32 $0xFFFFD800  }
0xbb: {  	[bflag:$0x0] =	sbarrier.arrive $0xFFFF  }
0xbc: {  	s8 =	rddreg [dreg:$0x7]  }
0xbd: {  	[hbm:s8], [sflag:s12] =	dma.local [spmem:s14], $0x2800  }
0xbe: {  	_ =	swait.ge [sflag:s15], $0x2800  }
0xbf: {  	[sflag:s15] =	ssyncset.done $0x0  }
0xc0: {  	[sflag:s15] =	ssyncadd.s32 $0xFFFFD800  }
0xc1: {  	[spmem:s14], [sflag:s12] =	dma.local [hbm:s11], $0x2800  }
0xc2: {  	_ =	swait.ge [sflag:s15], $0x2800  }
0xc3: {  	[sflag:s15] =	ssyncset.done $0x0  }
0xc4: {  	[sflag:s15] =	ssyncadd.s32 $0xFFFFD800  }
0xc5: {  	s13 =	simm.s32 $0x0;
	s8 =	simm.s32 $0x0;
	[bflag:$0x0] =	sbarrier.arrive $0xFFFF  }
.LBB2_10:
0xc6: {  	s20 =	smul.u32 $0x50, s13;
	_ =	sdelay $0x1  }
0xc7: {  	s20 =	sadd.s32 s10, s20  }
0xc8: {  	s21 =	sshrl.u32 s20, $0x3  }
0xc9: {  	s22 =	sadd.s32 s7, s21  }
0xca: {  	[tilespmem:s17], [sflag:$0x1] =	stream.linear.gather [hbm4b:s22+s8], $0x50, $0x38;
	[tilespmem:$0x1E480] =	vst v63  }
0xcb: {  	s21 =	sadd.s32 s1, s21  }
0xcc: {  	[tilespmem:s18], [sflag:$0x2] =	stream.linear.gather [hbm4b:s21+s8], $0x50, $0x38;
	[tilespmem:$0x1E480] =	vst v63  }
0xcd: {  	s20 =	sadd.s32 s9, s20  }
0xce: {  	[tilespmem:s29], [sflag:$0x3] =	stream.linear.gather [hbm4b:s20+s8], $0x280, $0x38;
	[tilespmem:$0x1E480] =	vst v63  }
0xcf: {  	_ =	swait.ge [sflag:s19], $0x50  }
0xd0: {  	[sflag:s19] =	ssyncset.done $0x0  }
0xd1: {  	[sflag:s19] =	ssyncadd.s32 $0xFFFFFFB0  }
0xd2: {  	v9 =	vld [tilespmem:$0xA300]  }
0xd3: {  	v10 =	vld [tilespmem:$0xA310]  }
0xd4: {  	v11 =	vld [tilespmem:$0xA320]  }
0xd5: {  	v12 =	vld [tilespmem:$0xA330]  }
0xd6: {  	v13 =	vld [tilespmem:$0xA340]  }
0xd7: {  	v9 =	vadd.s32 $0x2710, v9  }
0xd8: {  	[tilespmem:$0xA400] =	vst v9;
	v9 =	vadd.s32 $0x2710, v10  }
0xd9: {  	[tilespmem:$0xA410] =	vst v9;
	v9 =	vadd.s32 $0x2710, v11  }
0xda: {  	[tilespmem:$0xA420] =	vst v9;
	v9 =	vadd.s32 $0x2710, v12  }
0xdb: {  	[tilespmem:$0xA430] =	vst v9;
	v9 =	vadd.s32 $0x2710, v13  }
0xdc: {  	[tilespmem:$0xA440] =	vst v9  }
0xdd: {  	[tilespmem:s31], [sflag:$0x1] =	stream.indirect.gather [hbm4b:s4+s26], $0x80, s30, s26, $0xb8;
	[tilespmem:$0x1E480] =	vst v63  }
0xde: {  	_ =	swait.ge [sflag:s19], $0x2800  }
0xdf: {  	[sflag:s19] =	ssyncset.done $0x0  }
0xe0: {  	[sflag:s19] =	ssyncadd.s32 $0xFFFFD800  }
0xe1: {  	_ =	swait.ge [sflag:s25], $0x50  }
0xe2: {  	[sflag:s25] =	ssyncset.done $0x0  }
0xe3: {  	[sflag:s25] =	ssyncadd.s32 $0xFFFFFFB0  }
0xe4: {  	_ =	swait.ge [sflag:s0], $0x280  }
0xe5: {  	[sflag:s0] =	ssyncset.done $0x0  }
0xe6: {  	s20 =	simm.s32 $0x7840;
	[sflag:s0] =	ssyncadd.s32 $0xFFFFFD80  }
0xe7: {  	s23 =	simm.s32 $0x0;
	v14 =	vld [tilespmem:s20+$0x30]  }
0xe8: {  	v11 =	vld [tilespmem:s23+$0xA000]  }
0xe9: {  	v17 =	vld [tilespmem:s20+$0x10]  }
0xea: {  	v15 =	vld [tilespmem:s20+$0xFFFFFFC0]  }
0xeb: {  	v19 =	vld [tilespmem:s20+$0xFFFFFFE0]  }
0xec: {  	v9 =	vld [tilespmem:s20+$0xFFFFFFF0]  }
0xed: {  	v12 =	vld [tilespmem:s20+$0x20];
	v10 =	vperm.xlane v11, v3;
	v11 =	vperm.xlane v11, v4  }
0xee: {  	v13 =	vld [tilespmem:s20+$0xFFFFFFD0]  }
0xef: {  	v18 =	vmul.f32 v14, v11;
	v14 =	vld [tilespmem:s20+$0x0]  }
0xf0: {  	v16 =	vmul.f32 v15, v10  }
0xf1: {  	s22 =	simm.s32 $0x7840;
	s21 =	simm.s32 $0x20;
	v15 =	vmul.f32 v19, v10;
	v17 =	vmul.f32 v17, v11  }
.LBB2_11:
0xf2: {  	p0 =	sne.s32 s21, $0x9E0  }
0xf3: {  	v13 =	vmul.f32 v13, v10;
	v12 =	vmul.f32 v12, v11;
	[tilespmem:s20+$0x30] =	vst v18;
	s22 =	sadd.s32 $0x80, s22;
	s23 =	smov.u32 s21;
	s21 =	sadd.s32 $0x20, s21  }
0xf4: {  	v9 =	vmul.f32 v9, v10;
	[tilespmem:s20+$0xFFFFFFC0] =	vst v16;
	v10 =	vmul.f32 v14, v11  }
0xf5: {  	[tilespmem:s20+$0x10] =	vst v17  }
0xf6: {  	[tilespmem:s20+$0xFFFFFFE0] =	vst v15  }
0xf7: {  	[tilespmem:s20+$0xFFFFFFF0] =	vst v9  }
0xf8: {  	v9 =	vld [tilespmem:s22+$0xFFFFFFF0];
	[tilespmem:s20+$0x0] =	vst v10  }
0xf9: {  	v15 =	vld [tilespmem:s22+$0x30];
	[tilespmem:s20+$0x20] =	vst v12  }
0xfa: {  	s23 =	sshra.s32 s23, $0x2;
	v17 =	vld [tilespmem:s22+$0x10];
	[tilespmem:s20+$0xFFFFFFD0] =	vst v13;
	s20 =	smov.u32 s22  }
0xfb: {  	v11 =	vld [tilespmem:s23+$0xA000]  }
0xfc: {  	v16 =	vld [tilespmem:s22+$0xFFFFFFC0]  }
0xfd: {  	v19 =	vld [tilespmem:s22+$0xFFFFFFE0]  }
0xfe: {  	v12 =	vld [tilespmem:s22+$0x20]  }
.Ltmp4:
0xff: {  	v13 =	vld [tilespmem:s22+$0xFFFFFFD0];
	(pc) =	sbr.rel @p0 .LBB2_11-.Ltmp4, $3  }
0x100: {  	v10 =	vperm.xlane v11, v3;
	v11 =	vperm.xlane v11, v4;
	v14 =	vld [tilespmem:s22+$0x0];
	_ =	sdelay $0x1  }
0x101: {  	v16 =	vmul.f32 v16, v10;
	v18 =	vmul.f32 v15, v11  }
0x102: {  	v15 =	vmul.f32 v19, v10;
	v17 =	vmul.f32 v17, v11  }
0x103: {  	[tilespmem:s20+$0x30] =	vst v18  }
0x104: {  	[tilespmem:s20+$0xFFFFFFC0] =	vst v16  }
0x105: {  	v9 =	vmul.f32 v9, v10;
	[tilespmem:s20+$0x10] =	vst v17  }
0x106: {  	v14 =	vmul.f32 v14, v11;
	[tilespmem:s20+$0xFFFFFFE0] =	vst v15  }
0x107: {  	v11 =	vmul.f32 v12, v11;
	[tilespmem:s20+$0xFFFFFFF0] =	vst v9  }
0x108: {  	s13 =	sadd.s32 $0x1, s13;
	v9 =	vmul.f32 v13, v10;
	[tilespmem:s20+$0x0] =	vst v14  }
0x109: {  	p0 =	sne.s32 s13, $0x7D;
	[tilespmem:s20+$0x20] =	vst v11  }
.Ltmp5:
0x10a: {  	[tilespmem:s20+$0xFFFFFFD0] =	vst v9;
	(pc) =	sbr.rel @p0 .LBB2_10-.Ltmp5, $4  }
0x10b: {  	[spmem:s2] =	stream.indirect.scatter.add.f32 [tilespmem:s31], [sflag:$0x4], $0x80, s18, s26, $0xb8;
	[tilespmem:$0x1E480] =	vst v63  }
0x10c: {  	_ =	swait.ge [sflag:s15], $0x2800  }
0x10d: {  	[sflag:s15] =	ssyncset.done $0x0  }
0x10e: {  	[sflag:s15] =	ssyncadd.s32 $0xFFFFD800  }
0x10f: {  	[bflag:$0x0] =	sbarrier.arrive $0xFFFF  }
0x110: {  	s8 =	rddreg [dreg:$0x8]  }
0x111: {  	[hbm:s8], [sflag:s12] =	dma.local [spmem:s14], $0x2800  }
0x112: {  	_ =	swait.ge [sflag:s15], $0x2800  }
0x113: {  	[sflag:s15] =	ssyncset.done $0x0  }
0x114: {  	[sflag:s15] =	ssyncadd.s32 $0xFFFFD800  }
0x115: {  	[spmem:s14], [sflag:s12] =	dma.local [hbm:s11], $0x2800  }
0x116: {  	_ =	swait.ge [sflag:s15], $0x2800  }
0x117: {  	[sflag:s15] =	ssyncset.done $0x0  }
0x118: {  	[sflag:s15] =	ssyncadd.s32 $0xFFFFD800  }
0x119: {  	s13 =	simm.s32 $0x0;
	s8 =	simm.s32 $0x0;
	[bflag:$0x0] =	sbarrier.arrive $0xFFFF  }
.LBB2_14:
0x11a: {  	s20 =	smul.u32 $0x50, s13;
	_ =	sdelay $0x1  }
0x11b: {  	s20 =	sadd.s32 s10, s20  }
0x11c: {  	s21 =	sshrl.u32 s20, $0x3  }
0x11d: {  	s22 =	sadd.s32 s7, s21  }
0x11e: {  	[tilespmem:s17], [sflag:$0x1] =	stream.linear.gather [hbm4b:s22+s8], $0x50, $0x38;
	[tilespmem:$0x1E480] =	vst v63  }
0x11f: {  	s21 =	sadd.s32 s1, s21  }
0x120: {  	[tilespmem:s18], [sflag:$0x2] =	stream.linear.gather [hbm4b:s21+s8], $0x50, $0x38;
	[tilespmem:$0x1E480] =	vst v63  }
0x121: {  	s20 =	sadd.s32 s9, s20  }
0x122: {  	[tilespmem:s29], [sflag:$0x3] =	stream.linear.gather [hbm4b:s20+s8], $0x280, $0x38;
	[tilespmem:$0x1E480] =	vst v63  }
0x123: {  	_ =	swait.ge [sflag:s19], $0x50  }
0x124: {  	[sflag:s19] =	ssyncset.done $0x0  }
0x125: {  	[sflag:s19] =	ssyncadd.s32 $0xFFFFFFB0  }
0x126: {  	v9 =	vld [tilespmem:$0xA300]  }
0x127: {  	v10 =	vld [tilespmem:$0xA310]  }
0x128: {  	v11 =	vld [tilespmem:$0xA320]  }
0x129: {  	v12 =	vld [tilespmem:$0xA330]  }
0x12a: {  	v13 =	vld [tilespmem:$0xA340]  }
0x12b: {  	v9 =	vadd.s32 $0x4E20, v9  }
0x12c: {  	[tilespmem:$0xA400] =	vst v9;
	v9 =	vadd.s32 $0x4E20, v10  }
0x12d: {  	[tilespmem:$0xA410] =	vst v9;
	v9 =	vadd.s32 $0x4E20, v11  }
0x12e: {  	[tilespmem:$0xA420] =	vst v9;
	v9 =	vadd.s32 $0x4E20, v12  }
0x12f: {  	[tilespmem:$0xA430] =	vst v9;
	v9 =	vadd.s32 $0x4E20, v13  }
0x130: {  	[tilespmem:$0xA440] =	vst v9  }
0x131: {  	[tilespmem:s31], [sflag:$0x1] =	stream.indirect.gather [hbm4b:s4+s26], $0x80, s30, s26, $0xb8;
	[tilespmem:$0x1E480] =	vst v63  }
0x132: {  	_ =	swait.ge [sflag:s19], $0x2800  }
0x133: {  	[sflag:s19] =	ssyncset.done $0x0  }
0x134: {  	[sflag:s19] =	ssyncadd.s32 $0xFFFFD800  }
0x135: {  	_ =	swait.ge [sflag:s25], $0x50  }
0x136: {  	[sflag:s25] =	ssyncset.done $0x0  }
0x137: {  	[sflag:s25] =	ssyncadd.s32 $0xFFFFFFB0  }
0x138: {  	_ =	swait.ge [sflag:s0], $0x280  }
0x139: {  	[sflag:s0] =	ssyncset.done $0x0  }
0x13a: {  	s20 =	simm.s32 $0x7840;
	[sflag:s0] =	ssyncadd.s32 $0xFFFFFD80  }
0x13b: {  	s23 =	simm.s32 $0x0;
	v14 =	vld [tilespmem:s20+$0x30]  }
0x13c: {  	v11 =	vld [tilespmem:s23+$0xA000]  }
0x13d: {  	v17 =	vld [tilespmem:s20+$0x10]  }
0x13e: {  	v15 =	vld [tilespmem:s20+$0xFFFFFFC0]  }
0x13f: {  	v19 =	vld [tilespmem:s20+$0xFFFFFFE0]  }
0x140: {  	v9 =	vld [tilespmem:s20+$0xFFFFFFF0]  }
0x141: {  	v12 =	vld [tilespmem:s20+$0x20];
	v10 =	vperm.xlane v11, v5;
	v11 =	vperm.xlane v11, v6  }
0x142: {  	v13 =	vld [tilespmem:s20+$0xFFFFFFD0]  }
0x143: {  	v18 =	vmul.f32 v14, v11;
	v14 =	vld [tilespmem:s20+$0x0]  }
0x144: {  	v16 =	vmul.f32 v15, v10  }
0x145: {  	s22 =	simm.s32 $0x7840;
	s21 =	simm.s32 $0x20;
	v15 =	vmul.f32 v19, v10;
	v17 =	vmul.f32 v17, v11  }
.LBB2_15:
0x146: {  	p0 =	sne.s32 s21, $0x9E0  }
0x147: {  	v13 =	vmul.f32 v13, v10;
	v12 =	vmul.f32 v12, v11;
	[tilespmem:s20+$0x30] =	vst v18;
	s22 =	sadd.s32 $0x80, s22;
	s23 =	smov.u32 s21;
	s21 =	sadd.s32 $0x20, s21  }
0x148: {  	v9 =	vmul.f32 v9, v10;
	[tilespmem:s20+$0xFFFFFFC0] =	vst v16;
	v10 =	vmul.f32 v14, v11  }
0x149: {  	[tilespmem:s20+$0x10] =	vst v17  }
0x14a: {  	[tilespmem:s20+$0xFFFFFFE0] =	vst v15  }
0x14b: {  	[tilespmem:s20+$0xFFFFFFF0] =	vst v9  }
0x14c: {  	v9 =	vld [tilespmem:s22+$0xFFFFFFF0];
	[tilespmem:s20+$0x0] =	vst v10  }
0x14d: {  	v15 =	vld [tilespmem:s22+$0x30];
	[tilespmem:s20+$0x20] =	vst v12  }
0x14e: {  	s23 =	sshra.s32 s23, $0x2;
	v17 =	vld [tilespmem:s22+$0x10];
	[tilespmem:s20+$0xFFFFFFD0] =	vst v13;
	s20 =	smov.u32 s22  }
0x14f: {  	v11 =	vld [tilespmem:s23+$0xA000]  }
0x150: {  	v16 =	vld [tilespmem:s22+$0xFFFFFFC0]  }
0x151: {  	v19 =	vld [tilespmem:s22+$0xFFFFFFE0]  }
0x152: {  	v12 =	vld [tilespmem:s22+$0x20]  }
.Ltmp6:
0x153: {  	v13 =	vld [tilespmem:s22+$0xFFFFFFD0];
	(pc) =	sbr.rel @p0 .LBB2_15-.Ltmp6, $3  }
0x154: {  	v10 =	vperm.xlane v11, v5;
	v11 =	vperm.xlane v11, v6;
	v14 =	vld [tilespmem:s22+$0x0];
	_ =	sdelay $0x1  }
0x155: {  	v16 =	vmul.f32 v16, v10;
	v18 =	vmul.f32 v15, v11  }
0x156: {  	v15 =	vmul.f32 v19, v10;
	v17 =	vmul.f32 v17, v11  }
0x157: {  	[tilespmem:s20+$0x30] =	vst v18  }
0x158: {  	[tilespmem:s20+$0xFFFFFFC0] =	vst v16  }
0x159: {  	v9 =	vmul.f32 v9, v10;
	[tilespmem:s20+$0x10] =	vst v17  }
0x15a: {  	v14 =	vmul.f32 v14, v11;
	[tilespmem:s20+$0xFFFFFFE0] =	vst v15  }
0x15b: {  	v11 =	vmul.f32 v12, v11;
	[tilespmem:s20+$0xFFFFFFF0] =	vst v9  }
0x15c: {  	s13 =	sadd.s32 $0x1, s13;
	v9 =	vmul.f32 v13, v10;
	[tilespmem:s20+$0x0] =	vst v14  }
0x15d: {  	p0 =	sne.s32 s13, $0x7D;
	[tilespmem:s20+$0x20] =	vst v11  }
.Ltmp7:
0x15e: {  	[tilespmem:s20+$0xFFFFFFD0] =	vst v9;
	(pc) =	sbr.rel @p0 .LBB2_14-.Ltmp7, $4  }
0x15f: {  	[spmem:s2] =	stream.indirect.scatter.add.f32 [tilespmem:s31], [sflag:$0x4], $0x80, s18, s26, $0xb8;
	[tilespmem:$0x1E480] =	vst v63  }
0x160: {  	_ =	swait.ge [sflag:s15], $0x2800  }
0x161: {  	[sflag:s15] =	ssyncset.done $0x0  }
0x162: {  	[sflag:s15] =	ssyncadd.s32 $0xFFFFD800  }
0x163: {  	[bflag:$0x0] =	sbarrier.arrive $0xFFFF  }
0x164: {  	s8 =	rddreg [dreg:$0x9]  }
0x165: {  	[hbm:s8], [sflag:s12] =	dma.local [spmem:s14], $0x2800  }
0x166: {  	_ =	swait.ge [sflag:s15], $0x2800  }
0x167: {  	[sflag:s15] =	ssyncset.done $0x0  }
0x168: {  	[sflag:s15] =	ssyncadd.s32 $0xFFFFD800  }
0x169: {  	[spmem:s14], [sflag:s12] =	dma.local [hbm:s11], $0x2800  }
0x16a: {  	_ =	swait.ge [sflag:s15], $0x2800  }
0x16b: {  	[sflag:s15] =	ssyncset.done $0x0  }
0x16c: {  	[sflag:s15] =	ssyncadd.s32 $0xFFFFD800  }
0x16d: {  	s13 =	simm.s32 $0x0;
	s8 =	simm.s32 $0x0;
	[bflag:$0x0] =	sbarrier.arrive $0xFFFF  }
.LBB2_18:
0x16e: {  	s20 =	smul.u32 $0x50, s13;
	_ =	sdelay $0x1  }
0x16f: {  	s20 =	sadd.s32 s10, s20  }
0x170: {  	s21 =	sshrl.u32 s20, $0x3  }
0x171: {  	s22 =	sadd.s32 s7, s21  }
0x172: {  	[tilespmem:s17], [sflag:$0x1] =	stream.linear.gather [hbm4b:s22+s8], $0x50, $0x38;
	[tilespmem:$0x1E480] =	vst v63  }
0x173: {  	s21 =	sadd.s32 s1, s21  }
0x174: {  	[tilespmem:s18], [sflag:$0x2] =	stream.linear.gather [hbm4b:s21+s8], $0x50, $0x38;
	[tilespmem:$0x1E480] =	vst v63  }
0x175: {  	s20 =	sadd.s32 s9, s20  }
0x176: {  	[tilespmem:s29], [sflag:$0x3] =	stream.linear.gather [hbm4b:s20+s8], $0x280, $0x38;
	[tilespmem:$0x1E480] =	vst v63  }
0x177: {  	_ =	swait.ge [sflag:s19], $0x50  }
0x178: {  	[sflag:s19] =	ssyncset.done $0x0  }
0x179: {  	[sflag:s19] =	ssyncadd.s32 $0xFFFFFFB0  }
0x17a: {  	v9 =	vld [tilespmem:$0xA300]  }
0x17b: {  	v10 =	vld [tilespmem:$0xA310]  }
0x17c: {  	v11 =	vld [tilespmem:$0xA320]  }
0x17d: {  	v12 =	vld [tilespmem:$0xA330]  }
0x17e: {  	v13 =	vld [tilespmem:$0xA340]  }
0x17f: {  	v9 =	vadd.s32 $0x7530, v9  }
0x180: {  	[tilespmem:$0xA400] =	vst v9;
	v9 =	vadd.s32 $0x7530, v10  }
0x181: {  	[tilespmem:$0xA410] =	vst v9;
	v9 =	vadd.s32 $0x7530, v11  }
0x182: {  	[tilespmem:$0xA420] =	vst v9;
	v9 =	vadd.s32 $0x7530, v12  }
0x183: {  	[tilespmem:$0xA430] =	vst v9;
	v9 =	vadd.s32 $0x7530, v13  }
0x184: {  	[tilespmem:$0xA440] =	vst v9  }
0x185: {  	[tilespmem:s31], [sflag:$0x1] =	stream.indirect.gather [hbm4b:s4+s26], $0x80, s30, s26, $0xb8;
	[tilespmem:$0x1E480] =	vst v63  }
0x186: {  	_ =	swait.ge [sflag:s19], $0x2800  }
0x187: {  	[sflag:s19] =	ssyncset.done $0x0  }
0x188: {  	[sflag:s19] =	ssyncadd.s32 $0xFFFFD800  }
0x189: {  	_ =	swait.ge [sflag:s25], $0x50  }
0x18a: {  	[sflag:s25] =	ssyncset.done $0x0  }
0x18b: {  	[sflag:s25] =	ssyncadd.s32 $0xFFFFFFB0  }
0x18c: {  	_ =	swait.ge [sflag:s0], $0x280  }
0x18d: {  	[sflag:s0] =	ssyncset.done $0x0  }
0x18e: {  	s20 =	simm.s32 $0x7840;
	[sflag:s0] =	ssyncadd.s32 $0xFFFFFD80  }
0x18f: {  	s23 =	simm.s32 $0x0;
	v14 =	vld [tilespmem:s20+$0x30]  }
0x190: {  	v11 =	vld [tilespmem:s23+$0xA000]  }
0x191: {  	v17 =	vld [tilespmem:s20+$0x10]  }
0x192: {  	v15 =	vld [tilespmem:s20+$0xFFFFFFC0]  }
0x193: {  	v19 =	vld [tilespmem:s20+$0xFFFFFFE0]  }
0x194: {  	v9 =	vld [tilespmem:s20+$0xFFFFFFF0]  }
0x195: {  	v12 =	vld [tilespmem:s20+$0x20];
	v10 =	vperm.xlane v11, v7;
	v11 =	vperm.xlane v11, v8  }
0x196: {  	v13 =	vld [tilespmem:s20+$0xFFFFFFD0]  }
0x197: {  	v18 =	vmul.f32 v14, v11;
	v14 =	vld [tilespmem:s20+$0x0]  }
0x198: {  	v16 =	vmul.f32 v15, v10  }
0x199: {  	s22 =	simm.s32 $0x7840;
	s21 =	simm.s32 $0x20;
	v15 =	vmul.f32 v19, v10;
	v17 =	vmul.f32 v17, v11  }
.LBB2_19:
0x19a: {  	p0 =	sne.s32 s21, $0x9E0  }
0x19b: {  	v13 =	vmul.f32 v13, v10;
	v12 =	vmul.f32 v12, v11;
	[tilespmem:s20+$0x30] =	vst v18;
	s22 =	sadd.s32 $0x80, s22;
	s23 =	smov.u32 s21;
	s21 =	sadd.s32 $0x20, s21  }
0x19c: {  	v9 =	vmul.f32 v9, v10;
	[tilespmem:s20+$0xFFFFFFC0] =	vst v16;
	v10 =	vmul.f32 v14, v11  }
0x19d: {  	[tilespmem:s20+$0x10] =	vst v17  }
0x19e: {  	[tilespmem:s20+$0xFFFFFFE0] =	vst v15  }
0x19f: {  	[tilespmem:s20+$0xFFFFFFF0] =	vst v9  }
0x1a0: {  	v9 =	vld [tilespmem:s22+$0xFFFFFFF0];
	[tilespmem:s20+$0x0] =	vst v10  }
0x1a1: {  	v15 =	vld [tilespmem:s22+$0x30];
	[tilespmem:s20+$0x20] =	vst v12  }
0x1a2: {  	s23 =	sshra.s32 s23, $0x2;
	v17 =	vld [tilespmem:s22+$0x10];
	[tilespmem:s20+$0xFFFFFFD0] =	vst v13;
	s20 =	smov.u32 s22  }
0x1a3: {  	v11 =	vld [tilespmem:s23+$0xA000]  }
0x1a4: {  	v16 =	vld [tilespmem:s22+$0xFFFFFFC0]  }
0x1a5: {  	v19 =	vld [tilespmem:s22+$0xFFFFFFE0]  }
0x1a6: {  	v12 =	vld [tilespmem:s22+$0x20]  }
.Ltmp8:
0x1a7: {  	v13 =	vld [tilespmem:s22+$0xFFFFFFD0];
	(pc) =	sbr.rel @p0 .LBB2_19-.Ltmp8, $3  }
0x1a8: {  	v10 =	vperm.xlane v11, v7;
	v11 =	vperm.xlane v11, v8;
	v14 =	vld [tilespmem:s22+$0x0];
	_ =	sdelay $0x1  }
0x1a9: {  	v16 =	vmul.f32 v16, v10;
	v18 =	vmul.f32 v15, v11  }
0x1aa: {  	v15 =	vmul.f32 v19, v10;
	v17 =	vmul.f32 v17, v11  }
0x1ab: {  	[tilespmem:s20+$0x30] =	vst v18  }
0x1ac: {  	[tilespmem:s20+$0xFFFFFFC0] =	vst v16  }
0x1ad: {  	v9 =	vmul.f32 v9, v10;
	[tilespmem:s20+$0x10] =	vst v17  }
0x1ae: {  	v14 =	vmul.f32 v14, v11;
	[tilespmem:s20+$0xFFFFFFE0] =	vst v15  }
0x1af: {  	v11 =	vmul.f32 v12, v11;
	[tilespmem:s20+$0xFFFFFFF0] =	vst v9  }
0x1b0: {  	s13 =	sadd.s32 $0x1, s13;
	v9 =	vmul.f32 v13, v10;
	[tilespmem:s20+$0x0] =	vst v14  }
0x1b1: {  	p0 =	sne.s32 s13, $0x7D;
	[tilespmem:s20+$0x20] =	vst v11  }
.Ltmp9:
0x1b2: {  	[tilespmem:s20+$0xFFFFFFD0] =	vst v9;
	(pc) =	sbr.rel @p0 .LBB2_18-.Ltmp9, $4  }
0x1b3: {  	[spmem:s2] =	stream.indirect.scatter.add.f32 [tilespmem:s31], [sflag:$0x4], $0x80, s18, s26, $0xb8;
	[tilespmem:$0x1E480] =	vst v63  }
0x1b4: {  	_ =	swait.ge [sflag:s15], $0x2800  }
0x1b5: {  	[sflag:s15] =	ssyncset.done $0x0  }
0x1b6: {  	[sflag:s15] =	ssyncadd.s32 $0xFFFFD800  }
0x1b7: {  	[bflag:$0x0] =	sbarrier.arrive $0xFFFF  }
0x1b8: {  	[hbm:s24], [sflag:s12] =	dma.local [spmem:s14], $0x2800  }
0x1b9: {  	_ =	swait.ge [sflag:s15], $0x2800  }
0x1ba: {  	s6 =	sadd.s32 $0x1, s6;
	s8 =	rddreg [dreg:$0x5]  }
0x1bb: {  	p0 =	sne.s32 s6, s8  }
.Ltmp10:
0x1bc: {  	_ = 	snop;
	(pc) =	sbr.rel @p0 .LBB2_1-.Ltmp10, $3  }
0x1bd: {  	[sflag:s15] =	ssyncset.done $0x0  }
0x1be: {  	[sflag:s15] =	ssyncadd.s32 $0xFFFFD800  }
0x1bf: {  	[bflag:$0x0] =	sbarrier.arrive $0xFFFF;
	_ =	sdelay $0x1  }
0x1c0: {  	_ =	sfence.sel $0x180000  }
0x1c1: {  	[bflag:$0x0] =	sbarrier.arrive $0xFFFF  }
0x1c2: {  	_ =	strace $0x90000047  }
0x1c3: {  	s0 =	stileid.u32;
	[bflag:$0x2] =	sbarrier.arrive $0xFFFF  }
0x1c4: {  	p0 =	sne.s32 s0, $0x0;
	s0 =	rddreg [dreg:$0x3]  }
0x1c5: {  	s0 =	sadd.s32 @!p0 $0x100000, s0  }
0x1c6: {  	[sflag:s0] =	ssyncadd.tile.s32 @!p0 $0x1;
	_ =	shalt  }
.Lfunc_end2:
_tile_overlayer_lowered:
.L_overlay_start_2:
0x1c7: {  	(tag) =	ssettag $0x2  }
0x1c8: {  	s0 =	rddreg [dreg:$0x0];
	s2 =	stileid.u32  }
0x1c9: {  	s1 =	rddreg [dreg:$0x1];
	p0 =	sne.s32 s2, $0x0  }
0x1ca: {  	s3 =	rddreg [dreg:$0x2];
	[bflag:$0x3] =	sbarrier.arrive $0xFFFF;
	s2 =	simm.s32 @!p0 $0x1C04  }
0x1cb: {  	[timem:s3], [sflag:s2] =	dma.local @!p0 [hbm:s0], s1  }
0x1cc: {  	s0 =	simm.s32 @!p0 $0x4  }
0x1cd: {  	_ =	swait.ge @!p0 [sflag:s0], s1  }
0x1ce: {  	s1 =	ssub.s32 @!p0 $0x0, s1;
	[sflag:s0] =	ssyncset.done @!p0 $0x0  }
0x1cf: {  	[sflag:s0] =	ssyncadd.s32 @!p0 s1  }
0x1d0: {  	[bflag:$0x3] =	sbarrier.arrive $0xFFFF  }
0x1d1: {  	_ =	shalt  }

</sc_bundles>
